<compile_context>
chip_gen: v7x
topology: tpu7x:2x2x1
jax: 0.10.2.dev20260603
libtpu: 0.0.44.dev20260713+nightly
codegen_flags: <defaults>
</compile_context>

<pallas_src>
import functools

import jax
import jax.numpy as jnp
from jax import lax
from jax.experimental import pallas as pl
from jax.experimental.pallas import tpu as pltpu
from jax.experimental.pallas import tpu_sc as plsc

B = 16384
F = 128
C = 128
NBUF = 3


def _dot_chunk(p_ref, q_ref, tmp_ref, out_ref, out_base):
    lanes = lax.iota(jnp.int32, 16)
    perms = [lanes ^ s for s in (8, 4, 2, 1)]
    lane_eq = [lanes == l for l in range(1, 16)]

    @plsc.parallel_loop(0, C, unroll=4)
    def row(r):
        prods = [p_ref[r, pl.ds(c * 16, 16)] * q_ref[r, pl.ds(c * 16, 16)]
                 for c in range(F // 16)]
        while len(prods) > 1:
            prods = [a + b for a, b in zip(prods[::2], prods[1::2])]
        acc = prods[0]
        for perm in perms:
            acc = acc + acc.at[perm].get(mode="promise_in_bounds",
                                         unique_indices=True)
        tmp_ref[r, pl.ds(0, 16)] = acc

    @plsc.parallel_loop(0, C // 16, unroll=2)
    def compact(g):
        res = tmp_ref[g * 16, pl.ds(0, 16)]
        for l in range(1, 16):
            res = jnp.where(lane_eq[l - 1], tmp_ref[g * 16 + l, pl.ds(0, 16)],
                            res)
        out_ref[pl.ds(out_base + g * 16, 16)] = res


def kernel(u_idx, i_idx, P, Q):
    info = plsc.get_sparse_core_info()
    nc, ns = info.num_cores, info.num_subcores
    nw = nc * ns
    bpw = B // nw
    nch = bpw // C

    mesh = plsc.VectorSubcoreMesh(core_axis_name="c", subcore_axis_name="s")

    @functools.partial(
        pl.kernel,
        mesh=mesh,
        out_type=jax.ShapeDtypeStruct((B,), jnp.float32),
        scratch_types=[
            pltpu.VMEM((bpw,), jnp.int32),
            pltpu.VMEM((bpw,), jnp.int32),
            pltpu.VMEM((NBUF, C, F), jnp.float32),
            pltpu.VMEM((NBUF, C, F), jnp.float32),
            pltpu.VMEM((C, 16), jnp.float32),
            pltpu.VMEM((bpw,), jnp.float32),
            pltpu.SemaphoreType.DMA,
            pltpu.SemaphoreType.DMA,
            pltpu.SemaphoreType.DMA,
            pltpu.SemaphoreType.DMA,
        ],
    )
    def run(u_hbm, i_hbm, p_hbm, q_hbm, out_hbm, u_v, i_v, p_buf, q_buf,
            tmp_v, out_v, idx_sem, sem0, sem1, sem2):
        sems = [sem0, sem1, sem2]
        wid = lax.axis_index("s") * nc + lax.axis_index("c")
        base = wid * bpw

        cp_u0 = pltpu.async_copy(u_hbm.at[pl.ds(base, C)],
                                 u_v.at[pl.ds(0, C)], idx_sem)
        cp_i0 = pltpu.async_copy(i_hbm.at[pl.ds(base, C)],
                                 i_v.at[pl.ds(0, C)], idx_sem)
        cp_u1 = pltpu.async_copy(u_hbm.at[pl.ds(base + C, bpw - C)],
                                 u_v.at[pl.ds(C, bpw - C)], idx_sem)
        cp_i1 = pltpu.async_copy(i_hbm.at[pl.ds(base + C, bpw - C)],
                                 i_v.at[pl.ds(C, bpw - C)], idx_sem)
        cp_u0.wait()
        cp_i0.wait()

        def start_chunk(ch):
            b = ch % NBUF
            cp_p = pltpu.async_copy(
                p_hbm.at[u_v.at[pl.ds(ch * C, C)]], p_buf.at[b], sems[b])
            cp_q = pltpu.async_copy(
                q_hbm.at[i_v.at[pl.ds(ch * C, C)]], q_buf.at[b], sems[b])
            return cp_p, cp_q

        pending = [start_chunk(0), None, None]
        cp_u1.wait()
        cp_i1.wait()
        pending[1] = start_chunk(1)
        out_cps = []
        for ch in range(nch):
            cp_p, cp_q = pending[ch % NBUF]
            cp_p.wait()
            cp_q.wait()
            if ch + 2 < nch:
                pending[(ch + 2) % NBUF] = start_chunk(ch + 2)
            _dot_chunk(p_buf.at[ch % NBUF], q_buf.at[ch % NBUF], tmp_v, out_v,
                       ch * C)
            out_cps.append(pltpu.async_copy(
                out_v.at[pl.ds(ch * C, C)],
                out_hbm.at[pl.ds(base + ch * C, C)], idx_sem))

        for cp in out_cps:
            cp.wait()

    return run(u_idx, i_idx, P, Q)

# --- scband reference (transcript-rebuilt; emitter-appended) ---
"""Pipeline reference for scband-mfmodel-37460704756172 (READ-ONLY COPY).

The authoritative reference and input builder live on the scoring server;
editing this copy changes nothing except your own understanding.
"""

import jax, jax.numpy as jnp
import numpy as np

N = 100000
F = 128
B = 16384

def setup_inputs(seed: int = 0) -> dict:
    key = jax.random.key(seed)
    k1, k2, k3, k4 = jax.random.split(key, 4)
    u_idx = jax.random.randint(k1, (B,), 0, N, dtype=jnp.int64) if jax.config.jax_enable_x64 else jax.random.randint(k1, (B,), 0, N, dtype=jnp.int32)
    i_idx = jax.random.randint(k2, (B,), 0, N, dtype=jnp.int64) if jax.config.jax_enable_x64 else jax.random.randint(k2, (B,), 0, N, dtype=jnp.int32)
    P = jax.random.normal(k3, (N, F), dtype=jnp.float32) * 0.01
    Q = jax.random.normal(k4, (N, F), dtype=jnp.float32) * 0.01
    return {"u_idx": u_idx, "i_idx": i_idx, "P": P, "Q": Q}

def reference(u_idx, i_idx, P, Q):
    # r_hat_ui = q_i^T p_u, computed per-example over the batch
    p_u = jnp.take(P, u_idx, axis=0)  # [B, F] gather
    q_i = jnp.take(Q, i_idx, axis=0)  # [B, F] gather
    return (p_u * q_i).sum(axis=-1)   # [B]

if __name__ == "__main__":
    import jax
    _d = setup_inputs()
    print(jax.jit(kernel)(*tuple(_d.values())))

</pallas_src>

<mosaic_0001>
#map = affine_map<(d0, d1) -> (0)>
#map1 = affine_map<(d0, d1) -> (0, 0)>
module attributes {stable_mosaic.version = 14 : i64} {
  func.func @run(%arg0: i32, %arg1: i32, %arg2: memref<16384xi32, #tpu.memory_space<hbm>>, %arg3: memref<16384xi32, #tpu.memory_space<hbm>>, %arg4: memref<100000x128xf32, #tpu.memory_space<hbm>>, %arg5: memref<100000x128xf32, #tpu.memory_space<hbm>>, %arg6: memref<16384xf32, #tpu.memory_space<hbm>>, %arg7: memref<512xi32, #tpu.memory_space<vmem>>, %arg8: memref<512xi32, #tpu.memory_space<vmem>>, %arg9: memref<3x128x128xf32, #tpu.memory_space<vmem>>, %arg10: memref<3x128x128xf32, #tpu.memory_space<vmem>>, %arg11: memref<128x16xf32, #tpu.memory_space<vmem>>, %arg12: memref<512xf32, #tpu.memory_space<vmem>>, %arg13: memref<!tpu.dma_semaphore, #tpu.memory_space<semaphore_mem>>, %arg14: memref<!tpu.dma_semaphore, #tpu.memory_space<semaphore_mem>>, %arg15: memref<!tpu.dma_semaphore, #tpu.memory_space<semaphore_mem>>, %arg16: memref<!tpu.dma_semaphore, #tpu.memory_space<semaphore_mem>>) attributes {dimension_semantics = [#tpu.dimension_semantics<core_parallel>, #tpu.dimension_semantics<subcore_parallel>], iteration_bounds = array<i64: 2, 16>, scalar_prefetch = 0 : i64, scratch_operands = 10 : i64, tpu.core_type = #tpu.core_type<sc_vector_subcore>, window_params = [{transform_indices = #map}, {transform_indices = #map}, {transform_indices = #map1}, {transform_indices = #map1}, {transform_indices = #map}]} {
    %mul3A = arith.constant 2 : i32
    %mul3A_0 = arith.muli %arg1, %mul3A : i32
    %add3A = arith.addi %mul3A_0, %arg0 : i32
    %mul3A_1 = arith.constant 512 : i32
    %mul3A_2 = arith.muli %add3A, %mul3A_1 : i32
    %dma_start3A = arith.constant 0 : i32
    %dma_start3A_3 = tpu.memref_slice %arg7[%dma_start3A] : memref<512xi32, #tpu.memory_space<vmem>> -> memref<128xi32, #tpu.memory_space<vmem>>
    %dma_start3A_4 = tpu.memref_slice %arg2[%mul3A_2] : memref<16384xi32, #tpu.memory_space<hbm>> -> memref<128xi32, #tpu.memory_space<hbm>>
    %dma_start3A_5 = arith.constant 0 : i32
    %dma_start3A_6 = tpu.memref_slice %arg7[%dma_start3A_5] : memref<512xi32, #tpu.memory_space<vmem>> -> memref<128xi32, #tpu.memory_space<vmem>>
    %dma_start3A_7 = tpu.memref_slice %arg2[%mul3A_2] : memref<16384xi32, #tpu.memory_space<hbm>> -> memref<128xi32, #tpu.memory_space<hbm>>
    tpu.enqueue_dma source(%dma_start3A_7 : memref<128xi32, #tpu.memory_space<hbm>>) target(%dma_start3A_6 : memref<128xi32, #tpu.memory_space<vmem>>) target_semaphore(%arg13 : memref<!tpu.dma_semaphore, #tpu.memory_space<semaphore_mem>>)
    %dma_start3A_8 = arith.constant 0 : i32
    %dma_start3A_9 = tpu.memref_slice %arg8[%dma_start3A_8] : memref<512xi32, #tpu.memory_space<vmem>> -> memref<128xi32, #tpu.memory_space<vmem>>
    %dma_start3A_10 = tpu.memref_slice %arg3[%mul3A_2] : memref<16384xi32, #tpu.memory_space<hbm>> -> memref<128xi32, #tpu.memory_space<hbm>>
    %dma_start3A_11 = arith.constant 0 : i32
    %dma_start3A_12 = tpu.memref_slice %arg8[%dma_start3A_11] : memref<512xi32, #tpu.memory_space<vmem>> -> memref<128xi32, #tpu.memory_space<vmem>>
    %dma_start3A_13 = tpu.memref_slice %arg3[%mul3A_2] : memref<16384xi32, #tpu.memory_space<hbm>> -> memref<128xi32, #tpu.memory_space<hbm>>
    tpu.enqueue_dma source(%dma_start3A_13 : memref<128xi32, #tpu.memory_space<hbm>>) target(%dma_start3A_12 : memref<128xi32, #tpu.memory_space<vmem>>) target_semaphore(%arg13 : memref<!tpu.dma_semaphore, #tpu.memory_space<semaphore_mem>>)
    %add3A_14 = arith.constant 128 : i32
    %add3A_15 = arith.addi %mul3A_2, %add3A_14 : i32
    %dma_start3A_16 = arith.constant 128 : i32
    %dma_start3A_17 = tpu.memref_slice %arg7[%dma_start3A_16] : memref<512xi32, #tpu.memory_space<vmem>> -> memref<384xi32, #tpu.memory_space<vmem>>
    %dma_start3A_18 = tpu.memref_slice %arg2[%add3A_15] : memref<16384xi32, #tpu.memory_space<hbm>> -> memref<384xi32, #tpu.memory_space<hbm>>
    %dma_start3A_19 = arith.constant 128 : i32
    %dma_start3A_20 = tpu.memref_slice %arg7[%dma_start3A_19] : memref<512xi32, #tpu.memory_space<vmem>> -> memref<384xi32, #tpu.memory_space<vmem>>
    %dma_start3A_21 = tpu.memref_slice %arg2[%add3A_15] : memref<16384xi32, #tpu.memory_space<hbm>> -> memref<384xi32, #tpu.memory_space<hbm>>
    tpu.enqueue_dma source(%dma_start3A_21 : memref<384xi32, #tpu.memory_space<hbm>>) target(%dma_start3A_20 : memref<384xi32, #tpu.memory_space<vmem>>) target_semaphore(%arg13 : memref<!tpu.dma_semaphore, #tpu.memory_space<semaphore_mem>>)
    %add3A_22 = arith.constant 128 : i32
    %add3A_23 = arith.addi %mul3A_2, %add3A_22 : i32
    %dma_start3A_24 = arith.constant 128 : i32
    %dma_start3A_25 = tpu.memref_slice %arg8[%dma_start3A_24] : memref<512xi32, #tpu.memory_space<vmem>> -> memref<384xi32, #tpu.memory_space<vmem>>
    %dma_start3A_26 = tpu.memref_slice %arg3[%add3A_23] : memref<16384xi32, #tpu.memory_space<hbm>> -> memref<384xi32, #tpu.memory_space<hbm>>
    %dma_start3A_27 = arith.constant 128 : i32
    %dma_start3A_28 = tpu.memref_slice %arg8[%dma_start3A_27] : memref<512xi32, #tpu.memory_space<vmem>> -> memref<384xi32, #tpu.memory_space<vmem>>
    %dma_start3A_29 = tpu.memref_slice %arg3[%add3A_23] : memref<16384xi32, #tpu.memory_space<hbm>> -> memref<384xi32, #tpu.memory_space<hbm>>
    tpu.enqueue_dma source(%dma_start3A_29 : memref<384xi32, #tpu.memory_space<hbm>>) target(%dma_start3A_28 : memref<384xi32, #tpu.memory_space<vmem>>) target_semaphore(%arg13 : memref<!tpu.dma_semaphore, #tpu.memory_space<semaphore_mem>>)
    %dma_wait3A = arith.constant 0 : i32
    %dma_wait3A_30 = tpu.memref_slice %arg7[%dma_wait3A] : memref<512xi32, #tpu.memory_space<vmem>> -> memref<128xi32, #tpu.memory_space<vmem>>
    %dma_wait3A_31 = tpu.memref_slice %arg2[%mul3A_2] : memref<16384xi32, #tpu.memory_space<hbm>> -> memref<128xi32, #tpu.memory_space<hbm>>
    %dma_wait3A_32 = arith.constant 0 : i32
    %dma_wait3A_33 = tpu.memref_slice %arg7[%dma_wait3A_32] : memref<512xi32, #tpu.memory_space<vmem>> -> memref<128xi32, #tpu.memory_space<vmem>>
    %dma_wait3A_34 = tpu.memref_slice %arg2[%mul3A_2] : memref<16384xi32, #tpu.memory_space<hbm>> -> memref<128xi32, #tpu.memory_space<hbm>>
    tpu.wait_dma2 semaphore(%arg13 : memref<!tpu.dma_semaphore, #tpu.memory_space<semaphore_mem>>) src(%dma_wait3A_34 : memref<128xi32, #tpu.memory_space<hbm>>) dst(%dma_wait3A_33 : memref<128xi32, #tpu.memory_space<vmem>>)
    %dma_wait3A_35 = arith.constant 0 : i32
    %dma_wait3A_36 = tpu.memref_slice %arg8[%dma_wait3A_35] : memref<512xi32, #tpu.memory_space<vmem>> -> memref<128xi32, #tpu.memory_space<vmem>>
    %dma_wait3A_37 = tpu.memref_slice %arg3[%mul3A_2] : memref<16384xi32, #tpu.memory_space<hbm>> -> memref<128xi32, #tpu.memory_space<hbm>>
    %dma_wait3A_38 = arith.constant 0 : i32
    %dma_wait3A_39 = tpu.memref_slice %arg8[%dma_wait3A_38] : memref<512xi32, #tpu.memory_space<vmem>> -> memref<128xi32, #tpu.memory_space<vmem>>
    %dma_wait3A_40 = tpu.memref_slice %arg3[%mul3A_2] : memref<16384xi32, #tpu.memory_space<hbm>> -> memref<128xi32, #tpu.memory_space<hbm>>
    tpu.wait_dma2 semaphore(%arg13 : memref<!tpu.dma_semaphore, #tpu.memory_space<semaphore_mem>>) src(%dma_wait3A_40 : memref<128xi32, #tpu.memory_space<hbm>>) dst(%dma_wait3A_39 : memref<128xi32, #tpu.memory_space<vmem>>)
    %dma_start3A_41 = arith.constant 0 : i32
    %dma_start3A_42 = arith.constant 0 : i32
    %dma_start3A_43 = arith.constant 0 : i32
    %dma_start3A_44 = tpu.memref_slice %arg9[%dma_start3A_41, %dma_start3A_42, %dma_start3A_43] : memref<3x128x128xf32, #tpu.memory_space<vmem>> -> memref<1x128x128xf32, #tpu.memory_space<vmem>>
    %dma_start3A_45 = tpu.memref_squeeze %dma_start3A_44 : memref<1x128x128xf32, #tpu.memory_space<vmem>> -> memref<128x128xf32, #tpu.memory_space<vmem>>
    %dma_start3A_46 = arith.constant 0 : i32
    %dma_start3A_47 = tpu.memref_slice %arg7[%dma_start3A_46] : memref<512xi32, #tpu.memory_space<vmem>> -> memref<128xi32, #tpu.memory_space<vmem>>
    %dma_start3A_48 = arith.constant 0 : i32
    %dma_start3A_49 = arith.constant 0 : i32
    %dma_start3A_50 = tpu.memref_slice %arg4[%dma_start3A_48, %dma_start3A_49] : memref<100000x128xf32, #tpu.memory_space<hbm>> -> memref<100000x128xf32, #tpu.memory_space<hbm>>
    tpu.enqueue_indirect_dma source(%dma_start3A_50 : memref<100000x128xf32, #tpu.memory_space<hbm>>) target(%dma_start3A_45 : memref<128x128xf32, #tpu.memory_space<vmem>>) offsets(%dma_start3A_47 : memref<128xi32, #tpu.memory_space<vmem>>) semaphore(%arg14 : memref<!tpu.dma_semaphore, #tpu.memory_space<semaphore_mem>>)
    %dma_start3A_51 = arith.constant 0 : i32
    %dma_start3A_52 = arith.constant 0 : i32
    %dma_start3A_53 = arith.constant 0 : i32
    %dma_start3A_54 = tpu.memref_slice %arg10[%dma_start3A_51, %dma_start3A_52, %dma_start3A_53] : memref<3x128x128xf32, #tpu.memory_space<vmem>> -> memref<1x128x128xf32, #tpu.memory_space<vmem>>
    %dma_start3A_55 = tpu.memref_squeeze %dma_start3A_54 : memref<1x128x128xf32, #tpu.memory_space<vmem>> -> memref<128x128xf32, #tpu.memory_space<vmem>>
    %dma_start3A_56 = arith.constant 0 : i32
    %dma_start3A_57 = tpu.memref_slice %arg8[%dma_start3A_56] : memref<512xi32, #tpu.memory_space<vmem>> -> memref<128xi32, #tpu.memory_space<vmem>>
    %dma_start3A_58 = arith.constant 0 : i32
    %dma_start3A_59 = arith.constant 0 : i32
    %dma_start3A_60 = tpu.memref_slice %arg5[%dma_start3A_58, %dma_start3A_59] : memref<100000x128xf32, #tpu.memory_space<hbm>> -> memref<100000x128xf32, #tpu.memory_space<hbm>>
    tpu.enqueue_indirect_dma source(%dma_start3A_60 : memref<100000x128xf32, #tpu.memory_space<hbm>>) target(%dma_start3A_55 : memref<128x128xf32, #tpu.memory_space<vmem>>) offsets(%dma_start3A_57 : memref<128xi32, #tpu.memory_space<vmem>>) semaphore(%arg14 : memref<!tpu.dma_semaphore, #tpu.memory_space<semaphore_mem>>)
    %dma_wait3A_61 = arith.constant 128 : i32
    %dma_wait3A_62 = tpu.memref_slice %arg7[%dma_wait3A_61] : memref<512xi32, #tpu.memory_space<vmem>> -> memref<384xi32, #tpu.memory_space<vmem>>
    %dma_wait3A_63 = tpu.memref_slice %arg2[%add3A_15] : memref<16384xi32, #tpu.memory_space<hbm>> -> memref<384xi32, #tpu.memory_space<hbm>>
    %dma_wait3A_64 = arith.constant 128 : i32
    %dma_wait3A_65 = tpu.memref_slice %arg7[%dma_wait3A_64] : memref<512xi32, #tpu.memory_space<vmem>> -> memref<384xi32, #tpu.memory_space<vmem>>
    %dma_wait3A_66 = tpu.memref_slice %arg2[%add3A_15] : memref<16384xi32, #tpu.memory_space<hbm>> -> memref<384xi32, #tpu.memory_space<hbm>>
    tpu.wait_dma2 semaphore(%arg13 : memref<!tpu.dma_semaphore, #tpu.memory_space<semaphore_mem>>) src(%dma_wait3A_66 : memref<384xi32, #tpu.memory_space<hbm>>) dst(%dma_wait3A_65 : memref<384xi32, #tpu.memory_space<vmem>>)
    %dma_wait3A_67 = arith.constant 128 : i32
    %dma_wait3A_68 = tpu.memref_slice %arg8[%dma_wait3A_67] : memref<512xi32, #tpu.memory_space<vmem>> -> memref<384xi32, #tpu.memory_space<vmem>>
    %dma_wait3A_69 = tpu.memref_slice %arg3[%add3A_23] : memref<16384xi32, #tpu.memory_space<hbm>> -> memref<384xi32, #tpu.memory_space<hbm>>
    %dma_wait3A_70 = arith.constant 128 : i32
    %dma_wait3A_71 = tpu.memref_slice %arg8[%dma_wait3A_70] : memref<512xi32, #tpu.memory_space<vmem>> -> memref<384xi32, #tpu.memory_space<vmem>>
    %dma_wait3A_72 = tpu.memref_slice %arg3[%add3A_23] : memref<16384xi32, #tpu.memory_space<hbm>> -> memref<384xi32, #tpu.memory_space<hbm>>
    tpu.wait_dma2 semaphore(%arg13 : memref<!tpu.dma_semaphore, #tpu.memory_space<semaphore_mem>>) src(%dma_wait3A_72 : memref<384xi32, #tpu.memory_space<hbm>>) dst(%dma_wait3A_71 : memref<384xi32, #tpu.memory_space<vmem>>)
    %dma_start3A_73 = arith.constant 1 : i32
    %dma_start3A_74 = arith.constant 0 : i32
    %dma_start3A_75 = arith.constant 0 : i32
    %dma_start3A_76 = tpu.memref_slice %arg9[%dma_start3A_73, %dma_start3A_74, %dma_start3A_75] : memref<3x128x128xf32, #tpu.memory_space<vmem>> -> memref<1x128x128xf32, #tpu.memory_space<vmem>>
    %dma_start3A_77 = tpu.memref_squeeze %dma_start3A_76 : memref<1x128x128xf32, #tpu.memory_space<vmem>> -> memref<128x128xf32, #tpu.memory_space<vmem>>
    %dma_start3A_78 = arith.constant 128 : i32
    %dma_start3A_79 = tpu.memref_slice %arg7[%dma_start3A_78] : memref<512xi32, #tpu.memory_space<vmem>> -> memref<128xi32, #tpu.memory_space<vmem>>
    %dma_start3A_80 = arith.constant 0 : i32
    %dma_start3A_81 = arith.constant 0 : i32
    %dma_start3A_82 = tpu.memref_slice %arg4[%dma_start3A_80, %dma_start3A_81] : memref<100000x128xf32, #tpu.memory_space<hbm>> -> memref<100000x128xf32, #tpu.memory_space<hbm>>
    tpu.enqueue_indirect_dma source(%dma_start3A_82 : memref<100000x128xf32, #tpu.memory_space<hbm>>) target(%dma_start3A_77 : memref<128x128xf32, #tpu.memory_space<vmem>>) offsets(%dma_start3A_79 : memref<128xi32, #tpu.memory_space<vmem>>) semaphore(%arg15 : memref<!tpu.dma_semaphore, #tpu.memory_space<semaphore_mem>>)
    %dma_start3A_83 = arith.constant 1 : i32
    %dma_start3A_84 = arith.constant 0 : i32
    %dma_start3A_85 = arith.constant 0 : i32
    %dma_start3A_86 = tpu.memref_slice %arg10[%dma_start3A_83, %dma_start3A_84, %dma_start3A_85] : memref<3x128x128xf32, #tpu.memory_space<vmem>> -> memref<1x128x128xf32, #tpu.memory_space<vmem>>
    %dma_start3A_87 = tpu.memref_squeeze %dma_start3A_86 : memref<1x128x128xf32, #tpu.memory_space<vmem>> -> memref<128x128xf32, #tpu.memory_space<vmem>>
    %dma_start3A_88 = arith.constant 128 : i32
    %dma_start3A_89 = tpu.memref_slice %arg8[%dma_start3A_88] : memref<512xi32, #tpu.memory_space<vmem>> -> memref<128xi32, #tpu.memory_space<vmem>>
    %dma_start3A_90 = arith.constant 0 : i32
    %dma_start3A_91 = arith.constant 0 : i32
    %dma_start3A_92 = tpu.memref_slice %arg5[%dma_start3A_90, %dma_start3A_91] : memref<100000x128xf32, #tpu.memory_space<hbm>> -> memref<100000x128xf32, #tpu.memory_space<hbm>>
    tpu.enqueue_indirect_dma source(%dma_start3A_92 : memref<100000x128xf32, #tpu.memory_space<hbm>>) target(%dma_start3A_87 : memref<128x128xf32, #tpu.memory_space<vmem>>) offsets(%dma_start3A_89 : memref<128xi32, #tpu.memory_space<vmem>>) semaphore(%arg15 : memref<!tpu.dma_semaphore, #tpu.memory_space<semaphore_mem>>)
    %dma_wait3A_93 = arith.constant 0 : i32
    %dma_wait3A_94 = arith.constant 0 : i32
    %dma_wait3A_95 = arith.constant 0 : i32
    %dma_wait3A_96 = tpu.memref_slice %arg9[%dma_wait3A_93, %dma_wait3A_94, %dma_wait3A_95] : memref<3x128x128xf32, #tpu.memory_space<vmem>> -> memref<1x128x128xf32, #tpu.memory_space<vmem>>
    %dma_wait3A_97 = tpu.memref_squeeze %dma_wait3A_96 : memref<1x128x128xf32, #tpu.memory_space<vmem>> -> memref<128x128xf32, #tpu.memory_space<vmem>>
    %dma_wait3A_98 = arith.constant 0 : i32
    %dma_wait3A_99 = tpu.memref_slice %arg7[%dma_wait3A_98] : memref<512xi32, #tpu.memory_space<vmem>> -> memref<128xi32, #tpu.memory_space<vmem>>
    %dma_wait3A_100 = arith.constant 0 : i32
    %dma_wait3A_101 = arith.constant 0 : i32
    %dma_wait3A_102 = tpu.memref_slice %arg4[%dma_wait3A_100, %dma_wait3A_101] : memref<100000x128xf32, #tpu.memory_space<hbm>> -> memref<100000x128xf32, #tpu.memory_space<hbm>>
    tpu.wait_indirect_dma semaphore(%arg14 : memref<!tpu.dma_semaphore, #tpu.memory_space<semaphore_mem>>) src(%dma_wait3A_102 : memref<100000x128xf32, #tpu.memory_space<hbm>>) dst(%dma_wait3A_97 : memref<128x128xf32, #tpu.memory_space<vmem>>)
    %dma_wait3A_103 = arith.constant 0 : i32
    %dma_wait3A_104 = arith.constant 0 : i32
    %dma_wait3A_105 = arith.constant 0 : i32
    %dma_wait3A_106 = tpu.memref_slice %arg10[%dma_wait3A_103, %dma_wait3A_104, %dma_wait3A_105] : memref<3x128x128xf32, #tpu.memory_space<vmem>> -> memref<1x128x128xf32, #tpu.memory_space<vmem>>
    %dma_wait3A_107 = tpu.memref_squeeze %dma_wait3A_106 : memref<1x128x128xf32, #tpu.memory_space<vmem>> -> memref<128x128xf32, #tpu.memory_space<vmem>>
    %dma_wait3A_108 = arith.constant 0 : i32
    %dma_wait3A_109 = tpu.memref_slice %arg8[%dma_wait3A_108] : memref<512xi32, #tpu.memory_space<vmem>> -> memref<128xi32, #tpu.memory_space<vmem>>
    %dma_wait3A_110 = arith.constant 0 : i32
    %dma_wait3A_111 = arith.constant 0 : i32
    %dma_wait3A_112 = tpu.memref_slice %arg5[%dma_wait3A_110, %dma_wait3A_111] : memref<100000x128xf32, #tpu.memory_space<hbm>> -> memref<100000x128xf32, #tpu.memory_space<hbm>>
    tpu.wait_indirect_dma semaphore(%arg14 : memref<!tpu.dma_semaphore, #tpu.memory_space<semaphore_mem>>) src(%dma_wait3A_112 : memref<100000x128xf32, #tpu.memory_space<hbm>>) dst(%dma_wait3A_107 : memref<128x128xf32, #tpu.memory_space<vmem>>)
    %dma_start3A_113 = arith.constant 2 : i32
    %dma_start3A_114 = arith.constant 0 : i32
    %dma_start3A_115 = arith.constant 0 : i32
    %dma_start3A_116 = tpu.memref_slice %arg9[%dma_start3A_113, %dma_start3A_114, %dma_start3A_115] : memref<3x128x128xf32, #tpu.memory_space<vmem>> -> memref<1x128x128xf32, #tpu.memory_space<vmem>>
    %dma_start3A_117 = tpu.memref_squeeze %dma_start3A_116 : memref<1x128x128xf32, #tpu.memory_space<vmem>> -> memref<128x128xf32, #tpu.memory_space<vmem>>
    %dma_start3A_118 = arith.constant 256 : i32
    %dma_start3A_119 = tpu.memref_slice %arg7[%dma_start3A_118] : memref<512xi32, #tpu.memory_space<vmem>> -> memref<128xi32, #tpu.memory_space<vmem>>
    %dma_start3A_120 = arith.constant 0 : i32
    %dma_start3A_121 = arith.constant 0 : i32
    %dma_start3A_122 = tpu.memref_slice %arg4[%dma_start3A_120, %dma_start3A_121] : memref<100000x128xf32, #tpu.memory_space<hbm>> -> memref<100000x128xf32, #tpu.memory_space<hbm>>
    tpu.enqueue_indirect_dma source(%dma_start3A_122 : memref<100000x128xf32, #tpu.memory_space<hbm>>) target(%dma_start3A_117 : memref<128x128xf32, #tpu.memory_space<vmem>>) offsets(%dma_start3A_119 : memref<128xi32, #tpu.memory_space<vmem>>) semaphore(%arg16 : memref<!tpu.dma_semaphore, #tpu.memory_space<semaphore_mem>>)
    %dma_start3A_123 = arith.constant 2 : i32
    %dma_start3A_124 = arith.constant 0 : i32
    %dma_start3A_125 = arith.constant 0 : i32
    %dma_start3A_126 = tpu.memref_slice %arg10[%dma_start3A_123, %dma_start3A_124, %dma_start3A_125] : memref<3x128x128xf32, #tpu.memory_space<vmem>> -> memref<1x128x128xf32, #tpu.memory_space<vmem>>
    %dma_start3A_127 = tpu.memref_squeeze %dma_start3A_126 : memref<1x128x128xf32, #tpu.memory_space<vmem>> -> memref<128x128xf32, #tpu.memory_space<vmem>>
    %dma_start3A_128 = arith.constant 256 : i32
    %dma_start3A_129 = tpu.memref_slice %arg8[%dma_start3A_128] : memref<512xi32, #tpu.memory_space<vmem>> -> memref<128xi32, #tpu.memory_space<vmem>>
    %dma_start3A_130 = arith.constant 0 : i32
    %dma_start3A_131 = arith.constant 0 : i32
    %dma_start3A_132 = tpu.memref_slice %arg5[%dma_start3A_130, %dma_start3A_131] : memref<100000x128xf32, #tpu.memory_space<hbm>> -> memref<100000x128xf32, #tpu.memory_space<hbm>>
    tpu.enqueue_indirect_dma source(%dma_start3A_132 : memref<100000x128xf32, #tpu.memory_space<hbm>>) target(%dma_start3A_127 : memref<128x128xf32, #tpu.memory_space<vmem>>) offsets(%dma_start3A_129 : memref<128xi32, #tpu.memory_space<vmem>>) semaphore(%arg16 : memref<!tpu.dma_semaphore, #tpu.memory_space<semaphore_mem>>)
    %iota3A = tpu.iota {dimensions = array<i32: 0>} : vector<16xi32>
    %xor3A = arith.constant 8 : i32
    %xor3A_133 = vector.broadcast %xor3A : i32 to vector<16xi32>
    %xor3A_134 = arith.xori %iota3A, %xor3A_133 : vector<16xi32>
    %xor3A_135 = arith.constant 4 : i32
    %xor3A_136 = vector.broadcast %xor3A_135 : i32 to vector<16xi32>
    %xor3A_137 = arith.xori %iota3A, %xor3A_136 : vector<16xi32>
    %xor3A_138 = arith.constant 2 : i32
    %xor3A_139 = vector.broadcast %xor3A_138 : i32 to vector<16xi32>
    %xor3A_140 = arith.xori %iota3A, %xor3A_139 : vector<16xi32>
    %xor3A_141 = arith.constant 1 : i32
    %xor3A_142 = vector.broadcast %xor3A_141 : i32 to vector<16xi32>
    %xor3A_143 = arith.xori %iota3A, %xor3A_142 : vector<16xi32>
    %eq3A = arith.constant 1 : i32
    %eq3A_144 = vector.broadcast %eq3A : i32 to vector<16xi32>
    %eq3A_145 = arith.cmpi eq, %iota3A, %eq3A_144 : vector<16xi32>
    %eq3A_146 = arith.constant 2 : i32
    %eq3A_147 = vector.broadcast %eq3A_146 : i32 to vector<16xi32>
    %eq3A_148 = arith.cmpi eq, %iota3A, %eq3A_147 : vector<16xi32>
    %eq3A_149 = arith.constant 3 : i32
    %eq3A_150 = vector.broadcast %eq3A_149 : i32 to vector<16xi32>
    %eq3A_151 = arith.cmpi eq, %iota3A, %eq3A_150 : vector<16xi32>
    %eq3A_152 = arith.constant 4 : i32
    %eq3A_153 = vector.broadcast %eq3A_152 : i32 to vector<16xi32>
    %eq3A_154 = arith.cmpi eq, %iota3A, %eq3A_153 : vector<16xi32>
    %eq3A_155 = arith.constant 5 : i32
    %eq3A_156 = vector.broadcast %eq3A_155 : i32 to vector<16xi32>
    %eq3A_157 = arith.cmpi eq, %iota3A, %eq3A_156 : vector<16xi32>
    %eq3A_158 = arith.constant 6 : i32
    %eq3A_159 = vector.broadcast %eq3A_158 : i32 to vector<16xi32>
    %eq3A_160 = arith.cmpi eq, %iota3A, %eq3A_159 : vector<16xi32>
    %eq3A_161 = arith.constant 7 : i32
    %eq3A_162 = vector.broadcast %eq3A_161 : i32 to vector<16xi32>
    %eq3A_163 = arith.cmpi eq, %iota3A, %eq3A_162 : vector<16xi32>
    %eq3A_164 = arith.constant 8 : i32
    %eq3A_165 = vector.broadcast %eq3A_164 : i32 to vector<16xi32>
    %eq3A_166 = arith.cmpi eq, %iota3A, %eq3A_165 : vector<16xi32>
    %eq3A_167 = arith.constant 9 : i32
    %eq3A_168 = vector.broadcast %eq3A_167 : i32 to vector<16xi32>
    %eq3A_169 = arith.cmpi eq, %iota3A, %eq3A_168 : vector<16xi32>
    %eq3A_170 = arith.constant 10 : i32
    %eq3A_171 = vector.broadcast %eq3A_170 : i32 to vector<16xi32>
    %eq3A_172 = arith.cmpi eq, %iota3A, %eq3A_171 : vector<16xi32>
    %eq3A_173 = arith.constant 11 : i32
    %eq3A_174 = vector.broadcast %eq3A_173 : i32 to vector<16xi32>
    %eq3A_175 = arith.cmpi eq, %iota3A, %eq3A_174 : vector<16xi32>
    %eq3A_176 = arith.constant 12 : i32
    %eq3A_177 = vector.broadcast %eq3A_176 : i32 to vector<16xi32>
    %eq3A_178 = arith.cmpi eq, %iota3A, %eq3A_177 : vector<16xi32>
    %eq3A_179 = arith.constant 13 : i32
    %eq3A_180 = vector.broadcast %eq3A_179 : i32 to vector<16xi32>
    %eq3A_181 = arith.cmpi eq, %iota3A, %eq3A_180 : vector<16xi32>
    %eq3A_182 = arith.constant 14 : i32
    %eq3A_183 = vector.broadcast %eq3A_182 : i32 to vector<16xi32>
    %eq3A_184 = arith.cmpi eq, %iota3A, %eq3A_183 : vector<16xi32>
    %eq3A_185 = arith.constant 15 : i32
    %eq3A_186 = vector.broadcast %eq3A_185 : i32 to vector<16xi32>
    %eq3A_187 = arith.cmpi eq, %iota3A, %eq3A_186 : vector<16xi32>
    %parallel_loop3A = arith.constant 0 : i32
    %parallel_loop3A_188 = arith.constant 128 : i32
    %parallel_loop3A_189 = arith.constant 1 : i32
    %parallel_loop3A_190 = arith.constant 0 : i32
    %parallel_loop3A_191 = arith.constant 0 : i32
    scf.for %parallel_loop3A_529 = %parallel_loop3A to %parallel_loop3A_188 step %parallel_loop3A_189  : i32 {
      %parallel_loop3A_530 = arith.constant 0 : i32
      %parallel_loop3A_531 = arith.constant 0 : i32
      %parallel_loop3A_532 = tpu.memref_slice %arg9[%parallel_loop3A_190, %parallel_loop3A_530, %parallel_loop3A_531] : memref<3x128x128xf32, #tpu.memory_space<vmem>> -> memref<1x128x128xf32, #tpu.memory_space<vmem>>
      %parallel_loop3A_533 = tpu.memref_squeeze %parallel_loop3A_532 : memref<1x128x128xf32, #tpu.memory_space<vmem>> -> memref<128x128xf32, #tpu.memory_space<vmem>>
      %parallel_loop3A_534 = arith.index_cast %parallel_loop3A_529 : i32 to index
      %parallel_loop3A_535 = arith.constant 0 : index
      %parallel_loop3A_536 = tpu.vector_load %parallel_loop3A_533[%parallel_loop3A_534, %parallel_loop3A_535] {strides = array<i32>} : memref<128x128xf32, #tpu.memory_space<vmem>>, vector<1x16xf32>,
      %parallel_loop3A_537 = vector.shape_cast %parallel_loop3A_536 : vector<1x16xf32> to vector<16xf32>
      %parallel_loop3A_538 = arith.constant 0 : i32
      %parallel_loop3A_539 = arith.constant 0 : i32
      %parallel_loop3A_540 = tpu.memref_slice %arg10[%parallel_loop3A_191, %parallel_loop3A_538, %parallel_loop3A_539] : memref<3x128x128xf32, #tpu.memory_space<vmem>> -> memref<1x128x128xf32, #tpu.memory_space<vmem>>
      %parallel_loop3A_541 = tpu.memref_squeeze %parallel_loop3A_540 : memref<1x128x128xf32, #tpu.memory_space<vmem>> -> memref<128x128xf32, #tpu.memory_space<vmem>>
      %parallel_loop3A_542 = arith.index_cast %parallel_loop3A_529 : i32 to index
      %parallel_loop3A_543 = arith.constant 0 : index
      %parallel_loop3A_544 = tpu.vector_load %parallel_loop3A_541[%parallel_loop3A_542, %parallel_loop3A_543] {strides = array<i32>} : memref<128x128xf32, #tpu.memory_space<vmem>>, vector<1x16xf32>,
      %parallel_loop3A_545 = vector.shape_cast %parallel_loop3A_544 : vector<1x16xf32> to vector<16xf32>
      %parallel_loop3A_546 = arith.mulf %parallel_loop3A_537, %parallel_loop3A_545 : vector<16xf32>
      %parallel_loop3A_547 = arith.constant 0 : i32
      %parallel_loop3A_548 = arith.constant 0 : i32
      %parallel_loop3A_549 = tpu.memref_slice %arg9[%parallel_loop3A_190, %parallel_loop3A_547, %parallel_loop3A_548] : memref<3x128x128xf32, #tpu.memory_space<vmem>> -> memref<1x128x128xf32, #tpu.memory_space<vmem>>
      %parallel_loop3A_550 = tpu.memref_squeeze %parallel_loop3A_549 : memref<1x128x128xf32, #tpu.memory_space<vmem>> -> memref<128x128xf32, #tpu.memory_space<vmem>>
      %parallel_loop3A_551 = arith.index_cast %parallel_loop3A_529 : i32 to index
      %parallel_loop3A_552 = arith.constant 16 : index
      %parallel_loop3A_553 = tpu.vector_load %parallel_loop3A_550[%parallel_loop3A_551, %parallel_loop3A_552] {strides = array<i32>} : memref<128x128xf32, #tpu.memory_space<vmem>>, vector<1x16xf32>,
      %parallel_loop3A_554 = vector.shape_cast %parallel_loop3A_553 : vector<1x16xf32> to vector<16xf32>
      %parallel_loop3A_555 = arith.constant 0 : i32
      %parallel_loop3A_556 = arith.constant 0 : i32
      %parallel_loop3A_557 = tpu.memref_slice %arg10[%parallel_loop3A_191, %parallel_loop3A_555, %parallel_loop3A_556] : memref<3x128x128xf32, #tpu.memory_space<vmem>> -> memref<1x128x128xf32, #tpu.memory_space<vmem>>
      %parallel_loop3A_558 = tpu.memref_squeeze %parallel_loop3A_557 : memref<1x128x128xf32, #tpu.memory_space<vmem>> -> memref<128x128xf32, #tpu.memory_space<vmem>>
      %parallel_loop3A_559 = arith.index_cast %parallel_loop3A_529 : i32 to index
      %parallel_loop3A_560 = arith.constant 16 : index
      %parallel_loop3A_561 = tpu.vector_load %parallel_loop3A_558[%parallel_loop3A_559, %parallel_loop3A_560] {strides = array<i32>} : memref<128x128xf32, #tpu.memory_space<vmem>>, vector<1x16xf32>,
      %parallel_loop3A_562 = vector.shape_cast %parallel_loop3A_561 : vector<1x16xf32> to vector<16xf32>
      %parallel_loop3A_563 = arith.mulf %parallel_loop3A_554, %parallel_loop3A_562 : vector<16xf32>
      %parallel_loop3A_564 = arith.constant 0 : i32
      %parallel_loop3A_565 = arith.constant 0 : i32
      %parallel_loop3A_566 = tpu.memref_slice %arg9[%parallel_loop3A_190, %parallel_loop3A_564, %parallel_loop3A_565] : memref<3x128x128xf32, #tpu.memory_space<vmem>> -> memref<1x128x128xf32, #tpu.memory_space<vmem>>
      %parallel_loop3A_567 = tpu.memref_squeeze %parallel_loop3A_566 : memref<1x128x128xf32, #tpu.memory_space<vmem>> -> memref<128x128xf32, #tpu.memory_space<vmem>>
      %parallel_loop3A_568 = arith.index_cast %parallel_loop3A_529 : i32 to index
      %parallel_loop3A_569 = arith.constant 32 : index
      %parallel_loop3A_570 = tpu.vector_load %parallel_loop3A_567[%parallel_loop3A_568, %parallel_loop3A_569] {strides = array<i32>} : memref<128x128xf32, #tpu.memory_space<vmem>>, vector<1x16xf32>,
      %parallel_loop3A_571 = vector.shape_cast %parallel_loop3A_570 : vector<1x16xf32> to vector<16xf32>
      %parallel_loop3A_572 = arith.constant 0 : i32
      %parallel_loop3A_573 = arith.constant 0 : i32
      %parallel_loop3A_574 = tpu.memref_slice %arg10[%parallel_loop3A_191, %parallel_loop3A_572, %parallel_loop3A_573] : memref<3x128x128xf32, #tpu.memory_space<vmem>> -> memref<1x128x128xf32, #tpu.memory_space<vmem>>
      %parallel_loop3A_575 = tpu.memref_squeeze %parallel_loop3A_574 : memref<1x128x128xf32, #tpu.memory_space<vmem>> -> memref<128x128xf32, #tpu.memory_space<vmem>>
      %parallel_loop3A_576 = arith.index_cast %parallel_loop3A_529 : i32 to index
      %parallel_loop3A_577 = arith.constant 32 : index
      %parallel_loop3A_578 = tpu.vector_load %parallel_loop3A_575[%parallel_loop3A_576, %parallel_loop3A_577] {strides = array<i32>} : memref<128x128xf32, #tpu.memory_space<vmem>>, vector<1x16xf32>,
      %parallel_loop3A_579 = vector.shape_cast %parallel_loop3A_578 : vector<1x16xf32> to vector<16xf32>
      %parallel_loop3A_580 = arith.mulf %parallel_loop3A_571, %parallel_loop3A_579 : vector<16xf32>
      %parallel_loop3A_581 = arith.constant 0 : i32
      %parallel_loop3A_582 = arith.constant 0 : i32
      %parallel_loop3A_583 = tpu.memref_slice %arg9[%parallel_loop3A_190, %parallel_loop3A_581, %parallel_loop3A_582] : memref<3x128x128xf32, #tpu.memory_space<vmem>> -> memref<1x128x128xf32, #tpu.memory_space<vmem>>
      %parallel_loop3A_584 = tpu.memref_squeeze %parallel_loop3A_583 : memref<1x128x128xf32, #tpu.memory_space<vmem>> -> memref<128x128xf32, #tpu.memory_space<vmem>>
      %parallel_loop3A_585 = arith.index_cast %parallel_loop3A_529 : i32 to index
      %parallel_loop3A_586 = arith.constant 48 : index
      %parallel_loop3A_587 = tpu.vector_load %parallel_loop3A_584[%parallel_loop3A_585, %parallel_loop3A_586] {strides = array<i32>} : memref<128x128xf32, #tpu.memory_space<vmem>>, vector<1x16xf32>,
      %parallel_loop3A_588 = vector.shape_cast %parallel_loop3A_587 : vector<1x16xf32> to vector<16xf32>
      %parallel_loop3A_589 = arith.constant 0 : i32
      %parallel_loop3A_590 = arith.constant 0 : i32
      %parallel_loop3A_591 = tpu.memref_slice %arg10[%parallel_loop3A_191, %parallel_loop3A_589, %parallel_loop3A_590] : memref<3x128x128xf32, #tpu.memory_space<vmem>> -> memref<1x128x128xf32, #tpu.memory_space<vmem>>
      %parallel_loop3A_592 = tpu.memref_squeeze %parallel_loop3A_591 : memref<1x128x128xf32, #tpu.memory_space<vmem>> -> memref<128x128xf32, #tpu.memory_space<vmem>>
      %parallel_loop3A_593 = arith.index_cast %parallel_loop3A_529 : i32 to index
      %parallel_loop3A_594 = arith.constant 48 : index
      %parallel_loop3A_595 = tpu.vector_load %parallel_loop3A_592[%parallel_loop3A_593, %parallel_loop3A_594] {strides = array<i32>} : memref<128x128xf32, #tpu.memory_space<vmem>>, vector<1x16xf32>,
      %parallel_loop3A_596 = vector.shape_cast %parallel_loop3A_595 : vector<1x16xf32> to vector<16xf32>
      %parallel_loop3A_597 = arith.mulf %parallel_loop3A_588, %parallel_loop3A_596 : vector<16xf32>
      %parallel_loop3A_598 = arith.constant 0 : i32
      %parallel_loop3A_599 = arith.constant 0 : i32
      %parallel_loop3A_600 = tpu.memref_slice %arg9[%parallel_loop3A_190, %parallel_loop3A_598, %parallel_loop3A_599] : memref<3x128x128xf32, #tpu.memory_space<vmem>> -> memref<1x128x128xf32, #tpu.memory_space<vmem>>
      %parallel_loop3A_601 = tpu.memref_squeeze %parallel_loop3A_600 : memref<1x128x128xf32, #tpu.memory_space<vmem>> -> memref<128x128xf32, #tpu.memory_space<vmem>>
      %parallel_loop3A_602 = arith.index_cast %parallel_loop3A_529 : i32 to index
      %parallel_loop3A_603 = arith.constant 64 : index
      %parallel_loop3A_604 = tpu.vector_load %parallel_loop3A_601[%parallel_loop3A_602, %parallel_loop3A_603] {strides = array<i32>} : memref<128x128xf32, #tpu.memory_space<vmem>>, vector<1x16xf32>,
      %parallel_loop3A_605 = vector.shape_cast %parallel_loop3A_604 : vector<1x16xf32> to vector<16xf32>
      %parallel_loop3A_606 = arith.constant 0 : i32
      %parallel_loop3A_607 = arith.constant 0 : i32
      %parallel_loop3A_608 = tpu.memref_slice %arg10[%parallel_loop3A_191, %parallel_loop3A_606, %parallel_loop3A_607] : memref<3x128x128xf32, #tpu.memory_space<vmem>> -> memref<1x128x128xf32, #tpu.memory_space<vmem>>
      %parallel_loop3A_609 = tpu.memref_squeeze %parallel_loop3A_608 : memref<1x128x128xf32, #tpu.memory_space<vmem>> -> memref<128x128xf32, #tpu.memory_space<vmem>>
      %parallel_loop3A_610 = arith.index_cast %parallel_loop3A_529 : i32 to index
      %parallel_loop3A_611 = arith.constant 64 : index
      %parallel_loop3A_612 = tpu.vector_load %parallel_loop3A_609[%parallel_loop3A_610, %parallel_loop3A_611] {strides = array<i32>} : memref<128x128xf32, #tpu.memory_space<vmem>>, vector<1x16xf32>,
      %parallel_loop3A_613 = vector.shape_cast %parallel_loop3A_612 : vector<1x16xf32> to vector<16xf32>
      %parallel_loop3A_614 = arith.mulf %parallel_loop3A_605, %parallel_loop3A_613 : vector<16xf32>
      %parallel_loop3A_615 = arith.constant 0 : i32
      %parallel_loop3A_616 = arith.constant 0 : i32
      %parallel_loop3A_617 = tpu.memref_slice %arg9[%parallel_loop3A_190, %parallel_loop3A_615, %parallel_loop3A_616] : memref<3x128x128xf32, #tpu.memory_space<vmem>> -> memref<1x128x128xf32, #tpu.memory_space<vmem>>
      %parallel_loop3A_618 = tpu.memref_squeeze %parallel_loop3A_617 : memref<1x128x128xf32, #tpu.memory_space<vmem>> -> memref<128x128xf32, #tpu.memory_space<vmem>>
      %parallel_loop3A_619 = arith.index_cast %parallel_loop3A_529 : i32 to index
      %parallel_loop3A_620 = arith.constant 80 : index
      %parallel_loop3A_621 = tpu.vector_load %parallel_loop3A_618[%parallel_loop3A_619, %parallel_loop3A_620] {strides = array<i32>} : memref<128x128xf32, #tpu.memory_space<vmem>>, vector<1x16xf32>,
      %parallel_loop3A_622 = vector.shape_cast %parallel_loop3A_621 : vector<1x16xf32> to vector<16xf32>
      %parallel_loop3A_623 = arith.constant 0 : i32
      %parallel_loop3A_624 = arith.constant 0 : i32
      %parallel_loop3A_625 = tpu.memref_slice %arg10[%parallel_loop3A_191, %parallel_loop3A_623, %parallel_loop3A_624] : memref<3x128x128xf32, #tpu.memory_space<vmem>> -> memref<1x128x128xf32, #tpu.memory_space<vmem>>
      %parallel_loop3A_626 = tpu.memref_squeeze %parallel_loop3A_625 : memref<1x128x128xf32, #tpu.memory_space<vmem>> -> memref<128x128xf32, #tpu.memory_space<vmem>>
      %parallel_loop3A_627 = arith.index_cast %parallel_loop3A_529 : i32 to index
      %parallel_loop3A_628 = arith.constant 80 : index
      %parallel_loop3A_629 = tpu.vector_load %parallel_loop3A_626[%parallel_loop3A_627, %parallel_loop3A_628] {strides = array<i32>} : memref<128x128xf32, #tpu.memory_space<vmem>>, vector<1x16xf32>,
      %parallel_loop3A_630 = vector.shape_cast %parallel_loop3A_629 : vector<1x16xf32> to vector<16xf32>
      %parallel_loop3A_631 = arith.mulf %parallel_loop3A_622, %parallel_loop3A_630 : vector<16xf32>
      %parallel_loop3A_632 = arith.constant 0 : i32
      %parallel_loop3A_633 = arith.constant 0 : i32
      %parallel_loop3A_634 = tpu.memref_slice %arg9[%parallel_loop3A_190, %parallel_loop3A_632, %parallel_loop3A_633] : memref<3x128x128xf32, #tpu.memory_space<vmem>> -> memref<1x128x128xf32, #tpu.memory_space<vmem>>
      %parallel_loop3A_635 = tpu.memref_squeeze %parallel_loop3A_634 : memref<1x128x128xf32, #tpu.memory_space<vmem>> -> memref<128x128xf32, #tpu.memory_space<vmem>>
      %parallel_loop3A_636 = arith.index_cast %parallel_loop3A_529 : i32 to index
      %parallel_loop3A_637 = arith.constant 96 : index
      %parallel_loop3A_638 = tpu.vector_load %parallel_loop3A_635[%parallel_loop3A_636, %parallel_loop3A_637] {strides = array<i32>} : memref<128x128xf32, #tpu.memory_space<vmem>>, vector<1x16xf32>,
      %parallel_loop3A_639 = vector.shape_cast %parallel_loop3A_638 : vector<1x16xf32> to vector<16xf32>
      %parallel_loop3A_640 = arith.constant 0 : i32
      %parallel_loop3A_641 = arith.constant 0 : i32
      %parallel_loop3A_642 = tpu.memref_slice %arg10[%parallel_loop3A_191, %parallel_loop3A_640, %parallel_loop3A_641] : memref<3x128x128xf32, #tpu.memory_space<vmem>> -> memref<1x128x128xf32, #tpu.memory_space<vmem>>
      %parallel_loop3A_643 = tpu.memref_squeeze %parallel_loop3A_642 : memref<1x128x128xf32, #tpu.memory_space<vmem>> -> memref<128x128xf32, #tpu.memory_space<vmem>>
      %parallel_loop3A_644 = arith.index_cast %parallel_loop3A_529 : i32 to index
      %parallel_loop3A_645 = arith.constant 96 : index
      %parallel_loop3A_646 = tpu.vector_load %parallel_loop3A_643[%parallel_loop3A_644, %parallel_loop3A_645] {strides = array<i32>} : memref<128x128xf32, #tpu.memory_space<vmem>>, vector<1x16xf32>,
      %parallel_loop3A_647 = vector.shape_cast %parallel_loop3A_646 : vector<1x16xf32> to vector<16xf32>
      %parallel_loop3A_648 = arith.mulf %parallel_loop3A_639, %parallel_loop3A_647 : vector<16xf32>
      %parallel_loop3A_649 = arith.constant 0 : i32
      %parallel_loop3A_650 = arith.constant 0 : i32
      %parallel_loop3A_651 = tpu.memref_slice %arg9[%parallel_loop3A_190, %parallel_loop3A_649, %parallel_loop3A_650] : memref<3x128x128xf32, #tpu.memory_space<vmem>> -> memref<1x128x128xf32, #tpu.memory_space<vmem>>
      %parallel_loop3A_652 = tpu.memref_squeeze %parallel_loop3A_651 : memref<1x128x128xf32, #tpu.memory_space<vmem>> -> memref<128x128xf32, #tpu.memory_space<vmem>>
      %parallel_loop3A_653 = arith.index_cast %parallel_loop3A_529 : i32 to index
      %parallel_loop3A_654 = arith.constant 112 : index
      %parallel_loop3A_655 = tpu.vector_load %parallel_loop3A_652[%parallel_loop3A_653, %parallel_loop3A_654] {strides = array<i32>} : memref<128x128xf32, #tpu.memory_space<vmem>>, vector<1x16xf32>,
      %parallel_loop3A_656 = vector.shape_cast %parallel_loop3A_655 : vector<1x16xf32> to vector<16xf32>
      %parallel_loop3A_657 = arith.constant 0 : i32
      %parallel_loop3A_658 = arith.constant 0 : i32
      %parallel_loop3A_659 = tpu.memref_slice %arg10[%parallel_loop3A_191, %parallel_loop3A_657, %parallel_loop3A_658] : memref<3x128x128xf32, #tpu.memory_space<vmem>> -> memref<1x128x128xf32, #tpu.memory_space<vmem>>
      %parallel_loop3A_660 = tpu.memref_squeeze %parallel_loop3A_659 : memref<1x128x128xf32, #tpu.memory_space<vmem>> -> memref<128x128xf32, #tpu.memory_space<vmem>>
      %parallel_loop3A_661 = arith.index_cast %parallel_loop3A_529 : i32 to index
      %parallel_loop3A_662 = arith.constant 112 : index
      %parallel_loop3A_663 = tpu.vector_load %parallel_loop3A_660[%parallel_loop3A_661, %parallel_loop3A_662] {strides = array<i32>} : memref<128x128xf32, #tpu.memory_space<vmem>>, vector<1x16xf32>,
      %parallel_loop3A_664 = vector.shape_cast %parallel_loop3A_663 : vector<1x16xf32> to vector<16xf32>
      %parallel_loop3A_665 = arith.mulf %parallel_loop3A_656, %parallel_loop3A_664 : vector<16xf32>
      %parallel_loop3A_666 = arith.addf %parallel_loop3A_546, %parallel_loop3A_563 : vector<16xf32>
      %parallel_loop3A_667 = arith.addf %parallel_loop3A_580, %parallel_loop3A_597 : vector<16xf32>
      %parallel_loop3A_668 = arith.addf %parallel_loop3A_614, %parallel_loop3A_631 : vector<16xf32>
      %parallel_loop3A_669 = arith.addf %parallel_loop3A_648, %parallel_loop3A_665 : vector<16xf32>
      %parallel_loop3A_670 = arith.addf %parallel_loop3A_666, %parallel_loop3A_667 : vector<16xf32>
      %parallel_loop3A_671 = arith.addf %parallel_loop3A_668, %parallel_loop3A_669 : vector<16xf32>
      %parallel_loop3A_672 = arith.addf %parallel_loop3A_670, %parallel_loop3A_671 : vector<16xf32>
      %parallel_loop3A_673 = arith.constant 0 : i32
      %parallel_loop3A_674 = vector.broadcast %parallel_loop3A_673 : i32 to vector<16xi32>
      %parallel_loop3A_675 = arith.cmpi slt, %xor3A_134, %parallel_loop3A_674 : vector<16xi32>
      %parallel_loop3A_676 = arith.constant 16 : i32
      %parallel_loop3A_677 = vector.broadcast %parallel_loop3A_676 : i32 to vector<16xi32>
      %parallel_loop3A_678 = arith.addi %xor3A_134, %parallel_loop3A_677 : vector<16xi32>
      %parallel_loop3A_679 = arith.select %parallel_loop3A_675, %parallel_loop3A_678, %xor3A_134 : vector<16xi1>, vector<16xi32>
      %parallel_loop3A_680 = vector.shape_cast %parallel_loop3A_679 : vector<16xi32> to vector<16x1xi32>
      %parallel_loop3A_681 = vector.shape_cast %parallel_loop3A_680 : vector<16x1xi32> to vector<16xi32>
      %parallel_loop3A_682 = tpu.dynamic_gather %parallel_loop3A_672[%parallel_loop3A_681] in [0] : vector<16xf32>, vector<16xi32> -> vector<16xf32>
      %parallel_loop3A_683 = arith.addf %parallel_loop3A_672, %parallel_loop3A_682 : vector<16xf32>
      %parallel_loop3A_684 = arith.constant 0 : i32
      %parallel_loop3A_685 = vector.broadcast %parallel_loop3A_684 : i32 to vector<16xi32>
      %parallel_loop3A_686 = arith.cmpi slt, %xor3A_137, %parallel_loop3A_685 : vector<16xi32>
      %parallel_loop3A_687 = arith.constant 16 : i32
      %parallel_loop3A_688 = vector.broadcast %parallel_loop3A_687 : i32 to vector<16xi32>
      %parallel_loop3A_689 = arith.addi %xor3A_137, %parallel_loop3A_688 : vector<16xi32>
      %parallel_loop3A_690 = arith.select %parallel_loop3A_686, %parallel_loop3A_689, %xor3A_137 : vector<16xi1>, vector<16xi32>
      %parallel_loop3A_691 = vector.shape_cast %parallel_loop3A_690 : vector<16xi32> to vector<16x1xi32>
      %parallel_loop3A_692 = vector.shape_cast %parallel_loop3A_691 : vector<16x1xi32> to vector<16xi32>
      %parallel_loop3A_693 = tpu.dynamic_gather %parallel_loop3A_683[%parallel_loop3A_692] in [0] : vector<16xf32>, vector<16xi32> -> vector<16xf32>
      %parallel_loop3A_694 = arith.addf %parallel_loop3A_683, %parallel_loop3A_693 : vector<16xf32>
      %parallel_loop3A_695 = arith.constant 0 : i32
      %parallel_loop3A_696 = vector.broadcast %parallel_loop3A_695 : i32 to vector<16xi32>
      %parallel_loop3A_697 = arith.cmpi slt, %xor3A_140, %parallel_loop3A_696 : vector<16xi32>
      %parallel_loop3A_698 = arith.constant 16 : i32
      %parallel_loop3A_699 = vector.broadcast %parallel_loop3A_698 : i32 to vector<16xi32>
      %parallel_loop3A_700 = arith.addi %xor3A_140, %parallel_loop3A_699 : vector<16xi32>
      %parallel_loop3A_701 = arith.select %parallel_loop3A_697, %parallel_loop3A_700, %xor3A_140 : vector<16xi1>, vector<16xi32>
      %parallel_loop3A_702 = vector.shape_cast %parallel_loop3A_701 : vector<16xi32> to vector<16x1xi32>
      %parallel_loop3A_703 = vector.shape_cast %parallel_loop3A_702 : vector<16x1xi32> to vector<16xi32>
      %parallel_loop3A_704 = tpu.dynamic_gather %parallel_loop3A_694[%parallel_loop3A_703] in [0] : vector<16xf32>, vector<16xi32> -> vector<16xf32>
      %parallel_loop3A_705 = arith.addf %parallel_loop3A_694, %parallel_loop3A_704 : vector<16xf32>
      %parallel_loop3A_706 = arith.constant 0 : i32
      %parallel_loop3A_707 = vector.broadcast %parallel_loop3A_706 : i32 to vector<16xi32>
      %parallel_loop3A_708 = arith.cmpi slt, %xor3A_143, %parallel_loop3A_707 : vector<16xi32>
      %parallel_loop3A_709 = arith.constant 16 : i32
      %parallel_loop3A_710 = vector.broadcast %parallel_loop3A_709 : i32 to vector<16xi32>
      %parallel_loop3A_711 = arith.addi %xor3A_143, %parallel_loop3A_710 : vector<16xi32>
      %parallel_loop3A_712 = arith.select %parallel_loop3A_708, %parallel_loop3A_711, %xor3A_143 : vector<16xi1>, vector<16xi32>
      %parallel_loop3A_713 = vector.shape_cast %parallel_loop3A_712 : vector<16xi32> to vector<16x1xi32>
      %parallel_loop3A_714 = vector.shape_cast %parallel_loop3A_713 : vector<16x1xi32> to vector<16xi32>
      %parallel_loop3A_715 = tpu.dynamic_gather %parallel_loop3A_705[%parallel_loop3A_714] in [0] : vector<16xf32>, vector<16xi32> -> vector<16xf32>
      %parallel_loop3A_716 = arith.addf %parallel_loop3A_705, %parallel_loop3A_715 : vector<16xf32>
      %parallel_loop3A_717 = arith.index_cast %parallel_loop3A_529 : i32 to index
      %parallel_loop3A_718 = arith.constant 0 : index
      %parallel_loop3A_719 = tpu.vector_load %arg11[%parallel_loop3A_717, %parallel_loop3A_718] {strides = array<i32>} : memref<128x16xf32, #tpu.memory_space<vmem>>, vector<1x16xf32>,
      %parallel_loop3A_720 = vector.shape_cast %parallel_loop3A_719 : vector<1x16xf32> to vector<16xf32>
      %parallel_loop3A_721 = vector.shape_cast %parallel_loop3A_716 : vector<16xf32> to vector<1x16xf32>
      tpu.vector_store %arg11[%parallel_loop3A_717, %parallel_loop3A_718], %parallel_loop3A_721 {strides = array<i32>} : memref<128x16xf32, #tpu.memory_space<vmem>>, vector<1x16xf32>,
    } {sc.loop_unroll_factor = 4 : i64, sc.parallel_access}
    %parallel_loop3A_192 = arith.constant 0 : i32
    %parallel_loop3A_193 = arith.constant 8 : i32
    %parallel_loop3A_194 = arith.constant 1 : i32
    scf.for %parallel_loop3A_529 = %parallel_loop3A_192 to %parallel_loop3A_193 step %parallel_loop3A_194  : i32 {
      %parallel_loop3A_530 = arith.constant 16 : i32
      %parallel_loop3A_531 = arith.muli %parallel_loop3A_529, %parallel_loop3A_530 : i32
      %parallel_loop3A_532 = arith.index_cast %parallel_loop3A_531 : i32 to index
      %parallel_loop3A_533 = arith.constant 0 : index
      %parallel_loop3A_534 = tpu.vector_load %arg11[%parallel_loop3A_532, %parallel_loop3A_533] {strides = array<i32>} : memref<128x16xf32, #tpu.memory_space<vmem>>, vector<1x16xf32>,
      %parallel_loop3A_535 = vector.shape_cast %parallel_loop3A_534 : vector<1x16xf32> to vector<16xf32>
      %parallel_loop3A_536 = arith.constant 16 : i32
      %parallel_loop3A_537 = arith.muli %parallel_loop3A_529, %parallel_loop3A_536 : i32
      %parallel_loop3A_538 = arith.constant 1 : i32
      %parallel_loop3A_539 = arith.addi %parallel_loop3A_537, %parallel_loop3A_538 : i32
      %parallel_loop3A_540 = arith.index_cast %parallel_loop3A_539 : i32 to index
      %parallel_loop3A_541 = arith.constant 0 : index
      %parallel_loop3A_542 = tpu.vector_load %arg11[%parallel_loop3A_540, %parallel_loop3A_541] {strides = array<i32>} : memref<128x16xf32, #tpu.memory_space<vmem>>, vector<1x16xf32>,
      %parallel_loop3A_543 = vector.shape_cast %parallel_loop3A_542 : vector<1x16xf32> to vector<16xf32>
      %parallel_loop3A_544 = arith.select %eq3A_145, %parallel_loop3A_543, %parallel_loop3A_535 : vector<16xi1>, vector<16xf32>
      %parallel_loop3A_545 = arith.constant 16 : i32
      %parallel_loop3A_546 = arith.muli %parallel_loop3A_529, %parallel_loop3A_545 : i32
      %parallel_loop3A_547 = arith.constant 2 : i32
      %parallel_loop3A_548 = arith.addi %parallel_loop3A_546, %parallel_loop3A_547 : i32
      %parallel_loop3A_549 = arith.index_cast %parallel_loop3A_548 : i32 to index
      %parallel_loop3A_550 = arith.constant 0 : index
      %parallel_loop3A_551 = tpu.vector_load %arg11[%parallel_loop3A_549, %parallel_loop3A_550] {strides = array<i32>} : memref<128x16xf32, #tpu.memory_space<vmem>>, vector<1x16xf32>,
      %parallel_loop3A_552 = vector.shape_cast %parallel_loop3A_551 : vector<1x16xf32> to vector<16xf32>
      %parallel_loop3A_553 = arith.select %eq3A_148, %parallel_loop3A_552, %parallel_loop3A_544 : vector<16xi1>, vector<16xf32>
      %parallel_loop3A_554 = arith.constant 16 : i32
      %parallel_loop3A_555 = arith.muli %parallel_loop3A_529, %parallel_loop3A_554 : i32
      %parallel_loop3A_556 = arith.constant 3 : i32
      %parallel_loop3A_557 = arith.addi %parallel_loop3A_555, %parallel_loop3A_556 : i32
      %parallel_loop3A_558 = arith.index_cast %parallel_loop3A_557 : i32 to index
      %parallel_loop3A_559 = arith.constant 0 : index
      %parallel_loop3A_560 = tpu.vector_load %arg11[%parallel_loop3A_558, %parallel_loop3A_559] {strides = array<i32>} : memref<128x16xf32, #tpu.memory_space<vmem>>, vector<1x16xf32>,
      %parallel_loop3A_561 = vector.shape_cast %parallel_loop3A_560 : vector<1x16xf32> to vector<16xf32>
      %parallel_loop3A_562 = arith.select %eq3A_151, %parallel_loop3A_561, %parallel_loop3A_553 : vector<16xi1>, vector<16xf32>
      %parallel_loop3A_563 = arith.constant 16 : i32
      %parallel_loop3A_564 = arith.muli %parallel_loop3A_529, %parallel_loop3A_563 : i32
      %parallel_loop3A_565 = arith.constant 4 : i32
      %parallel_loop3A_566 = arith.addi %parallel_loop3A_564, %parallel_loop3A_565 : i32
      %parallel_loop3A_567 = arith.index_cast %parallel_loop3A_566 : i32 to index
      %parallel_loop3A_568 = arith.constant 0 : index
      %parallel_loop3A_569 = tpu.vector_load %arg11[%parallel_loop3A_567, %parallel_loop3A_568] {strides = array<i32>} : memref<128x16xf32, #tpu.memory_space<vmem>>, vector<1x16xf32>,
      %parallel_loop3A_570 = vector.shape_cast %parallel_loop3A_569 : vector<1x16xf32> to vector<16xf32>
      %parallel_loop3A_571 = arith.select %eq3A_154, %parallel_loop3A_570, %parallel_loop3A_562 : vector<16xi1>, vector<16xf32>
      %parallel_loop3A_572 = arith.constant 16 : i32
      %parallel_loop3A_573 = arith.muli %parallel_loop3A_529, %parallel_loop3A_572 : i32
      %parallel_loop3A_574 = arith.constant 5 : i32
      %parallel_loop3A_575 = arith.addi %parallel_loop3A_573, %parallel_loop3A_574 : i32
      %parallel_loop3A_576 = arith.index_cast %parallel_loop3A_575 : i32 to index
      %parallel_loop3A_577 = arith.constant 0 : index
      %parallel_loop3A_578 = tpu.vector_load %arg11[%parallel_loop3A_576, %parallel_loop3A_577] {strides = array<i32>} : memref<128x16xf32, #tpu.memory_space<vmem>>, vector<1x16xf32>,
      %parallel_loop3A_579 = vector.shape_cast %parallel_loop3A_578 : vector<1x16xf32> to vector<16xf32>
      %parallel_loop3A_580 = arith.select %eq3A_157, %parallel_loop3A_579, %parallel_loop3A_571 : vector<16xi1>, vector<16xf32>
      %parallel_loop3A_581 = arith.constant 16 : i32
      %parallel_loop3A_582 = arith.muli %parallel_loop3A_529, %parallel_loop3A_581 : i32
      %parallel_loop3A_583 = arith.constant 6 : i32
      %parallel_loop3A_584 = arith.addi %parallel_loop3A_582, %parallel_loop3A_583 : i32
      %parallel_loop3A_585 = arith.index_cast %parallel_loop3A_584 : i32 to index
      %parallel_loop3A_586 = arith.constant 0 : index
      %parallel_loop3A_587 = tpu.vector_load %arg11[%parallel_loop3A_585, %parallel_loop3A_586] {strides = array<i32>} : memref<128x16xf32, #tpu.memory_space<vmem>>, vector<1x16xf32>,
      %parallel_loop3A_588 = vector.shape_cast %parallel_loop3A_587 : vector<1x16xf32> to vector<16xf32>
      %parallel_loop3A_589 = arith.select %eq3A_160, %parallel_loop3A_588, %parallel_loop3A_580 : vector<16xi1>, vector<16xf32>
      %parallel_loop3A_590 = arith.constant 16 : i32
      %parallel_loop3A_591 = arith.muli %parallel_loop3A_529, %parallel_loop3A_590 : i32
      %parallel_loop3A_592 = arith.constant 7 : i32
      %parallel_loop3A_593 = arith.addi %parallel_loop3A_591, %parallel_loop3A_592 : i32
      %parallel_loop3A_594 = arith.index_cast %parallel_loop3A_593 : i32 to index
      %parallel_loop3A_595 = arith.constant 0 : index
      %parallel_loop3A_596 = tpu.vector_load %arg11[%parallel_loop3A_594, %parallel_loop3A_595] {strides = array<i32>} : memref<128x16xf32, #tpu.memory_space<vmem>>, vector<1x16xf32>,
      %parallel_loop3A_597 = vector.shape_cast %parallel_loop3A_596 : vector<1x16xf32> to vector<16xf32>
      %parallel_loop3A_598 = arith.select %eq3A_163, %parallel_loop3A_597, %parallel_loop3A_589 : vector<16xi1>, vector<16xf32>
      %parallel_loop3A_599 = arith.constant 16 : i32
      %parallel_loop3A_600 = arith.muli %parallel_loop3A_529, %parallel_loop3A_599 : i32
      %parallel_loop3A_601 = arith.constant 8 : i32
      %parallel_loop3A_602 = arith.addi %parallel_loop3A_600, %parallel_loop3A_601 : i32
      %parallel_loop3A_603 = arith.index_cast %parallel_loop3A_602 : i32 to index
      %parallel_loop3A_604 = arith.constant 0 : index
      %parallel_loop3A_605 = tpu.vector_load %arg11[%parallel_loop3A_603, %parallel_loop3A_604] {strides = array<i32>} : memref<128x16xf32, #tpu.memory_space<vmem>>, vector<1x16xf32>,
      %parallel_loop3A_606 = vector.shape_cast %parallel_loop3A_605 : vector<1x16xf32> to vector<16xf32>
      %parallel_loop3A_607 = arith.select %eq3A_166, %parallel_loop3A_606, %parallel_loop3A_598 : vector<16xi1>, vector<16xf32>
      %parallel_loop3A_608 = arith.constant 16 : i32
      %parallel_loop3A_609 = arith.muli %parallel_loop3A_529, %parallel_loop3A_608 : i32
      %parallel_loop3A_610 = arith.constant 9 : i32
      %parallel_loop3A_611 = arith.addi %parallel_loop3A_609, %parallel_loop3A_610 : i32
      %parallel_loop3A_612 = arith.index_cast %parallel_loop3A_611 : i32 to index
      %parallel_loop3A_613 = arith.constant 0 : index
      %parallel_loop3A_614 = tpu.vector_load %arg11[%parallel_loop3A_612, %parallel_loop3A_613] {strides = array<i32>} : memref<128x16xf32, #tpu.memory_space<vmem>>, vector<1x16xf32>,
      %parallel_loop3A_615 = vector.shape_cast %parallel_loop3A_614 : vector<1x16xf32> to vector<16xf32>
      %parallel_loop3A_616 = arith.select %eq3A_169, %parallel_loop3A_615, %parallel_loop3A_607 : vector<16xi1>, vector<16xf32>
      %parallel_loop3A_617 = arith.constant 16 : i32
      %parallel_loop3A_618 = arith.muli %parallel_loop3A_529, %parallel_loop3A_617 : i32
      %parallel_loop3A_619 = arith.constant 10 : i32
      %parallel_loop3A_620 = arith.addi %parallel_loop3A_618, %parallel_loop3A_619 : i32
      %parallel_loop3A_621 = arith.index_cast %parallel_loop3A_620 : i32 to index
      %parallel_loop3A_622 = arith.constant 0 : index
      %parallel_loop3A_623 = tpu.vector_load %arg11[%parallel_loop3A_621, %parallel_loop3A_622] {strides = array<i32>} : memref<128x16xf32, #tpu.memory_space<vmem>>, vector<1x16xf32>,
      %parallel_loop3A_624 = vector.shape_cast %parallel_loop3A_623 : vector<1x16xf32> to vector<16xf32>
      %parallel_loop3A_625 = arith.select %eq3A_172, %parallel_loop3A_624, %parallel_loop3A_616 : vector<16xi1>, vector<16xf32>
      %parallel_loop3A_626 = arith.constant 16 : i32
      %parallel_loop3A_627 = arith.muli %parallel_loop3A_529, %parallel_loop3A_626 : i32
      %parallel_loop3A_628 = arith.constant 11 : i32
      %parallel_loop3A_629 = arith.addi %parallel_loop3A_627, %parallel_loop3A_628 : i32
      %parallel_loop3A_630 = arith.index_cast %parallel_loop3A_629 : i32 to index
      %parallel_loop3A_631 = arith.constant 0 : index
      %parallel_loop3A_632 = tpu.vector_load %arg11[%parallel_loop3A_630, %parallel_loop3A_631] {strides = array<i32>} : memref<128x16xf32, #tpu.memory_space<vmem>>, vector<1x16xf32>,
      %parallel_loop3A_633 = vector.shape_cast %parallel_loop3A_632 : vector<1x16xf32> to vector<16xf32>
      %parallel_loop3A_634 = arith.select %eq3A_175, %parallel_loop3A_633, %parallel_loop3A_625 : vector<16xi1>, vector<16xf32>
      %parallel_loop3A_635 = arith.constant 16 : i32
      %parallel_loop3A_636 = arith.muli %parallel_loop3A_529, %parallel_loop3A_635 : i32
      %parallel_loop3A_637 = arith.constant 12 : i32
      %parallel_loop3A_638 = arith.addi %parallel_loop3A_636, %parallel_loop3A_637 : i32
      %parallel_loop3A_639 = arith.index_cast %parallel_loop3A_638 : i32 to index
      %parallel_loop3A_640 = arith.constant 0 : index
      %parallel_loop3A_641 = tpu.vector_load %arg11[%parallel_loop3A_639, %parallel_loop3A_640] {strides = array<i32>} : memref<128x16xf32, #tpu.memory_space<vmem>>, vector<1x16xf32>,
      %parallel_loop3A_642 = vector.shape_cast %parallel_loop3A_641 : vector<1x16xf32> to vector<16xf32>
      %parallel_loop3A_643 = arith.select %eq3A_178, %parallel_loop3A_642, %parallel_loop3A_634 : vector<16xi1>, vector<16xf32>
      %parallel_loop3A_644 = arith.constant 16 : i32
      %parallel_loop3A_645 = arith.muli %parallel_loop3A_529, %parallel_loop3A_644 : i32
      %parallel_loop3A_646 = arith.constant 13 : i32
      %parallel_loop3A_647 = arith.addi %parallel_loop3A_645, %parallel_loop3A_646 : i32
      %parallel_loop3A_648 = arith.index_cast %parallel_loop3A_647 : i32 to index
      %parallel_loop3A_649 = arith.constant 0 : index
      %parallel_loop3A_650 = tpu.vector_load %arg11[%parallel_loop3A_648, %parallel_loop3A_649] {strides = array<i32>} : memref<128x16xf32, #tpu.memory_space<vmem>>, vector<1x16xf32>,
      %parallel_loop3A_651 = vector.shape_cast %parallel_loop3A_650 : vector<1x16xf32> to vector<16xf32>
      %parallel_loop3A_652 = arith.select %eq3A_181, %parallel_loop3A_651, %parallel_loop3A_643 : vector<16xi1>, vector<16xf32>
      %parallel_loop3A_653 = arith.constant 16 : i32
      %parallel_loop3A_654 = arith.muli %parallel_loop3A_529, %parallel_loop3A_653 : i32
      %parallel_loop3A_655 = arith.constant 14 : i32
      %parallel_loop3A_656 = arith.addi %parallel_loop3A_654, %parallel_loop3A_655 : i32
      %parallel_loop3A_657 = arith.index_cast %parallel_loop3A_656 : i32 to index
      %parallel_loop3A_658 = arith.constant 0 : index
      %parallel_loop3A_659 = tpu.vector_load %arg11[%parallel_loop3A_657, %parallel_loop3A_658] {strides = array<i32>} : memref<128x16xf32, #tpu.memory_space<vmem>>, vector<1x16xf32>,
      %parallel_loop3A_660 = vector.shape_cast %parallel_loop3A_659 : vector<1x16xf32> to vector<16xf32>
      %parallel_loop3A_661 = arith.select %eq3A_184, %parallel_loop3A_660, %parallel_loop3A_652 : vector<16xi1>, vector<16xf32>
      %parallel_loop3A_662 = arith.constant 16 : i32
      %parallel_loop3A_663 = arith.muli %parallel_loop3A_529, %parallel_loop3A_662 : i32
      %parallel_loop3A_664 = arith.constant 15 : i32
      %parallel_loop3A_665 = arith.addi %parallel_loop3A_663, %parallel_loop3A_664 : i32
      %parallel_loop3A_666 = arith.index_cast %parallel_loop3A_665 : i32 to index
      %parallel_loop3A_667 = arith.constant 0 : index
      %parallel_loop3A_668 = tpu.vector_load %arg11[%parallel_loop3A_666, %parallel_loop3A_667] {strides = array<i32>} : memref<128x16xf32, #tpu.memory_space<vmem>>, vector<1x16xf32>,
      %parallel_loop3A_669 = vector.shape_cast %parallel_loop3A_668 : vector<1x16xf32> to vector<16xf32>
      %parallel_loop3A_670 = arith.select %eq3A_187, %parallel_loop3A_669, %parallel_loop3A_661 : vector<16xi1>, vector<16xf32>
      %parallel_loop3A_671 = arith.constant 16 : i32
      %parallel_loop3A_672 = arith.muli %parallel_loop3A_529, %parallel_loop3A_671 : i32
      %parallel_loop3A_673 = arith.constant 0 : i32
      %parallel_loop3A_674 = arith.addi %parallel_loop3A_673, %parallel_loop3A_672 : i32
      %parallel_loop3A_675 = arith.index_cast %parallel_loop3A_674 : i32 to index
      %parallel_loop3A_676 = tpu.vector_load %arg12[%parallel_loop3A_675] {strides = array<i32>} : memref<512xf32, #tpu.memory_space<vmem>>, vector<16xf32>,
      %parallel_loop3A_677 = vector.shape_cast %parallel_loop3A_676 : vector<16xf32> to vector<16xf32>
      %parallel_loop3A_678 = vector.shape_cast %parallel_loop3A_670 : vector<16xf32> to vector<16xf32>
      tpu.vector_store %arg12[%parallel_loop3A_675], %parallel_loop3A_678 {strides = array<i32>} : memref<512xf32, #tpu.memory_space<vmem>>, vector<16xf32>,
    } {sc.loop_unroll_factor = 2 : i64, sc.parallel_access}
    %add3A_195 = arith.constant 0 : i32
    %add3A_196 = arith.addi %mul3A_2, %add3A_195 : i32
    %dma_start3A_197 = arith.constant 0 : i32
    %dma_start3A_198 = tpu.memref_slice %arg12[%dma_start3A_197] : memref<512xf32, #tpu.memory_space<vmem>> -> memref<128xf32, #tpu.memory_space<vmem>>
    %dma_start3A_199 = tpu.memref_slice %arg6[%add3A_196] : memref<16384xf32, #tpu.memory_space<hbm>> -> memref<128xf32, #tpu.memory_space<hbm>>
    %dma_start3A_200 = tpu.memref_slice %arg6[%add3A_196] : memref<16384xf32, #tpu.memory_space<hbm>> -> memref<128xf32, #tpu.memory_space<hbm>>
    %dma_start3A_201 = arith.constant 0 : i32
    %dma_start3A_202 = tpu.memref_slice %arg12[%dma_start3A_201] : memref<512xf32, #tpu.memory_space<vmem>> -> memref<128xf32, #tpu.memory_space<vmem>>
    tpu.enqueue_dma source(%dma_start3A_202 : memref<128xf32, #tpu.memory_space<vmem>>) target(%dma_start3A_200 : memref<128xf32, #tpu.memory_space<hbm>>) target_semaphore(%arg13 : memref<!tpu.dma_semaphore, #tpu.memory_space<semaphore_mem>>)
    %dma_wait3A_203 = arith.constant 1 : i32
    %dma_wait3A_204 = arith.constant 0 : i32
    %dma_wait3A_205 = arith.constant 0 : i32
    %dma_wait3A_206 = tpu.memref_slice %arg9[%dma_wait3A_203, %dma_wait3A_204, %dma_wait3A_205] : memref<3x128x128xf32, #tpu.memory_space<vmem>> -> memref<1x128x128xf32, #tpu.memory_space<vmem>>
    %dma_wait3A_207 = tpu.memref_squeeze %dma_wait3A_206 : memref<1x128x128xf32, #tpu.memory_space<vmem>> -> memref<128x128xf32, #tpu.memory_space<vmem>>
    %dma_wait3A_208 = arith.constant 128 : i32
    %dma_wait3A_209 = tpu.memref_slice %arg7[%dma_wait3A_208] : memref<512xi32, #tpu.memory_space<vmem>> -> memref<128xi32, #tpu.memory_space<vmem>>
    %dma_wait3A_210 = arith.constant 0 : i32
    %dma_wait3A_211 = arith.constant 0 : i32
    %dma_wait3A_212 = tpu.memref_slice %arg4[%dma_wait3A_210, %dma_wait3A_211] : memref<100000x128xf32, #tpu.memory_space<hbm>> -> memref<100000x128xf32, #tpu.memory_space<hbm>>
    tpu.wait_indirect_dma semaphore(%arg15 : memref<!tpu.dma_semaphore, #tpu.memory_space<semaphore_mem>>) src(%dma_wait3A_212 : memref<100000x128xf32, #tpu.memory_space<hbm>>) dst(%dma_wait3A_207 : memref<128x128xf32, #tpu.memory_space<vmem>>)
    %dma_wait3A_213 = arith.constant 1 : i32
    %dma_wait3A_214 = arith.constant 0 : i32
    %dma_wait3A_215 = arith.constant 0 : i32
    %dma_wait3A_216 = tpu.memref_slice %arg10[%dma_wait3A_213, %dma_wait3A_214, %dma_wait3A_215] : memref<3x128x128xf32, #tpu.memory_space<vmem>> -> memref<1x128x128xf32, #tpu.memory_space<vmem>>
    %dma_wait3A_217 = tpu.memref_squeeze %dma_wait3A_216 : memref<1x128x128xf32, #tpu.memory_space<vmem>> -> memref<128x128xf32, #tpu.memory_space<vmem>>
    %dma_wait3A_218 = arith.constant 128 : i32
    %dma_wait3A_219 = tpu.memref_slice %arg8[%dma_wait3A_218] : memref<512xi32, #tpu.memory_space<vmem>> -> memref<128xi32, #tpu.memory_space<vmem>>
    %dma_wait3A_220 = arith.constant 0 : i32
    %dma_wait3A_221 = arith.constant 0 : i32
    %dma_wait3A_222 = tpu.memref_slice %arg5[%dma_wait3A_220, %dma_wait3A_221] : memref<100000x128xf32, #tpu.memory_space<hbm>> -> memref<100000x128xf32, #tpu.memory_space<hbm>>
    tpu.wait_indirect_dma semaphore(%arg15 : memref<!tpu.dma_semaphore, #tpu.memory_space<semaphore_mem>>) src(%dma_wait3A_222 : memref<100000x128xf32, #tpu.memory_space<hbm>>) dst(%dma_wait3A_217 : memref<128x128xf32, #tpu.memory_space<vmem>>)
    %dma_start3A_223 = arith.constant 0 : i32
    %dma_start3A_224 = arith.constant 0 : i32
    %dma_start3A_225 = arith.constant 0 : i32
    %dma_start3A_226 = tpu.memref_slice %arg9[%dma_start3A_223, %dma_start3A_224, %dma_start3A_225] : memref<3x128x128xf32, #tpu.memory_space<vmem>> -> memref<1x128x128xf32, #tpu.memory_space<vmem>>
    %dma_start3A_227 = tpu.memref_squeeze %dma_start3A_226 : memref<1x128x128xf32, #tpu.memory_space<vmem>> -> memref<128x128xf32, #tpu.memory_space<vmem>>
    %dma_start3A_228 = arith.constant 384 : i32
    %dma_start3A_229 = tpu.memref_slice %arg7[%dma_start3A_228] : memref<512xi32, #tpu.memory_space<vmem>> -> memref<128xi32, #tpu.memory_space<vmem>>
    %dma_start3A_230 = arith.constant 0 : i32
    %dma_start3A_231 = arith.constant 0 : i32
    %dma_start3A_232 = tpu.memref_slice %arg4[%dma_start3A_230, %dma_start3A_231] : memref<100000x128xf32, #tpu.memory_space<hbm>> -> memref<100000x128xf32, #tpu.memory_space<hbm>>
    tpu.enqueue_indirect_dma source(%dma_start3A_232 : memref<100000x128xf32, #tpu.memory_space<hbm>>) target(%dma_start3A_227 : memref<128x128xf32, #tpu.memory_space<vmem>>) offsets(%dma_start3A_229 : memref<128xi32, #tpu.memory_space<vmem>>) semaphore(%arg14 : memref<!tpu.dma_semaphore, #tpu.memory_space<semaphore_mem>>)
    %dma_start3A_233 = arith.constant 0 : i32
    %dma_start3A_234 = arith.constant 0 : i32
    %dma_start3A_235 = arith.constant 0 : i32
    %dma_start3A_236 = tpu.memref_slice %arg10[%dma_start3A_233, %dma_start3A_234, %dma_start3A_235] : memref<3x128x128xf32, #tpu.memory_space<vmem>> -> memref<1x128x128xf32, #tpu.memory_space<vmem>>
    %dma_start3A_237 = tpu.memref_squeeze %dma_start3A_236 : memref<1x128x128xf32, #tpu.memory_space<vmem>> -> memref<128x128xf32, #tpu.memory_space<vmem>>
    %dma_start3A_238 = arith.constant 384 : i32
    %dma_start3A_239 = tpu.memref_slice %arg8[%dma_start3A_238] : memref<512xi32, #tpu.memory_space<vmem>> -> memref<128xi32, #tpu.memory_space<vmem>>
    %dma_start3A_240 = arith.constant 0 : i32
    %dma_start3A_241 = arith.constant 0 : i32
    %dma_start3A_242 = tpu.memref_slice %arg5[%dma_start3A_240, %dma_start3A_241] : memref<100000x128xf32, #tpu.memory_space<hbm>> -> memref<100000x128xf32, #tpu.memory_space<hbm>>
    tpu.enqueue_indirect_dma source(%dma_start3A_242 : memref<100000x128xf32, #tpu.memory_space<hbm>>) target(%dma_start3A_237 : memref<128x128xf32, #tpu.memory_space<vmem>>) offsets(%dma_start3A_239 : memref<128xi32, #tpu.memory_space<vmem>>) semaphore(%arg14 : memref<!tpu.dma_semaphore, #tpu.memory_space<semaphore_mem>>)
    %iota3A_243 = tpu.iota {dimensions = array<i32: 0>} : vector<16xi32>
    %xor3A_244 = arith.constant 8 : i32
    %xor3A_245 = vector.broadcast %xor3A_244 : i32 to vector<16xi32>
    %xor3A_246 = arith.xori %iota3A_243, %xor3A_245 : vector<16xi32>
    %xor3A_247 = arith.constant 4 : i32
    %xor3A_248 = vector.broadcast %xor3A_247 : i32 to vector<16xi32>
    %xor3A_249 = arith.xori %iota3A_243, %xor3A_248 : vector<16xi32>
    %xor3A_250 = arith.constant 2 : i32
    %xor3A_251 = vector.broadcast %xor3A_250 : i32 to vector<16xi32>
    %xor3A_252 = arith.xori %iota3A_243, %xor3A_251 : vector<16xi32>
    %xor3A_253 = arith.constant 1 : i32
    %xor3A_254 = vector.broadcast %xor3A_253 : i32 to vector<16xi32>
    %xor3A_255 = arith.xori %iota3A_243, %xor3A_254 : vector<16xi32>
    %eq3A_256 = arith.constant 1 : i32
    %eq3A_257 = vector.broadcast %eq3A_256 : i32 to vector<16xi32>
    %eq3A_258 = arith.cmpi eq, %iota3A_243, %eq3A_257 : vector<16xi32>
    %eq3A_259 = arith.constant 2 : i32
    %eq3A_260 = vector.broadcast %eq3A_259 : i32 to vector<16xi32>
    %eq3A_261 = arith.cmpi eq, %iota3A_243, %eq3A_260 : vector<16xi32>
    %eq3A_262 = arith.constant 3 : i32
    %eq3A_263 = vector.broadcast %eq3A_262 : i32 to vector<16xi32>
    %eq3A_264 = arith.cmpi eq, %iota3A_243, %eq3A_263 : vector<16xi32>
    %eq3A_265 = arith.constant 4 : i32
    %eq3A_266 = vector.broadcast %eq3A_265 : i32 to vector<16xi32>
    %eq3A_267 = arith.cmpi eq, %iota3A_243, %eq3A_266 : vector<16xi32>
    %eq3A_268 = arith.constant 5 : i32
    %eq3A_269 = vector.broadcast %eq3A_268 : i32 to vector<16xi32>
    %eq3A_270 = arith.cmpi eq, %iota3A_243, %eq3A_269 : vector<16xi32>
    %eq3A_271 = arith.constant 6 : i32
    %eq3A_272 = vector.broadcast %eq3A_271 : i32 to vector<16xi32>
    %eq3A_273 = arith.cmpi eq, %iota3A_243, %eq3A_272 : vector<16xi32>
    %eq3A_274 = arith.constant 7 : i32
    %eq3A_275 = vector.broadcast %eq3A_274 : i32 to vector<16xi32>
    %eq3A_276 = arith.cmpi eq, %iota3A_243, %eq3A_275 : vector<16xi32>
    %eq3A_277 = arith.constant 8 : i32
    %eq3A_278 = vector.broadcast %eq3A_277 : i32 to vector<16xi32>
    %eq3A_279 = arith.cmpi eq, %iota3A_243, %eq3A_278 : vector<16xi32>
    %eq3A_280 = arith.constant 9 : i32
    %eq3A_281 = vector.broadcast %eq3A_280 : i32 to vector<16xi32>
    %eq3A_282 = arith.cmpi eq, %iota3A_243, %eq3A_281 : vector<16xi32>
    %eq3A_283 = arith.constant 10 : i32
    %eq3A_284 = vector.broadcast %eq3A_283 : i32 to vector<16xi32>
    %eq3A_285 = arith.cmpi eq, %iota3A_243, %eq3A_284 : vector<16xi32>
    %eq3A_286 = arith.constant 11 : i32
    %eq3A_287 = vector.broadcast %eq3A_286 : i32 to vector<16xi32>
    %eq3A_288 = arith.cmpi eq, %iota3A_243, %eq3A_287 : vector<16xi32>
    %eq3A_289 = arith.constant 12 : i32
    %eq3A_290 = vector.broadcast %eq3A_289 : i32 to vector<16xi32>
    %eq3A_291 = arith.cmpi eq, %iota3A_243, %eq3A_290 : vector<16xi32>
    %eq3A_292 = arith.constant 13 : i32
    %eq3A_293 = vector.broadcast %eq3A_292 : i32 to vector<16xi32>
    %eq3A_294 = arith.cmpi eq, %iota3A_243, %eq3A_293 : vector<16xi32>
    %eq3A_295 = arith.constant 14 : i32
    %eq3A_296 = vector.broadcast %eq3A_295 : i32 to vector<16xi32>
    %eq3A_297 = arith.cmpi eq, %iota3A_243, %eq3A_296 : vector<16xi32>
    %eq3A_298 = arith.constant 15 : i32
    %eq3A_299 = vector.broadcast %eq3A_298 : i32 to vector<16xi32>
    %eq3A_300 = arith.cmpi eq, %iota3A_243, %eq3A_299 : vector<16xi32>
    %parallel_loop3A_301 = arith.constant 0 : i32
    %parallel_loop3A_302 = arith.constant 128 : i32
    %parallel_loop3A_303 = arith.constant 1 : i32
    %parallel_loop3A_304 = arith.constant 1 : i32
    %parallel_loop3A_305 = arith.constant 1 : i32
    scf.for %parallel_loop3A_529 = %parallel_loop3A_301 to %parallel_loop3A_302 step %parallel_loop3A_303  : i32 {
      %parallel_loop3A_530 = arith.constant 0 : i32
      %parallel_loop3A_531 = arith.constant 0 : i32
      %parallel_loop3A_532 = tpu.memref_slice %arg9[%parallel_loop3A_304, %parallel_loop3A_530, %parallel_loop3A_531] : memref<3x128x128xf32, #tpu.memory_space<vmem>> -> memref<1x128x128xf32, #tpu.memory_space<vmem>>
      %parallel_loop3A_533 = tpu.memref_squeeze %parallel_loop3A_532 : memref<1x128x128xf32, #tpu.memory_space<vmem>> -> memref<128x128xf32, #tpu.memory_space<vmem>>
      %parallel_loop3A_534 = arith.index_cast %parallel_loop3A_529 : i32 to index
      %parallel_loop3A_535 = arith.constant 0 : index
      %parallel_loop3A_536 = tpu.vector_load %parallel_loop3A_533[%parallel_loop3A_534, %parallel_loop3A_535] {strides = array<i32>} : memref<128x128xf32, #tpu.memory_space<vmem>>, vector<1x16xf32>,
      %parallel_loop3A_537 = vector.shape_cast %parallel_loop3A_536 : vector<1x16xf32> to vector<16xf32>
      %parallel_loop3A_538 = arith.constant 0 : i32
      %parallel_loop3A_539 = arith.constant 0 : i32
      %parallel_loop3A_540 = tpu.memref_slice %arg10[%parallel_loop3A_305, %parallel_loop3A_538, %parallel_loop3A_539] : memref<3x128x128xf32, #tpu.memory_space<vmem>> -> memref<1x128x128xf32, #tpu.memory_space<vmem>>
      %parallel_loop3A_541 = tpu.memref_squeeze %parallel_loop3A_540 : memref<1x128x128xf32, #tpu.memory_space<vmem>> -> memref<128x128xf32, #tpu.memory_space<vmem>>
      %parallel_loop3A_542 = arith.index_cast %parallel_loop3A_529 : i32 to index
      %parallel_loop3A_543 = arith.constant 0 : index
      %parallel_loop3A_544 = tpu.vector_load %parallel_loop3A_541[%parallel_loop3A_542, %parallel_loop3A_543] {strides = array<i32>} : memref<128x128xf32, #tpu.memory_space<vmem>>, vector<1x16xf32>,
      %parallel_loop3A_545 = vector.shape_cast %parallel_loop3A_544 : vector<1x16xf32> to vector<16xf32>
      %parallel_loop3A_546 = arith.mulf %parallel_loop3A_537, %parallel_loop3A_545 : vector<16xf32>
      %parallel_loop3A_547 = arith.constant 0 : i32
      %parallel_loop3A_548 = arith.constant 0 : i32
      %parallel_loop3A_549 = tpu.memref_slice %arg9[%parallel_loop3A_304, %parallel_loop3A_547, %parallel_loop3A_548] : memref<3x128x128xf32, #tpu.memory_space<vmem>> -> memref<1x128x128xf32, #tpu.memory_space<vmem>>
      %parallel_loop3A_550 = tpu.memref_squeeze %parallel_loop3A_549 : memref<1x128x128xf32, #tpu.memory_space<vmem>> -> memref<128x128xf32, #tpu.memory_space<vmem>>
      %parallel_loop3A_551 = arith.index_cast %parallel_loop3A_529 : i32 to index
      %parallel_loop3A_552 = arith.constant 16 : index
      %parallel_loop3A_553 = tpu.vector_load %parallel_loop3A_550[%parallel_loop3A_551, %parallel_loop3A_552] {strides = array<i32>} : memref<128x128xf32, #tpu.memory_space<vmem>>, vector<1x16xf32>,
      %parallel_loop3A_554 = vector.shape_cast %parallel_loop3A_553 : vector<1x16xf32> to vector<16xf32>
      %parallel_loop3A_555 = arith.constant 0 : i32
      %parallel_loop3A_556 = arith.constant 0 : i32
      %parallel_loop3A_557 = tpu.memref_slice %arg10[%parallel_loop3A_305, %parallel_loop3A_555, %parallel_loop3A_556] : memref<3x128x128xf32, #tpu.memory_space<vmem>> -> memref<1x128x128xf32, #tpu.memory_space<vmem>>
      %parallel_loop3A_558 = tpu.memref_squeeze %parallel_loop3A_557 : memref<1x128x128xf32, #tpu.memory_space<vmem>> -> memref<128x128xf32, #tpu.memory_space<vmem>>
      %parallel_loop3A_559 = arith.index_cast %parallel_loop3A_529 : i32 to index
      %parallel_loop3A_560 = arith.constant 16 : index
      %parallel_loop3A_561 = tpu.vector_load %parallel_loop3A_558[%parallel_loop3A_559, %parallel_loop3A_560] {strides = array<i32>} : memref<128x128xf32, #tpu.memory_space<vmem>>, vector<1x16xf32>,
      %parallel_loop3A_562 = vector.shape_cast %parallel_loop3A_561 : vector<1x16xf32> to vector<16xf32>
      %parallel_loop3A_563 = arith.mulf %parallel_loop3A_554, %parallel_loop3A_562 : vector<16xf32>
      %parallel_loop3A_564 = arith.constant 0 : i32
      %parallel_loop3A_565 = arith.constant 0 : i32
      %parallel_loop3A_566 = tpu.memref_slice %arg9[%parallel_loop3A_304, %parallel_loop3A_564, %parallel_loop3A_565] : memref<3x128x128xf32, #tpu.memory_space<vmem>> -> memref<1x128x128xf32, #tpu.memory_space<vmem>>
      %parallel_loop3A_567 = tpu.memref_squeeze %parallel_loop3A_566 : memref<1x128x128xf32, #tpu.memory_space<vmem>> -> memref<128x128xf32, #tpu.memory_space<vmem>>
      %parallel_loop3A_568 = arith.index_cast %parallel_loop3A_529 : i32 to index
      %parallel_loop3A_569 = arith.constant 32 : index
      %parallel_loop3A_570 = tpu.vector_load %parallel_loop3A_567[%parallel_loop3A_568, %parallel_loop3A_569] {strides = array<i32>} : memref<128x128xf32, #tpu.memory_space<vmem>>, vector<1x16xf32>,
      %parallel_loop3A_571 = vector.shape_cast %parallel_loop3A_570 : vector<1x16xf32> to vector<16xf32>
      %parallel_loop3A_572 = arith.constant 0 : i32
      %parallel_loop3A_573 = arith.constant 0 : i32
      %parallel_loop3A_574 = tpu.memref_slice %arg10[%parallel_loop3A_305, %parallel_loop3A_572, %parallel_loop3A_573] : memref<3x128x128xf32, #tpu.memory_space<vmem>> -> memref<1x128x128xf32, #tpu.memory_space<vmem>>
      %parallel_loop3A_575 = tpu.memref_squeeze %parallel_loop3A_574 : memref<1x128x128xf32, #tpu.memory_space<vmem>> -> memref<128x128xf32, #tpu.memory_space<vmem>>
      %parallel_loop3A_576 = arith.index_cast %parallel_loop3A_529 : i32 to index
      %parallel_loop3A_577 = arith.constant 32 : index
      %parallel_loop3A_578 = tpu.vector_load %parallel_loop3A_575[%parallel_loop3A_576, %parallel_loop3A_577] {strides = array<i32>} : memref<128x128xf32, #tpu.memory_space<vmem>>, vector<1x16xf32>,
      %parallel_loop3A_579 = vector.shape_cast %parallel_loop3A_578 : vector<1x16xf32> to vector<16xf32>
      %parallel_loop3A_580 = arith.mulf %parallel_loop3A_571, %parallel_loop3A_579 : vector<16xf32>
      %parallel_loop3A_581 = arith.constant 0 : i32
      %parallel_loop3A_582 = arith.constant 0 : i32
      %parallel_loop3A_583 = tpu.memref_slice %arg9[%parallel_loop3A_304, %parallel_loop3A_581, %parallel_loop3A_582] : memref<3x128x128xf32, #tpu.memory_space<vmem>> -> memref<1x128x128xf32, #tpu.memory_space<vmem>>
      %parallel_loop3A_584 = tpu.memref_squeeze %parallel_loop3A_583 : memref<1x128x128xf32, #tpu.memory_space<vmem>> -> memref<128x128xf32, #tpu.memory_space<vmem>>
      %parallel_loop3A_585 = arith.index_cast %parallel_loop3A_529 : i32 to index
      %parallel_loop3A_586 = arith.constant 48 : index
      %parallel_loop3A_587 = tpu.vector_load %parallel_loop3A_584[%parallel_loop3A_585, %parallel_loop3A_586] {strides = array<i32>} : memref<128x128xf32, #tpu.memory_space<vmem>>, vector<1x16xf32>,
      %parallel_loop3A_588 = vector.shape_cast %parallel_loop3A_587 : vector<1x16xf32> to vector<16xf32>
      %parallel_loop3A_589 = arith.constant 0 : i32
      %parallel_loop3A_590 = arith.constant 0 : i32
      %parallel_loop3A_591 = tpu.memref_slice %arg10[%parallel_loop3A_305, %parallel_loop3A_589, %parallel_loop3A_590] : memref<3x128x128xf32, #tpu.memory_space<vmem>> -> memref<1x128x128xf32, #tpu.memory_space<vmem>>
      %parallel_loop3A_592 = tpu.memref_squeeze %parallel_loop3A_591 : memref<1x128x128xf32, #tpu.memory_space<vmem>> -> memref<128x128xf32, #tpu.memory_space<vmem>>
      %parallel_loop3A_593 = arith.index_cast %parallel_loop3A_529 : i32 to index
      %parallel_loop3A_594 = arith.constant 48 : index
      %parallel_loop3A_595 = tpu.vector_load %parallel_loop3A_592[%parallel_loop3A_593, %parallel_loop3A_594] {strides = array<i32>} : memref<128x128xf32, #tpu.memory_space<vmem>>, vector<1x16xf32>,
      %parallel_loop3A_596 = vector.shape_cast %parallel_loop3A_595 : vector<1x16xf32> to vector<16xf32>
      %parallel_loop3A_597 = arith.mulf %parallel_loop3A_588, %parallel_loop3A_596 : vector<16xf32>
      %parallel_loop3A_598 = arith.constant 0 : i32
      %parallel_loop3A_599 = arith.constant 0 : i32
      %parallel_loop3A_600 = tpu.memref_slice %arg9[%parallel_loop3A_304, %parallel_loop3A_598, %parallel_loop3A_599] : memref<3x128x128xf32, #tpu.memory_space<vmem>> -> memref<1x128x128xf32, #tpu.memory_space<vmem>>
      %parallel_loop3A_601 = tpu.memref_squeeze %parallel_loop3A_600 : memref<1x128x128xf32, #tpu.memory_space<vmem>> -> memref<128x128xf32, #tpu.memory_space<vmem>>
      %parallel_loop3A_602 = arith.index_cast %parallel_loop3A_529 : i32 to index
      %parallel_loop3A_603 = arith.constant 64 : index
      %parallel_loop3A_604 = tpu.vector_load %parallel_loop3A_601[%parallel_loop3A_602, %parallel_loop3A_603] {strides = array<i32>} : memref<128x128xf32, #tpu.memory_space<vmem>>, vector<1x16xf32>,
      %parallel_loop3A_605 = vector.shape_cast %parallel_loop3A_604 : vector<1x16xf32> to vector<16xf32>
      %parallel_loop3A_606 = arith.constant 0 : i32
      %parallel_loop3A_607 = arith.constant 0 : i32
      %parallel_loop3A_608 = tpu.memref_slice %arg10[%parallel_loop3A_305, %parallel_loop3A_606, %parallel_loop3A_607] : memref<3x128x128xf32, #tpu.memory_space<vmem>> -> memref<1x128x128xf32, #tpu.memory_space<vmem>>
      %parallel_loop3A_609 = tpu.memref_squeeze %parallel_loop3A_608 : memref<1x128x128xf32, #tpu.memory_space<vmem>> -> memref<128x128xf32, #tpu.memory_space<vmem>>
      %parallel_loop3A_610 = arith.index_cast %parallel_loop3A_529 : i32 to index
      %parallel_loop3A_611 = arith.constant 64 : index
      %parallel_loop3A_612 = tpu.vector_load %parallel_loop3A_609[%parallel_loop3A_610, %parallel_loop3A_611] {strides = array<i32>} : memref<128x128xf32, #tpu.memory_space<vmem>>, vector<1x16xf32>,
      %parallel_loop3A_613 = vector.shape_cast %parallel_loop3A_612 : vector<1x16xf32> to vector<16xf32>
      %parallel_loop3A_614 = arith.mulf %parallel_loop3A_605, %parallel_loop3A_613 : vector<16xf32>
      %parallel_loop3A_615 = arith.constant 0 : i32
      %parallel_loop3A_616 = arith.constant 0 : i32
      %parallel_loop3A_617 = tpu.memref_slice %arg9[%parallel_loop3A_304, %parallel_loop3A_615, %parallel_loop3A_616] : memref<3x128x128xf32, #tpu.memory_space<vmem>> -> memref<1x128x128xf32, #tpu.memory_space<vmem>>
      %parallel_loop3A_618 = tpu.memref_squeeze %parallel_loop3A_617 : memref<1x128x128xf32, #tpu.memory_space<vmem>> -> memref<128x128xf32, #tpu.memory_space<vmem>>
      %parallel_loop3A_619 = arith.index_cast %parallel_loop3A_529 : i32 to index
      %parallel_loop3A_620 = arith.constant 80 : index
      %parallel_loop3A_621 = tpu.vector_load %parallel_loop3A_618[%parallel_loop3A_619, %parallel_loop3A_620] {strides = array<i32>} : memref<128x128xf32, #tpu.memory_space<vmem>>, vector<1x16xf32>,
      %parallel_loop3A_622 = vector.shape_cast %parallel_loop3A_621 : vector<1x16xf32> to vector<16xf32>
      %parallel_loop3A_623 = arith.constant 0 : i32
      %parallel_loop3A_624 = arith.constant 0 : i32
      %parallel_loop3A_625 = tpu.memref_slice %arg10[%parallel_loop3A_305, %parallel_loop3A_623, %parallel_loop3A_624] : memref<3x128x128xf32, #tpu.memory_space<vmem>> -> memref<1x128x128xf32, #tpu.memory_space<vmem>>
      %parallel_loop3A_626 = tpu.memref_squeeze %parallel_loop3A_625 : memref<1x128x128xf32, #tpu.memory_space<vmem>> -> memref<128x128xf32, #tpu.memory_space<vmem>>
      %parallel_loop3A_627 = arith.index_cast %parallel_loop3A_529 : i32 to index
      %parallel_loop3A_628 = arith.constant 80 : index
      %parallel_loop3A_629 = tpu.vector_load %parallel_loop3A_626[%parallel_loop3A_627, %parallel_loop3A_628] {strides = array<i32>} : memref<128x128xf32, #tpu.memory_space<vmem>>, vector<1x16xf32>,
      %parallel_loop3A_630 = vector.shape_cast %parallel_loop3A_629 : vector<1x16xf32> to vector<16xf32>
      %parallel_loop3A_631 = arith.mulf %parallel_loop3A_622, %parallel_loop3A_630 : vector<16xf32>
      %parallel_loop3A_632 = arith.constant 0 : i32
      %parallel_loop3A_633 = arith.constant 0 : i32
      %parallel_loop3A_634 = tpu.memref_slice %arg9[%parallel_loop3A_304, %parallel_loop3A_632, %parallel_loop3A_633] : memref<3x128x128xf32, #tpu.memory_space<vmem>> -> memref<1x128x128xf32, #tpu.memory_space<vmem>>
      %parallel_loop3A_635 = tpu.memref_squeeze %parallel_loop3A_634 : memref<1x128x128xf32, #tpu.memory_space<vmem>> -> memref<128x128xf32, #tpu.memory_space<vmem>>
      %parallel_loop3A_636 = arith.index_cast %parallel_loop3A_529 : i32 to index
      %parallel_loop3A_637 = arith.constant 96 : index
      %parallel_loop3A_638 = tpu.vector_load %parallel_loop3A_635[%parallel_loop3A_636, %parallel_loop3A_637] {strides = array<i32>} : memref<128x128xf32, #tpu.memory_space<vmem>>, vector<1x16xf32>,
      %parallel_loop3A_639 = vector.shape_cast %parallel_loop3A_638 : vector<1x16xf32> to vector<16xf32>
      %parallel_loop3A_640 = arith.constant 0 : i32
      %parallel_loop3A_641 = arith.constant 0 : i32
      %parallel_loop3A_642 = tpu.memref_slice %arg10[%parallel_loop3A_305, %parallel_loop3A_640, %parallel_loop3A_641] : memref<3x128x128xf32, #tpu.memory_space<vmem>> -> memref<1x128x128xf32, #tpu.memory_space<vmem>>
      %parallel_loop3A_643 = tpu.memref_squeeze %parallel_loop3A_642 : memref<1x128x128xf32, #tpu.memory_space<vmem>> -> memref<128x128xf32, #tpu.memory_space<vmem>>
      %parallel_loop3A_644 = arith.index_cast %parallel_loop3A_529 : i32 to index
      %parallel_loop3A_645 = arith.constant 96 : index
      %parallel_loop3A_646 = tpu.vector_load %parallel_loop3A_643[%parallel_loop3A_644, %parallel_loop3A_645] {strides = array<i32>} : memref<128x128xf32, #tpu.memory_space<vmem>>, vector<1x16xf32>,
      %parallel_loop3A_647 = vector.shape_cast %parallel_loop3A_646 : vector<1x16xf32> to vector<16xf32>
      %parallel_loop3A_648 = arith.mulf %parallel_loop3A_639, %parallel_loop3A_647 : vector<16xf32>
      %parallel_loop3A_649 = arith.constant 0 : i32
      %parallel_loop3A_650 = arith.constant 0 : i32
      %parallel_loop3A_651 = tpu.memref_slice %arg9[%parallel_loop3A_304, %parallel_loop3A_649, %parallel_loop3A_650] : memref<3x128x128xf32, #tpu.memory_space<vmem>> -> memref<1x128x128xf32, #tpu.memory_space<vmem>>
      %parallel_loop3A_652 = tpu.memref_squeeze %parallel_loop3A_651 : memref<1x128x128xf32, #tpu.memory_space<vmem>> -> memref<128x128xf32, #tpu.memory_space<vmem>>
      %parallel_loop3A_653 = arith.index_cast %parallel_loop3A_529 : i32 to index
      %parallel_loop3A_654 = arith.constant 112 : index
      %parallel_loop3A_655 = tpu.vector_load %parallel_loop3A_652[%parallel_loop3A_653, %parallel_loop3A_654] {strides = array<i32>} : memref<128x128xf32, #tpu.memory_space<vmem>>, vector<1x16xf32>,
      %parallel_loop3A_656 = vector.shape_cast %parallel_loop3A_655 : vector<1x16xf32> to vector<16xf32>
      %parallel_loop3A_657 = arith.constant 0 : i32
      %parallel_loop3A_658 = arith.constant 0 : i32
      %parallel_loop3A_659 = tpu.memref_slice %arg10[%parallel_loop3A_305, %parallel_loop3A_657, %parallel_loop3A_658] : memref<3x128x128xf32, #tpu.memory_space<vmem>> -> memref<1x128x128xf32, #tpu.memory_space<vmem>>
      %parallel_loop3A_660 = tpu.memref_squeeze %parallel_loop3A_659 : memref<1x128x128xf32, #tpu.memory_space<vmem>> -> memref<128x128xf32, #tpu.memory_space<vmem>>
      %parallel_loop3A_661 = arith.index_cast %parallel_loop3A_529 : i32 to index
      %parallel_loop3A_662 = arith.constant 112 : index
      %parallel_loop3A_663 = tpu.vector_load %parallel_loop3A_660[%parallel_loop3A_661, %parallel_loop3A_662] {strides = array<i32>} : memref<128x128xf32, #tpu.memory_space<vmem>>, vector<1x16xf32>,
      %parallel_loop3A_664 = vector.shape_cast %parallel_loop3A_663 : vector<1x16xf32> to vector<16xf32>
      %parallel_loop3A_665 = arith.mulf %parallel_loop3A_656, %parallel_loop3A_664 : vector<16xf32>
      %parallel_loop3A_666 = arith.addf %parallel_loop3A_546, %parallel_loop3A_563 : vector<16xf32>
      %parallel_loop3A_667 = arith.addf %parallel_loop3A_580, %parallel_loop3A_597 : vector<16xf32>
      %parallel_loop3A_668 = arith.addf %parallel_loop3A_614, %parallel_loop3A_631 : vector<16xf32>
      %parallel_loop3A_669 = arith.addf %parallel_loop3A_648, %parallel_loop3A_665 : vector<16xf32>
      %parallel_loop3A_670 = arith.addf %parallel_loop3A_666, %parallel_loop3A_667 : vector<16xf32>
      %parallel_loop3A_671 = arith.addf %parallel_loop3A_668, %parallel_loop3A_669 : vector<16xf32>
      %parallel_loop3A_672 = arith.addf %parallel_loop3A_670, %parallel_loop3A_671 : vector<16xf32>
      %parallel_loop3A_673 = arith.constant 0 : i32
      %parallel_loop3A_674 = vector.broadcast %parallel_loop3A_673 : i32 to vector<16xi32>
      %parallel_loop3A_675 = arith.cmpi slt, %xor3A_246, %parallel_loop3A_674 : vector<16xi32>
      %parallel_loop3A_676 = arith.constant 16 : i32
      %parallel_loop3A_677 = vector.broadcast %parallel_loop3A_676 : i32 to vector<16xi32>
      %parallel_loop3A_678 = arith.addi %xor3A_246, %parallel_loop3A_677 : vector<16xi32>
      %parallel_loop3A_679 = arith.select %parallel_loop3A_675, %parallel_loop3A_678, %xor3A_246 : vector<16xi1>, vector<16xi32>
      %parallel_loop3A_680 = vector.shape_cast %parallel_loop3A_679 : vector<16xi32> to vector<16x1xi32>
      %parallel_loop3A_681 = vector.shape_cast %parallel_loop3A_680 : vector<16x1xi32> to vector<16xi32>
      %parallel_loop3A_682 = tpu.dynamic_gather %parallel_loop3A_672[%parallel_loop3A_681] in [0] : vector<16xf32>, vector<16xi32> -> vector<16xf32>
      %parallel_loop3A_683 = arith.addf %parallel_loop3A_672, %parallel_loop3A_682 : vector<16xf32>
      %parallel_loop3A_684 = arith.constant 0 : i32
      %parallel_loop3A_685 = vector.broadcast %parallel_loop3A_684 : i32 to vector<16xi32>
      %parallel_loop3A_686 = arith.cmpi slt, %xor3A_249, %parallel_loop3A_685 : vector<16xi32>
      %parallel_loop3A_687 = arith.constant 16 : i32
      %parallel_loop3A_688 = vector.broadcast %parallel_loop3A_687 : i32 to vector<16xi32>
      %parallel_loop3A_689 = arith.addi %xor3A_249, %parallel_loop3A_688 : vector<16xi32>
      %parallel_loop3A_690 = arith.select %parallel_loop3A_686, %parallel_loop3A_689, %xor3A_249 : vector<16xi1>, vector<16xi32>
      %parallel_loop3A_691 = vector.shape_cast %parallel_loop3A_690 : vector<16xi32> to vector<16x1xi32>
      %parallel_loop3A_692 = vector.shape_cast %parallel_loop3A_691 : vector<16x1xi32> to vector<16xi32>
      %parallel_loop3A_693 = tpu.dynamic_gather %parallel_loop3A_683[%parallel_loop3A_692] in [0] : vector<16xf32>, vector<16xi32> -> vector<16xf32>
      %parallel_loop3A_694 = arith.addf %parallel_loop3A_683, %parallel_loop3A_693 : vector<16xf32>
      %parallel_loop3A_695 = arith.constant 0 : i32
      %parallel_loop3A_696 = vector.broadcast %parallel_loop3A_695 : i32 to vector<16xi32>
      %parallel_loop3A_697 = arith.cmpi slt, %xor3A_252, %parallel_loop3A_696 : vector<16xi32>
      %parallel_loop3A_698 = arith.constant 16 : i32
      %parallel_loop3A_699 = vector.broadcast %parallel_loop3A_698 : i32 to vector<16xi32>
      %parallel_loop3A_700 = arith.addi %xor3A_252, %parallel_loop3A_699 : vector<16xi32>
      %parallel_loop3A_701 = arith.select %parallel_loop3A_697, %parallel_loop3A_700, %xor3A_252 : vector<16xi1>, vector<16xi32>
      %parallel_loop3A_702 = vector.shape_cast %parallel_loop3A_701 : vector<16xi32> to vector<16x1xi32>
      %parallel_loop3A_703 = vector.shape_cast %parallel_loop3A_702 : vector<16x1xi32> to vector<16xi32>
      %parallel_loop3A_704 = tpu.dynamic_gather %parallel_loop3A_694[%parallel_loop3A_703] in [0] : vector<16xf32>, vector<16xi32> -> vector<16xf32>
      %parallel_loop3A_705 = arith.addf %parallel_loop3A_694, %parallel_loop3A_704 : vector<16xf32>
      %parallel_loop3A_706 = arith.constant 0 : i32
      %parallel_loop3A_707 = vector.broadcast %parallel_loop3A_706 : i32 to vector<16xi32>
      %parallel_loop3A_708 = arith.cmpi slt, %xor3A_255, %parallel_loop3A_707 : vector<16xi32>
      %parallel_loop3A_709 = arith.constant 16 : i32
      %parallel_loop3A_710 = vector.broadcast %parallel_loop3A_709 : i32 to vector<16xi32>
      %parallel_loop3A_711 = arith.addi %xor3A_255, %parallel_loop3A_710 : vector<16xi32>
      %parallel_loop3A_712 = arith.select %parallel_loop3A_708, %parallel_loop3A_711, %xor3A_255 : vector<16xi1>, vector<16xi32>
      %parallel_loop3A_713 = vector.shape_cast %parallel_loop3A_712 : vector<16xi32> to vector<16x1xi32>
      %parallel_loop3A_714 = vector.shape_cast %parallel_loop3A_713 : vector<16x1xi32> to vector<16xi32>
      %parallel_loop3A_715 = tpu.dynamic_gather %parallel_loop3A_705[%parallel_loop3A_714] in [0] : vector<16xf32>, vector<16xi32> -> vector<16xf32>
      %parallel_loop3A_716 = arith.addf %parallel_loop3A_705, %parallel_loop3A_715 : vector<16xf32>
      %parallel_loop3A_717 = arith.index_cast %parallel_loop3A_529 : i32 to index
      %parallel_loop3A_718 = arith.constant 0 : index
      %parallel_loop3A_719 = tpu.vector_load %arg11[%parallel_loop3A_717, %parallel_loop3A_718] {strides = array<i32>} : memref<128x16xf32, #tpu.memory_space<vmem>>, vector<1x16xf32>,
      %parallel_loop3A_720 = vector.shape_cast %parallel_loop3A_719 : vector<1x16xf32> to vector<16xf32>
      %parallel_loop3A_721 = vector.shape_cast %parallel_loop3A_716 : vector<16xf32> to vector<1x16xf32>
      tpu.vector_store %arg11[%parallel_loop3A_717, %parallel_loop3A_718], %parallel_loop3A_721 {strides = array<i32>} : memref<128x16xf32, #tpu.memory_space<vmem>>, vector<1x16xf32>,
    } {sc.loop_unroll_factor = 4 : i64, sc.parallel_access}
    %parallel_loop3A_306 = arith.constant 0 : i32
    %parallel_loop3A_307 = arith.constant 8 : i32
    %parallel_loop3A_308 = arith.constant 1 : i32
    scf.for %parallel_loop3A_529 = %parallel_loop3A_306 to %parallel_loop3A_307 step %parallel_loop3A_308  : i32 {
      %parallel_loop3A_530 = arith.constant 16 : i32
      %parallel_loop3A_531 = arith.muli %parallel_loop3A_529, %parallel_loop3A_530 : i32
      %parallel_loop3A_532 = arith.index_cast %parallel_loop3A_531 : i32 to index
      %parallel_loop3A_533 = arith.constant 0 : index
      %parallel_loop3A_534 = tpu.vector_load %arg11[%parallel_loop3A_532, %parallel_loop3A_533] {strides = array<i32>} : memref<128x16xf32, #tpu.memory_space<vmem>>, vector<1x16xf32>,
      %parallel_loop3A_535 = vector.shape_cast %parallel_loop3A_534 : vector<1x16xf32> to vector<16xf32>
      %parallel_loop3A_536 = arith.constant 16 : i32
      %parallel_loop3A_537 = arith.muli %parallel_loop3A_529, %parallel_loop3A_536 : i32
      %parallel_loop3A_538 = arith.constant 1 : i32
      %parallel_loop3A_539 = arith.addi %parallel_loop3A_537, %parallel_loop3A_538 : i32
      %parallel_loop3A_540 = arith.index_cast %parallel_loop3A_539 : i32 to index
      %parallel_loop3A_541 = arith.constant 0 : index
      %parallel_loop3A_542 = tpu.vector_load %arg11[%parallel_loop3A_540, %parallel_loop3A_541] {strides = array<i32>} : memref<128x16xf32, #tpu.memory_space<vmem>>, vector<1x16xf32>,
      %parallel_loop3A_543 = vector.shape_cast %parallel_loop3A_542 : vector<1x16xf32> to vector<16xf32>
      %parallel_loop3A_544 = arith.select %eq3A_258, %parallel_loop3A_543, %parallel_loop3A_535 : vector<16xi1>, vector<16xf32>
      %parallel_loop3A_545 = arith.constant 16 : i32
      %parallel_loop3A_546 = arith.muli %parallel_loop3A_529, %parallel_loop3A_545 : i32
      %parallel_loop3A_547 = arith.constant 2 : i32
      %parallel_loop3A_548 = arith.addi %parallel_loop3A_546, %parallel_loop3A_547 : i32
      %parallel_loop3A_549 = arith.index_cast %parallel_loop3A_548 : i32 to index
      %parallel_loop3A_550 = arith.constant 0 : index
      %parallel_loop3A_551 = tpu.vector_load %arg11[%parallel_loop3A_549, %parallel_loop3A_550] {strides = array<i32>} : memref<128x16xf32, #tpu.memory_space<vmem>>, vector<1x16xf32>,
      %parallel_loop3A_552 = vector.shape_cast %parallel_loop3A_551 : vector<1x16xf32> to vector<16xf32>
      %parallel_loop3A_553 = arith.select %eq3A_261, %parallel_loop3A_552, %parallel_loop3A_544 : vector<16xi1>, vector<16xf32>
      %parallel_loop3A_554 = arith.constant 16 : i32
      %parallel_loop3A_555 = arith.muli %parallel_loop3A_529, %parallel_loop3A_554 : i32
      %parallel_loop3A_556 = arith.constant 3 : i32
      %parallel_loop3A_557 = arith.addi %parallel_loop3A_555, %parallel_loop3A_556 : i32
      %parallel_loop3A_558 = arith.index_cast %parallel_loop3A_557 : i32 to index
      %parallel_loop3A_559 = arith.constant 0 : index
      %parallel_loop3A_560 = tpu.vector_load %arg11[%parallel_loop3A_558, %parallel_loop3A_559] {strides = array<i32>} : memref<128x16xf32, #tpu.memory_space<vmem>>, vector<1x16xf32>,
      %parallel_loop3A_561 = vector.shape_cast %parallel_loop3A_560 : vector<1x16xf32> to vector<16xf32>
      %parallel_loop3A_562 = arith.select %eq3A_264, %parallel_loop3A_561, %parallel_loop3A_553 : vector<16xi1>, vector<16xf32>
      %parallel_loop3A_563 = arith.constant 16 : i32
      %parallel_loop3A_564 = arith.muli %parallel_loop3A_529, %parallel_loop3A_563 : i32
      %parallel_loop3A_565 = arith.constant 4 : i32
      %parallel_loop3A_566 = arith.addi %parallel_loop3A_564, %parallel_loop3A_565 : i32
      %parallel_loop3A_567 = arith.index_cast %parallel_loop3A_566 : i32 to index
      %parallel_loop3A_568 = arith.constant 0 : index
      %parallel_loop3A_569 = tpu.vector_load %arg11[%parallel_loop3A_567, %parallel_loop3A_568] {strides = array<i32>} : memref<128x16xf32, #tpu.memory_space<vmem>>, vector<1x16xf32>,
      %parallel_loop3A_570 = vector.shape_cast %parallel_loop3A_569 : vector<1x16xf32> to vector<16xf32>
      %parallel_loop3A_571 = arith.select %eq3A_267, %parallel_loop3A_570, %parallel_loop3A_562 : vector<16xi1>, vector<16xf32>
      %parallel_loop3A_572 = arith.constant 16 : i32
      %parallel_loop3A_573 = arith.muli %parallel_loop3A_529, %parallel_loop3A_572 : i32
      %parallel_loop3A_574 = arith.constant 5 : i32
      %parallel_loop3A_575 = arith.addi %parallel_loop3A_573, %parallel_loop3A_574 : i32
      %parallel_loop3A_576 = arith.index_cast %parallel_loop3A_575 : i32 to index
      %parallel_loop3A_577 = arith.constant 0 : index
      %parallel_loop3A_578 = tpu.vector_load %arg11[%parallel_loop3A_576, %parallel_loop3A_577] {strides = array<i32>} : memref<128x16xf32, #tpu.memory_space<vmem>>, vector<1x16xf32>,
      %parallel_loop3A_579 = vector.shape_cast %parallel_loop3A_578 : vector<1x16xf32> to vector<16xf32>
      %parallel_loop3A_580 = arith.select %eq3A_270, %parallel_loop3A_579, %parallel_loop3A_571 : vector<16xi1>, vector<16xf32>
      %parallel_loop3A_581 = arith.constant 16 : i32
      %parallel_loop3A_582 = arith.muli %parallel_loop3A_529, %parallel_loop3A_581 : i32
      %parallel_loop3A_583 = arith.constant 6 : i32
      %parallel_loop3A_584 = arith.addi %parallel_loop3A_582, %parallel_loop3A_583 : i32
      %parallel_loop3A_585 = arith.index_cast %parallel_loop3A_584 : i32 to index
      %parallel_loop3A_586 = arith.constant 0 : index
      %parallel_loop3A_587 = tpu.vector_load %arg11[%parallel_loop3A_585, %parallel_loop3A_586] {strides = array<i32>} : memref<128x16xf32, #tpu.memory_space<vmem>>, vector<1x16xf32>,
      %parallel_loop3A_588 = vector.shape_cast %parallel_loop3A_587 : vector<1x16xf32> to vector<16xf32>
      %parallel_loop3A_589 = arith.select %eq3A_273, %parallel_loop3A_588, %parallel_loop3A_580 : vector<16xi1>, vector<16xf32>
      %parallel_loop3A_590 = arith.constant 16 : i32
      %parallel_loop3A_591 = arith.muli %parallel_loop3A_529, %parallel_loop3A_590 : i32
      %parallel_loop3A_592 = arith.constant 7 : i32
      %parallel_loop3A_593 = arith.addi %parallel_loop3A_591, %parallel_loop3A_592 : i32
      %parallel_loop3A_594 = arith.index_cast %parallel_loop3A_593 : i32 to index
      %parallel_loop3A_595 = arith.constant 0 : index
      %parallel_loop3A_596 = tpu.vector_load %arg11[%parallel_loop3A_594, %parallel_loop3A_595] {strides = array<i32>} : memref<128x16xf32, #tpu.memory_space<vmem>>, vector<1x16xf32>,
      %parallel_loop3A_597 = vector.shape_cast %parallel_loop3A_596 : vector<1x16xf32> to vector<16xf32>
      %parallel_loop3A_598 = arith.select %eq3A_276, %parallel_loop3A_597, %parallel_loop3A_589 : vector<16xi1>, vector<16xf32>
      %parallel_loop3A_599 = arith.constant 16 : i32
      %parallel_loop3A_600 = arith.muli %parallel_loop3A_529, %parallel_loop3A_599 : i32
      %parallel_loop3A_601 = arith.constant 8 : i32
      %parallel_loop3A_602 = arith.addi %parallel_loop3A_600, %parallel_loop3A_601 : i32
      %parallel_loop3A_603 = arith.index_cast %parallel_loop3A_602 : i32 to index
      %parallel_loop3A_604 = arith.constant 0 : index
      %parallel_loop3A_605 = tpu.vector_load %arg11[%parallel_loop3A_603, %parallel_loop3A_604] {strides = array<i32>} : memref<128x16xf32, #tpu.memory_space<vmem>>, vector<1x16xf32>,
      %parallel_loop3A_606 = vector.shape_cast %parallel_loop3A_605 : vector<1x16xf32> to vector<16xf32>
      %parallel_loop3A_607 = arith.select %eq3A_279, %parallel_loop3A_606, %parallel_loop3A_598 : vector<16xi1>, vector<16xf32>
      %parallel_loop3A_608 = arith.constant 16 : i32
      %parallel_loop3A_609 = arith.muli %parallel_loop3A_529, %parallel_loop3A_608 : i32
      %parallel_loop3A_610 = arith.constant 9 : i32
      %parallel_loop3A_611 = arith.addi %parallel_loop3A_609, %parallel_loop3A_610 : i32
      %parallel_loop3A_612 = arith.index_cast %parallel_loop3A_611 : i32 to index
      %parallel_loop3A_613 = arith.constant 0 : index
      %parallel_loop3A_614 = tpu.vector_load %arg11[%parallel_loop3A_612, %parallel_loop3A_613] {strides = array<i32>} : memref<128x16xf32, #tpu.memory_space<vmem>>, vector<1x16xf32>,
      %parallel_loop3A_615 = vector.shape_cast %parallel_loop3A_614 : vector<1x16xf32> to vector<16xf32>
      %parallel_loop3A_616 = arith.select %eq3A_282, %parallel_loop3A_615, %parallel_loop3A_607 : vector<16xi1>, vector<16xf32>
      %parallel_loop3A_617 = arith.constant 16 : i32
      %parallel_loop3A_618 = arith.muli %parallel_loop3A_529, %parallel_loop3A_617 : i32
      %parallel_loop3A_619 = arith.constant 10 : i32
      %parallel_loop3A_620 = arith.addi %parallel_loop3A_618, %parallel_loop3A_619 : i32
      %parallel_loop3A_621 = arith.index_cast %parallel_loop3A_620 : i32 to index
      %parallel_loop3A_622 = arith.constant 0 : index
      %parallel_loop3A_623 = tpu.vector_load %arg11[%parallel_loop3A_621, %parallel_loop3A_622] {strides = array<i32>} : memref<128x16xf32, #tpu.memory_space<vmem>>, vector<1x16xf32>,
      %parallel_loop3A_624 = vector.shape_cast %parallel_loop3A_623 : vector<1x16xf32> to vector<16xf32>
      %parallel_loop3A_625 = arith.select %eq3A_285, %parallel_loop3A_624, %parallel_loop3A_616 : vector<16xi1>, vector<16xf32>
      %parallel_loop3A_626 = arith.constant 16 : i32
      %parallel_loop3A_627 = arith.muli %parallel_loop3A_529, %parallel_loop3A_626 : i32
      %parallel_loop3A_628 = arith.constant 11 : i32
      %parallel_loop3A_629 = arith.addi %parallel_loop3A_627, %parallel_loop3A_628 : i32
      %parallel_loop3A_630 = arith.index_cast %parallel_loop3A_629 : i32 to index
      %parallel_loop3A_631 = arith.constant 0 : index
      %parallel_loop3A_632 = tpu.vector_load %arg11[%parallel_loop3A_630, %parallel_loop3A_631] {strides = array<i32>} : memref<128x16xf32, #tpu.memory_space<vmem>>, vector<1x16xf32>,
      %parallel_loop3A_633 = vector.shape_cast %parallel_loop3A_632 : vector<1x16xf32> to vector<16xf32>
      %parallel_loop3A_634 = arith.select %eq3A_288, %parallel_loop3A_633, %parallel_loop3A_625 : vector<16xi1>, vector<16xf32>
      %parallel_loop3A_635 = arith.constant 16 : i32
      %parallel_loop3A_636 = arith.muli %parallel_loop3A_529, %parallel_loop3A_635 : i32
      %parallel_loop3A_637 = arith.constant 12 : i32
      %parallel_loop3A_638 = arith.addi %parallel_loop3A_636, %parallel_loop3A_637 : i32
      %parallel_loop3A_639 = arith.index_cast %parallel_loop3A_638 : i32 to index
      %parallel_loop3A_640 = arith.constant 0 : index
      %parallel_loop3A_641 = tpu.vector_load %arg11[%parallel_loop3A_639, %parallel_loop3A_640] {strides = array<i32>} : memref<128x16xf32, #tpu.memory_space<vmem>>, vector<1x16xf32>,
      %parallel_loop3A_642 = vector.shape_cast %parallel_loop3A_641 : vector<1x16xf32> to vector<16xf32>
      %parallel_loop3A_643 = arith.select %eq3A_291, %parallel_loop3A_642, %parallel_loop3A_634 : vector<16xi1>, vector<16xf32>
      %parallel_loop3A_644 = arith.constant 16 : i32
      %parallel_loop3A_645 = arith.muli %parallel_loop3A_529, %parallel_loop3A_644 : i32
      %parallel_loop3A_646 = arith.constant 13 : i32
      %parallel_loop3A_647 = arith.addi %parallel_loop3A_645, %parallel_loop3A_646 : i32
      %parallel_loop3A_648 = arith.index_cast %parallel_loop3A_647 : i32 to index
      %parallel_loop3A_649 = arith.constant 0 : index
      %parallel_loop3A_650 = tpu.vector_load %arg11[%parallel_loop3A_648, %parallel_loop3A_649] {strides = array<i32>} : memref<128x16xf32, #tpu.memory_space<vmem>>, vector<1x16xf32>,
      %parallel_loop3A_651 = vector.shape_cast %parallel_loop3A_650 : vector<1x16xf32> to vector<16xf32>
      %parallel_loop3A_652 = arith.select %eq3A_294, %parallel_loop3A_651, %parallel_loop3A_643 : vector<16xi1>, vector<16xf32>
      %parallel_loop3A_653 = arith.constant 16 : i32
      %parallel_loop3A_654 = arith.muli %parallel_loop3A_529, %parallel_loop3A_653 : i32
      %parallel_loop3A_655 = arith.constant 14 : i32
      %parallel_loop3A_656 = arith.addi %parallel_loop3A_654, %parallel_loop3A_655 : i32
      %parallel_loop3A_657 = arith.index_cast %parallel_loop3A_656 : i32 to index
      %parallel_loop3A_658 = arith.constant 0 : index
      %parallel_loop3A_659 = tpu.vector_load %arg11[%parallel_loop3A_657, %parallel_loop3A_658] {strides = array<i32>} : memref<128x16xf32, #tpu.memory_space<vmem>>, vector<1x16xf32>,
      %parallel_loop3A_660 = vector.shape_cast %parallel_loop3A_659 : vector<1x16xf32> to vector<16xf32>
      %parallel_loop3A_661 = arith.select %eq3A_297, %parallel_loop3A_660, %parallel_loop3A_652 : vector<16xi1>, vector<16xf32>
      %parallel_loop3A_662 = arith.constant 16 : i32
      %parallel_loop3A_663 = arith.muli %parallel_loop3A_529, %parallel_loop3A_662 : i32
      %parallel_loop3A_664 = arith.constant 15 : i32
      %parallel_loop3A_665 = arith.addi %parallel_loop3A_663, %parallel_loop3A_664 : i32
      %parallel_loop3A_666 = arith.index_cast %parallel_loop3A_665 : i32 to index
      %parallel_loop3A_667 = arith.constant 0 : index
      %parallel_loop3A_668 = tpu.vector_load %arg11[%parallel_loop3A_666, %parallel_loop3A_667] {strides = array<i32>} : memref<128x16xf32, #tpu.memory_space<vmem>>, vector<1x16xf32>,
      %parallel_loop3A_669 = vector.shape_cast %parallel_loop3A_668 : vector<1x16xf32> to vector<16xf32>
      %parallel_loop3A_670 = arith.select %eq3A_300, %parallel_loop3A_669, %parallel_loop3A_661 : vector<16xi1>, vector<16xf32>
      %parallel_loop3A_671 = arith.constant 16 : i32
      %parallel_loop3A_672 = arith.muli %parallel_loop3A_529, %parallel_loop3A_671 : i32
      %parallel_loop3A_673 = arith.constant 128 : i32
      %parallel_loop3A_674 = arith.addi %parallel_loop3A_673, %parallel_loop3A_672 : i32
      %parallel_loop3A_675 = arith.index_cast %parallel_loop3A_674 : i32 to index
      %parallel_loop3A_676 = tpu.vector_load %arg12[%parallel_loop3A_675] {strides = array<i32>} : memref<512xf32, #tpu.memory_space<vmem>>, vector<16xf32>,
      %parallel_loop3A_677 = vector.shape_cast %parallel_loop3A_676 : vector<16xf32> to vector<16xf32>
      %parallel_loop3A_678 = vector.shape_cast %parallel_loop3A_670 : vector<16xf32> to vector<16xf32>
      tpu.vector_store %arg12[%parallel_loop3A_675], %parallel_loop3A_678 {strides = array<i32>} : memref<512xf32, #tpu.memory_space<vmem>>, vector<16xf32>,
    } {sc.loop_unroll_factor = 2 : i64, sc.parallel_access}
    %add3A_309 = arith.constant 128 : i32
    %add3A_310 = arith.addi %mul3A_2, %add3A_309 : i32
    %dma_start3A_311 = arith.constant 128 : i32
    %dma_start3A_312 = tpu.memref_slice %arg12[%dma_start3A_311] : memref<512xf32, #tpu.memory_space<vmem>> -> memref<128xf32, #tpu.memory_space<vmem>>
    %dma_start3A_313 = tpu.memref_slice %arg6[%add3A_310] : memref<16384xf32, #tpu.memory_space<hbm>> -> memref<128xf32, #tpu.memory_space<hbm>>
    %dma_start3A_314 = tpu.memref_slice %arg6[%add3A_310] : memref<16384xf32, #tpu.memory_space<hbm>> -> memref<128xf32, #tpu.memory_space<hbm>>
    %dma_start3A_315 = arith.constant 128 : i32
    %dma_start3A_316 = tpu.memref_slice %arg12[%dma_start3A_315] : memref<512xf32, #tpu.memory_space<vmem>> -> memref<128xf32, #tpu.memory_space<vmem>>
    tpu.enqueue_dma source(%dma_start3A_316 : memref<128xf32, #tpu.memory_space<vmem>>) target(%dma_start3A_314 : memref<128xf32, #tpu.memory_space<hbm>>) target_semaphore(%arg13 : memref<!tpu.dma_semaphore, #tpu.memory_space<semaphore_mem>>)
    %dma_wait3A_317 = arith.constant 2 : i32
    %dma_wait3A_318 = arith.constant 0 : i32
    %dma_wait3A_319 = arith.constant 0 : i32
    %dma_wait3A_320 = tpu.memref_slice %arg9[%dma_wait3A_317, %dma_wait3A_318, %dma_wait3A_319] : memref<3x128x128xf32, #tpu.memory_space<vmem>> -> memref<1x128x128xf32, #tpu.memory_space<vmem>>
    %dma_wait3A_321 = tpu.memref_squeeze %dma_wait3A_320 : memref<1x128x128xf32, #tpu.memory_space<vmem>> -> memref<128x128xf32, #tpu.memory_space<vmem>>
    %dma_wait3A_322 = arith.constant 256 : i32
    %dma_wait3A_323 = tpu.memref_slice %arg7[%dma_wait3A_322] : memref<512xi32, #tpu.memory_space<vmem>> -> memref<128xi32, #tpu.memory_space<vmem>>
    %dma_wait3A_324 = arith.constant 0 : i32
    %dma_wait3A_325 = arith.constant 0 : i32
    %dma_wait3A_326 = tpu.memref_slice %arg4[%dma_wait3A_324, %dma_wait3A_325] : memref<100000x128xf32, #tpu.memory_space<hbm>> -> memref<100000x128xf32, #tpu.memory_space<hbm>>
    tpu.wait_indirect_dma semaphore(%arg16 : memref<!tpu.dma_semaphore, #tpu.memory_space<semaphore_mem>>) src(%dma_wait3A_326 : memref<100000x128xf32, #tpu.memory_space<hbm>>) dst(%dma_wait3A_321 : memref<128x128xf32, #tpu.memory_space<vmem>>)
    %dma_wait3A_327 = arith.constant 2 : i32
    %dma_wait3A_328 = arith.constant 0 : i32
    %dma_wait3A_329 = arith.constant 0 : i32
    %dma_wait3A_330 = tpu.memref_slice %arg10[%dma_wait3A_327, %dma_wait3A_328, %dma_wait3A_329] : memref<3x128x128xf32, #tpu.memory_space<vmem>> -> memref<1x128x128xf32, #tpu.memory_space<vmem>>
    %dma_wait3A_331 = tpu.memref_squeeze %dma_wait3A_330 : memref<1x128x128xf32, #tpu.memory_space<vmem>> -> memref<128x128xf32, #tpu.memory_space<vmem>>
    %dma_wait3A_332 = arith.constant 256 : i32
    %dma_wait3A_333 = tpu.memref_slice %arg8[%dma_wait3A_332] : memref<512xi32, #tpu.memory_space<vmem>> -> memref<128xi32, #tpu.memory_space<vmem>>
    %dma_wait3A_334 = arith.constant 0 : i32
    %dma_wait3A_335 = arith.constant 0 : i32
    %dma_wait3A_336 = tpu.memref_slice %arg5[%dma_wait3A_334, %dma_wait3A_335] : memref<100000x128xf32, #tpu.memory_space<hbm>> -> memref<100000x128xf32, #tpu.memory_space<hbm>>
    tpu.wait_indirect_dma semaphore(%arg16 : memref<!tpu.dma_semaphore, #tpu.memory_space<semaphore_mem>>) src(%dma_wait3A_336 : memref<100000x128xf32, #tpu.memory_space<hbm>>) dst(%dma_wait3A_331 : memref<128x128xf32, #tpu.memory_space<vmem>>)
    %iota3A_337 = tpu.iota {dimensions = array<i32: 0>} : vector<16xi32>
    %xor3A_338 = arith.constant 8 : i32
    %xor3A_339 = vector.broadcast %xor3A_338 : i32 to vector<16xi32>
    %xor3A_340 = arith.xori %iota3A_337, %xor3A_339 : vector<16xi32>
    %xor3A_341 = arith.constant 4 : i32
    %xor3A_342 = vector.broadcast %xor3A_341 : i32 to vector<16xi32>
    %xor3A_343 = arith.xori %iota3A_337, %xor3A_342 : vector<16xi32>
    %xor3A_344 = arith.constant 2 : i32
    %xor3A_345 = vector.broadcast %xor3A_344 : i32 to vector<16xi32>
    %xor3A_346 = arith.xori %iota3A_337, %xor3A_345 : vector<16xi32>
    %xor3A_347 = arith.constant 1 : i32
    %xor3A_348 = vector.broadcast %xor3A_347 : i32 to vector<16xi32>
    %xor3A_349 = arith.xori %iota3A_337, %xor3A_348 : vector<16xi32>
    %eq3A_350 = arith.constant 1 : i32
    %eq3A_351 = vector.broadcast %eq3A_350 : i32 to vector<16xi32>
    %eq3A_352 = arith.cmpi eq, %iota3A_337, %eq3A_351 : vector<16xi32>
    %eq3A_353 = arith.constant 2 : i32
    %eq3A_354 = vector.broadcast %eq3A_353 : i32 to vector<16xi32>
    %eq3A_355 = arith.cmpi eq, %iota3A_337, %eq3A_354 : vector<16xi32>
    %eq3A_356 = arith.constant 3 : i32
    %eq3A_357 = vector.broadcast %eq3A_356 : i32 to vector<16xi32>
    %eq3A_358 = arith.cmpi eq, %iota3A_337, %eq3A_357 : vector<16xi32>
    %eq3A_359 = arith.constant 4 : i32
    %eq3A_360 = vector.broadcast %eq3A_359 : i32 to vector<16xi32>
    %eq3A_361 = arith.cmpi eq, %iota3A_337, %eq3A_360 : vector<16xi32>
    %eq3A_362 = arith.constant 5 : i32
    %eq3A_363 = vector.broadcast %eq3A_362 : i32 to vector<16xi32>
    %eq3A_364 = arith.cmpi eq, %iota3A_337, %eq3A_363 : vector<16xi32>
    %eq3A_365 = arith.constant 6 : i32
    %eq3A_366 = vector.broadcast %eq3A_365 : i32 to vector<16xi32>
    %eq3A_367 = arith.cmpi eq, %iota3A_337, %eq3A_366 : vector<16xi32>
    %eq3A_368 = arith.constant 7 : i32
    %eq3A_369 = vector.broadcast %eq3A_368 : i32 to vector<16xi32>
    %eq3A_370 = arith.cmpi eq, %iota3A_337, %eq3A_369 : vector<16xi32>
    %eq3A_371 = arith.constant 8 : i32
    %eq3A_372 = vector.broadcast %eq3A_371 : i32 to vector<16xi32>
    %eq3A_373 = arith.cmpi eq, %iota3A_337, %eq3A_372 : vector<16xi32>
    %eq3A_374 = arith.constant 9 : i32
    %eq3A_375 = vector.broadcast %eq3A_374 : i32 to vector<16xi32>
    %eq3A_376 = arith.cmpi eq, %iota3A_337, %eq3A_375 : vector<16xi32>
    %eq3A_377 = arith.constant 10 : i32
    %eq3A_378 = vector.broadcast %eq3A_377 : i32 to vector<16xi32>
    %eq3A_379 = arith.cmpi eq, %iota3A_337, %eq3A_378 : vector<16xi32>
    %eq3A_380 = arith.constant 11 : i32
    %eq3A_381 = vector.broadcast %eq3A_380 : i32 to vector<16xi32>
    %eq3A_382 = arith.cmpi eq, %iota3A_337, %eq3A_381 : vector<16xi32>
    %eq3A_383 = arith.constant 12 : i32
    %eq3A_384 = vector.broadcast %eq3A_383 : i32 to vector<16xi32>
    %eq3A_385 = arith.cmpi eq, %iota3A_337, %eq3A_384 : vector<16xi32>
    %eq3A_386 = arith.constant 13 : i32
    %eq3A_387 = vector.broadcast %eq3A_386 : i32 to vector<16xi32>
    %eq3A_388 = arith.cmpi eq, %iota3A_337, %eq3A_387 : vector<16xi32>
    %eq3A_389 = arith.constant 14 : i32
    %eq3A_390 = vector.broadcast %eq3A_389 : i32 to vector<16xi32>
    %eq3A_391 = arith.cmpi eq, %iota3A_337, %eq3A_390 : vector<16xi32>
    %eq3A_392 = arith.constant 15 : i32
    %eq3A_393 = vector.broadcast %eq3A_392 : i32 to vector<16xi32>
    %eq3A_394 = arith.cmpi eq, %iota3A_337, %eq3A_393 : vector<16xi32>
    %parallel_loop3A_395 = arith.constant 0 : i32
    %parallel_loop3A_396 = arith.constant 128 : i32
    %parallel_loop3A_397 = arith.constant 1 : i32
    %parallel_loop3A_398 = arith.constant 2 : i32
    %parallel_loop3A_399 = arith.constant 2 : i32
    scf.for %parallel_loop3A_529 = %parallel_loop3A_395 to %parallel_loop3A_396 step %parallel_loop3A_397  : i32 {
      %parallel_loop3A_530 = arith.constant 0 : i32
      %parallel_loop3A_531 = arith.constant 0 : i32
      %parallel_loop3A_532 = tpu.memref_slice %arg9[%parallel_loop3A_398, %parallel_loop3A_530, %parallel_loop3A_531] : memref<3x128x128xf32, #tpu.memory_space<vmem>> -> memref<1x128x128xf32, #tpu.memory_space<vmem>>
      %parallel_loop3A_533 = tpu.memref_squeeze %parallel_loop3A_532 : memref<1x128x128xf32, #tpu.memory_space<vmem>> -> memref<128x128xf32, #tpu.memory_space<vmem>>
      %parallel_loop3A_534 = arith.index_cast %parallel_loop3A_529 : i32 to index
      %parallel_loop3A_535 = arith.constant 0 : index
      %parallel_loop3A_536 = tpu.vector_load %parallel_loop3A_533[%parallel_loop3A_534, %parallel_loop3A_535] {strides = array<i32>} : memref<128x128xf32, #tpu.memory_space<vmem>>, vector<1x16xf32>,
      %parallel_loop3A_537 = vector.shape_cast %parallel_loop3A_536 : vector<1x16xf32> to vector<16xf32>
      %parallel_loop3A_538 = arith.constant 0 : i32
      %parallel_loop3A_539 = arith.constant 0 : i32
      %parallel_loop3A_540 = tpu.memref_slice %arg10[%parallel_loop3A_399, %parallel_loop3A_538, %parallel_loop3A_539] : memref<3x128x128xf32, #tpu.memory_space<vmem>> -> memref<1x128x128xf32, #tpu.memory_space<vmem>>
      %parallel_loop3A_541 = tpu.memref_squeeze %parallel_loop3A_540 : memref<1x128x128xf32, #tpu.memory_space<vmem>> -> memref<128x128xf32, #tpu.memory_space<vmem>>
      %parallel_loop3A_542 = arith.index_cast %parallel_loop3A_529 : i32 to index
      %parallel_loop3A_543 = arith.constant 0 : index
      %parallel_loop3A_544 = tpu.vector_load %parallel_loop3A_541[%parallel_loop3A_542, %parallel_loop3A_543] {strides = array<i32>} : memref<128x128xf32, #tpu.memory_space<vmem>>, vector<1x16xf32>,
      %parallel_loop3A_545 = vector.shape_cast %parallel_loop3A_544 : vector<1x16xf32> to vector<16xf32>
      %parallel_loop3A_546 = arith.mulf %parallel_loop3A_537, %parallel_loop3A_545 : vector<16xf32>
      %parallel_loop3A_547 = arith.constant 0 : i32
      %parallel_loop3A_548 = arith.constant 0 : i32
      %parallel_loop3A_549 = tpu.memref_slice %arg9[%parallel_loop3A_398, %parallel_loop3A_547, %parallel_loop3A_548] : memref<3x128x128xf32, #tpu.memory_space<vmem>> -> memref<1x128x128xf32, #tpu.memory_space<vmem>>
      %parallel_loop3A_550 = tpu.memref_squeeze %parallel_loop3A_549 : memref<1x128x128xf32, #tpu.memory_space<vmem>> -> memref<128x128xf32, #tpu.memory_space<vmem>>
      %parallel_loop3A_551 = arith.index_cast %parallel_loop3A_529 : i32 to index
      %parallel_loop3A_552 = arith.constant 16 : index
      %parallel_loop3A_553 = tpu.vector_load %parallel_loop3A_550[%parallel_loop3A_551, %parallel_loop3A_552] {strides = array<i32>} : memref<128x128xf32, #tpu.memory_space<vmem>>, vector<1x16xf32>,
      %parallel_loop3A_554 = vector.shape_cast %parallel_loop3A_553 : vector<1x16xf32> to vector<16xf32>
      %parallel_loop3A_555 = arith.constant 0 : i32
      %parallel_loop3A_556 = arith.constant 0 : i32
      %parallel_loop3A_557 = tpu.memref_slice %arg10[%parallel_loop3A_399, %parallel_loop3A_555, %parallel_loop3A_556] : memref<3x128x128xf32, #tpu.memory_space<vmem>> -> memref<1x128x128xf32, #tpu.memory_space<vmem>>
      %parallel_loop3A_558 = tpu.memref_squeeze %parallel_loop3A_557 : memref<1x128x128xf32, #tpu.memory_space<vmem>> -> memref<128x128xf32, #tpu.memory_space<vmem>>
      %parallel_loop3A_559 = arith.index_cast %parallel_loop3A_529 : i32 to index
      %parallel_loop3A_560 = arith.constant 16 : index
      %parallel_loop3A_561 = tpu.vector_load %parallel_loop3A_558[%parallel_loop3A_559, %parallel_loop3A_560] {strides = array<i32>} : memref<128x128xf32, #tpu.memory_space<vmem>>, vector<1x16xf32>,
      %parallel_loop3A_562 = vector.shape_cast %parallel_loop3A_561 : vector<1x16xf32> to vector<16xf32>
      %parallel_loop3A_563 = arith.mulf %parallel_loop3A_554, %parallel_loop3A_562 : vector<16xf32>
      %parallel_loop3A_564 = arith.constant 0 : i32
      %parallel_loop3A_565 = arith.constant 0 : i32
      %parallel_loop3A_566 = tpu.memref_slice %arg9[%parallel_loop3A_398, %parallel_loop3A_564, %parallel_loop3A_565] : memref<3x128x128xf32, #tpu.memory_space<vmem>> -> memref<1x128x128xf32, #tpu.memory_space<vmem>>
      %parallel_loop3A_567 = tpu.memref_squeeze %parallel_loop3A_566 : memref<1x128x128xf32, #tpu.memory_space<vmem>> -> memref<128x128xf32, #tpu.memory_space<vmem>>
      %parallel_loop3A_568 = arith.index_cast %parallel_loop3A_529 : i32 to index
      %parallel_loop3A_569 = arith.constant 32 : index
      %parallel_loop3A_570 = tpu.vector_load %parallel_loop3A_567[%parallel_loop3A_568, %parallel_loop3A_569] {strides = array<i32>} : memref<128x128xf32, #tpu.memory_space<vmem>>, vector<1x16xf32>,
      %parallel_loop3A_571 = vector.shape_cast %parallel_loop3A_570 : vector<1x16xf32> to vector<16xf32>
      %parallel_loop3A_572 = arith.constant 0 : i32
      %parallel_loop3A_573 = arith.constant 0 : i32
      %parallel_loop3A_574 = tpu.memref_slice %arg10[%parallel_loop3A_399, %parallel_loop3A_572, %parallel_loop3A_573] : memref<3x128x128xf32, #tpu.memory_space<vmem>> -> memref<1x128x128xf32, #tpu.memory_space<vmem>>
      %parallel_loop3A_575 = tpu.memref_squeeze %parallel_loop3A_574 : memref<1x128x128xf32, #tpu.memory_space<vmem>> -> memref<128x128xf32, #tpu.memory_space<vmem>>
      %parallel_loop3A_576 = arith.index_cast %parallel_loop3A_529 : i32 to index
      %parallel_loop3A_577 = arith.constant 32 : index
      %parallel_loop3A_578 = tpu.vector_load %parallel_loop3A_575[%parallel_loop3A_576, %parallel_loop3A_577] {strides = array<i32>} : memref<128x128xf32, #tpu.memory_space<vmem>>, vector<1x16xf32>,
      %parallel_loop3A_579 = vector.shape_cast %parallel_loop3A_578 : vector<1x16xf32> to vector<16xf32>
      %parallel_loop3A_580 = arith.mulf %parallel_loop3A_571, %parallel_loop3A_579 : vector<16xf32>
      %parallel_loop3A_581 = arith.constant 0 : i32
      %parallel_loop3A_582 = arith.constant 0 : i32
      %parallel_loop3A_583 = tpu.memref_slice %arg9[%parallel_loop3A_398, %parallel_loop3A_581, %parallel_loop3A_582] : memref<3x128x128xf32, #tpu.memory_space<vmem>> -> memref<1x128x128xf32, #tpu.memory_space<vmem>>
      %parallel_loop3A_584 = tpu.memref_squeeze %parallel_loop3A_583 : memref<1x128x128xf32, #tpu.memory_space<vmem>> -> memref<128x128xf32, #tpu.memory_space<vmem>>
      %parallel_loop3A_585 = arith.index_cast %parallel_loop3A_529 : i32 to index
      %parallel_loop3A_586 = arith.constant 48 : index
      %parallel_loop3A_587 = tpu.vector_load %parallel_loop3A_584[%parallel_loop3A_585, %parallel_loop3A_586] {strides = array<i32>} : memref<128x128xf32, #tpu.memory_space<vmem>>, vector<1x16xf32>,
      %parallel_loop3A_588 = vector.shape_cast %parallel_loop3A_587 : vector<1x16xf32> to vector<16xf32>
      %parallel_loop3A_589 = arith.constant 0 : i32
      %parallel_loop3A_590 = arith.constant 0 : i32
      %parallel_loop3A_591 = tpu.memref_slice %arg10[%parallel_loop3A_399, %parallel_loop3A_589, %parallel_loop3A_590] : memref<3x128x128xf32, #tpu.memory_space<vmem>> -> memref<1x128x128xf32, #tpu.memory_space<vmem>>
      %parallel_loop3A_592 = tpu.memref_squeeze %parallel_loop3A_591 : memref<1x128x128xf32, #tpu.memory_space<vmem>> -> memref<128x128xf32, #tpu.memory_space<vmem>>
      %parallel_loop3A_593 = arith.index_cast %parallel_loop3A_529 : i32 to index
      %parallel_loop3A_594 = arith.constant 48 : index
      %parallel_loop3A_595 = tpu.vector_load %parallel_loop3A_592[%parallel_loop3A_593, %parallel_loop3A_594] {strides = array<i32>} : memref<128x128xf32, #tpu.memory_space<vmem>>, vector<1x16xf32>,
      %parallel_loop3A_596 = vector.shape_cast %parallel_loop3A_595 : vector<1x16xf32> to vector<16xf32>
      %parallel_loop3A_597 = arith.mulf %parallel_loop3A_588, %parallel_loop3A_596 : vector<16xf32>
      %parallel_loop3A_598 = arith.constant 0 : i32
      %parallel_loop3A_599 = arith.constant 0 : i32
      %parallel_loop3A_600 = tpu.memref_slice %arg9[%parallel_loop3A_398, %parallel_loop3A_598, %parallel_loop3A_599] : memref<3x128x128xf32, #tpu.memory_space<vmem>> -> memref<1x128x128xf32, #tpu.memory_space<vmem>>
      %parallel_loop3A_601 = tpu.memref_squeeze %parallel_loop3A_600 : memref<1x128x128xf32, #tpu.memory_space<vmem>> -> memref<128x128xf32, #tpu.memory_space<vmem>>
      %parallel_loop3A_602 = arith.index_cast %parallel_loop3A_529 : i32 to index
      %parallel_loop3A_603 = arith.constant 64 : index
      %parallel_loop3A_604 = tpu.vector_load %parallel_loop3A_601[%parallel_loop3A_602, %parallel_loop3A_603] {strides = array<i32>} : memref<128x128xf32, #tpu.memory_space<vmem>>, vector<1x16xf32>,
      %parallel_loop3A_605 = vector.shape_cast %parallel_loop3A_604 : vector<1x16xf32> to vector<16xf32>
      %parallel_loop3A_606 = arith.constant 0 : i32
      %parallel_loop3A_607 = arith.constant 0 : i32
      %parallel_loop3A_608 = tpu.memref_slice %arg10[%parallel_loop3A_399, %parallel_loop3A_606, %parallel_loop3A_607] : memref<3x128x128xf32, #tpu.memory_space<vmem>> -> memref<1x128x128xf32, #tpu.memory_space<vmem>>
      %parallel_loop3A_609 = tpu.memref_squeeze %parallel_loop3A_608 : memref<1x128x128xf32, #tpu.memory_space<vmem>> -> memref<128x128xf32, #tpu.memory_space<vmem>>
      %parallel_loop3A_610 = arith.index_cast %parallel_loop3A_529 : i32 to index
      %parallel_loop3A_611 = arith.constant 64 : index
      %parallel_loop3A_612 = tpu.vector_load %parallel_loop3A_609[%parallel_loop3A_610, %parallel_loop3A_611] {strides = array<i32>} : memref<128x128xf32, #tpu.memory_space<vmem>>, vector<1x16xf32>,
      %parallel_loop3A_613 = vector.shape_cast %parallel_loop3A_612 : vector<1x16xf32> to vector<16xf32>
      %parallel_loop3A_614 = arith.mulf %parallel_loop3A_605, %parallel_loop3A_613 : vector<16xf32>
      %parallel_loop3A_615 = arith.constant 0 : i32
      %parallel_loop3A_616 = arith.constant 0 : i32
      %parallel_loop3A_617 = tpu.memref_slice %arg9[%parallel_loop3A_398, %parallel_loop3A_615, %parallel_loop3A_616] : memref<3x128x128xf32, #tpu.memory_space<vmem>> -> memref<1x128x128xf32, #tpu.memory_space<vmem>>
      %parallel_loop3A_618 = tpu.memref_squeeze %parallel_loop3A_617 : memref<1x128x128xf32, #tpu.memory_space<vmem>> -> memref<128x128xf32, #tpu.memory_space<vmem>>
      %parallel_loop3A_619 = arith.index_cast %parallel_loop3A_529 : i32 to index
      %parallel_loop3A_620 = arith.constant 80 : index
      %parallel_loop3A_621 = tpu.vector_load %parallel_loop3A_618[%parallel_loop3A_619, %parallel_loop3A_620] {strides = array<i32>} : memref<128x128xf32, #tpu.memory_space<vmem>>, vector<1x16xf32>,
      %parallel_loop3A_622 = vector.shape_cast %parallel_loop3A_621 : vector<1x16xf32> to vector<16xf32>
      %parallel_loop3A_623 = arith.constant 0 : i32
      %parallel_loop3A_624 = arith.constant 0 : i32
      %parallel_loop3A_625 = tpu.memref_slice %arg10[%parallel_loop3A_399, %parallel_loop3A_623, %parallel_loop3A_624] : memref<3x128x128xf32, #tpu.memory_space<vmem>> -> memref<1x128x128xf32, #tpu.memory_space<vmem>>
      %parallel_loop3A_626 = tpu.memref_squeeze %parallel_loop3A_625 : memref<1x128x128xf32, #tpu.memory_space<vmem>> -> memref<128x128xf32, #tpu.memory_space<vmem>>
      %parallel_loop3A_627 = arith.index_cast %parallel_loop3A_529 : i32 to index
      %parallel_loop3A_628 = arith.constant 80 : index
      %parallel_loop3A_629 = tpu.vector_load %parallel_loop3A_626[%parallel_loop3A_627, %parallel_loop3A_628] {strides = array<i32>} : memref<128x128xf32, #tpu.memory_space<vmem>>, vector<1x16xf32>,
      %parallel_loop3A_630 = vector.shape_cast %parallel_loop3A_629 : vector<1x16xf32> to vector<16xf32>
      %parallel_loop3A_631 = arith.mulf %parallel_loop3A_622, %parallel_loop3A_630 : vector<16xf32>
      %parallel_loop3A_632 = arith.constant 0 : i32
      %parallel_loop3A_633 = arith.constant 0 : i32
      %parallel_loop3A_634 = tpu.memref_slice %arg9[%parallel_loop3A_398, %parallel_loop3A_632, %parallel_loop3A_633] : memref<3x128x128xf32, #tpu.memory_space<vmem>> -> memref<1x128x128xf32, #tpu.memory_space<vmem>>
      %parallel_loop3A_635 = tpu.memref_squeeze %parallel_loop3A_634 : memref<1x128x128xf32, #tpu.memory_space<vmem>> -> memref<128x128xf32, #tpu.memory_space<vmem>>
      %parallel_loop3A_636 = arith.index_cast %parallel_loop3A_529 : i32 to index
      %parallel_loop3A_637 = arith.constant 96 : index
      %parallel_loop3A_638 = tpu.vector_load %parallel_loop3A_635[%parallel_loop3A_636, %parallel_loop3A_637] {strides = array<i32>} : memref<128x128xf32, #tpu.memory_space<vmem>>, vector<1x16xf32>,
      %parallel_loop3A_639 = vector.shape_cast %parallel_loop3A_638 : vector<1x16xf32> to vector<16xf32>
      %parallel_loop3A_640 = arith.constant 0 : i32
      %parallel_loop3A_641 = arith.constant 0 : i32
      %parallel_loop3A_642 = tpu.memref_slice %arg10[%parallel_loop3A_399, %parallel_loop3A_640, %parallel_loop3A_641] : memref<3x128x128xf32, #tpu.memory_space<vmem>> -> memref<1x128x128xf32, #tpu.memory_space<vmem>>
      %parallel_loop3A_643 = tpu.memref_squeeze %parallel_loop3A_642 : memref<1x128x128xf32, #tpu.memory_space<vmem>> -> memref<128x128xf32, #tpu.memory_space<vmem>>
      %parallel_loop3A_644 = arith.index_cast %parallel_loop3A_529 : i32 to index
      %parallel_loop3A_645 = arith.constant 96 : index
      %parallel_loop3A_646 = tpu.vector_load %parallel_loop3A_643[%parallel_loop3A_644, %parallel_loop3A_645] {strides = array<i32>} : memref<128x128xf32, #tpu.memory_space<vmem>>, vector<1x16xf32>,
      %parallel_loop3A_647 = vector.shape_cast %parallel_loop3A_646 : vector<1x16xf32> to vector<16xf32>
      %parallel_loop3A_648 = arith.mulf %parallel_loop3A_639, %parallel_loop3A_647 : vector<16xf32>
      %parallel_loop3A_649 = arith.constant 0 : i32
      %parallel_loop3A_650 = arith.constant 0 : i32
      %parallel_loop3A_651 = tpu.memref_slice %arg9[%parallel_loop3A_398, %parallel_loop3A_649, %parallel_loop3A_650] : memref<3x128x128xf32, #tpu.memory_space<vmem>> -> memref<1x128x128xf32, #tpu.memory_space<vmem>>
      %parallel_loop3A_652 = tpu.memref_squeeze %parallel_loop3A_651 : memref<1x128x128xf32, #tpu.memory_space<vmem>> -> memref<128x128xf32, #tpu.memory_space<vmem>>
      %parallel_loop3A_653 = arith.index_cast %parallel_loop3A_529 : i32 to index
      %parallel_loop3A_654 = arith.constant 112 : index
      %parallel_loop3A_655 = tpu.vector_load %parallel_loop3A_652[%parallel_loop3A_653, %parallel_loop3A_654] {strides = array<i32>} : memref<128x128xf32, #tpu.memory_space<vmem>>, vector<1x16xf32>,
      %parallel_loop3A_656 = vector.shape_cast %parallel_loop3A_655 : vector<1x16xf32> to vector<16xf32>
      %parallel_loop3A_657 = arith.constant 0 : i32
      %parallel_loop3A_658 = arith.constant 0 : i32
      %parallel_loop3A_659 = tpu.memref_slice %arg10[%parallel_loop3A_399, %parallel_loop3A_657, %parallel_loop3A_658] : memref<3x128x128xf32, #tpu.memory_space<vmem>> -> memref<1x128x128xf32, #tpu.memory_space<vmem>>
      %parallel_loop3A_660 = tpu.memref_squeeze %parallel_loop3A_659 : memref<1x128x128xf32, #tpu.memory_space<vmem>> -> memref<128x128xf32, #tpu.memory_space<vmem>>
      %parallel_loop3A_661 = arith.index_cast %parallel_loop3A_529 : i32 to index
      %parallel_loop3A_662 = arith.constant 112 : index
      %parallel_loop3A_663 = tpu.vector_load %parallel_loop3A_660[%parallel_loop3A_661, %parallel_loop3A_662] {strides = array<i32>} : memref<128x128xf32, #tpu.memory_space<vmem>>, vector<1x16xf32>,
      %parallel_loop3A_664 = vector.shape_cast %parallel_loop3A_663 : vector<1x16xf32> to vector<16xf32>
      %parallel_loop3A_665 = arith.mulf %parallel_loop3A_656, %parallel_loop3A_664 : vector<16xf32>
      %parallel_loop3A_666 = arith.addf %parallel_loop3A_546, %parallel_loop3A_563 : vector<16xf32>
      %parallel_loop3A_667 = arith.addf %parallel_loop3A_580, %parallel_loop3A_597 : vector<16xf32>
      %parallel_loop3A_668 = arith.addf %parallel_loop3A_614, %parallel_loop3A_631 : vector<16xf32>
      %parallel_loop3A_669 = arith.addf %parallel_loop3A_648, %parallel_loop3A_665 : vector<16xf32>
      %parallel_loop3A_670 = arith.addf %parallel_loop3A_666, %parallel_loop3A_667 : vector<16xf32>
      %parallel_loop3A_671 = arith.addf %parallel_loop3A_668, %parallel_loop3A_669 : vector<16xf32>
      %parallel_loop3A_672 = arith.addf %parallel_loop3A_670, %parallel_loop3A_671 : vector<16xf32>
      %parallel_loop3A_673 = arith.constant 0 : i32
      %parallel_loop3A_674 = vector.broadcast %parallel_loop3A_673 : i32 to vector<16xi32>
      %parallel_loop3A_675 = arith.cmpi slt, %xor3A_340, %parallel_loop3A_674 : vector<16xi32>
      %parallel_loop3A_676 = arith.constant 16 : i32
      %parallel_loop3A_677 = vector.broadcast %parallel_loop3A_676 : i32 to vector<16xi32>
      %parallel_loop3A_678 = arith.addi %xor3A_340, %parallel_loop3A_677 : vector<16xi32>
      %parallel_loop3A_679 = arith.select %parallel_loop3A_675, %parallel_loop3A_678, %xor3A_340 : vector<16xi1>, vector<16xi32>
      %parallel_loop3A_680 = vector.shape_cast %parallel_loop3A_679 : vector<16xi32> to vector<16x1xi32>
      %parallel_loop3A_681 = vector.shape_cast %parallel_loop3A_680 : vector<16x1xi32> to vector<16xi32>
      %parallel_loop3A_682 = tpu.dynamic_gather %parallel_loop3A_672[%parallel_loop3A_681] in [0] : vector<16xf32>, vector<16xi32> -> vector<16xf32>
      %parallel_loop3A_683 = arith.addf %parallel_loop3A_672, %parallel_loop3A_682 : vector<16xf32>
      %parallel_loop3A_684 = arith.constant 0 : i32
      %parallel_loop3A_685 = vector.broadcast %parallel_loop3A_684 : i32 to vector<16xi32>
      %parallel_loop3A_686 = arith.cmpi slt, %xor3A_343, %parallel_loop3A_685 : vector<16xi32>
      %parallel_loop3A_687 = arith.constant 16 : i32
      %parallel_loop3A_688 = vector.broadcast %parallel_loop3A_687 : i32 to vector<16xi32>
      %parallel_loop3A_689 = arith.addi %xor3A_343, %parallel_loop3A_688 : vector<16xi32>
      %parallel_loop3A_690 = arith.select %parallel_loop3A_686, %parallel_loop3A_689, %xor3A_343 : vector<16xi1>, vector<16xi32>
      %parallel_loop3A_691 = vector.shape_cast %parallel_loop3A_690 : vector<16xi32> to vector<16x1xi32>
      %parallel_loop3A_692 = vector.shape_cast %parallel_loop3A_691 : vector<16x1xi32> to vector<16xi32>
      %parallel_loop3A_693 = tpu.dynamic_gather %parallel_loop3A_683[%parallel_loop3A_692] in [0] : vector<16xf32>, vector<16xi32> -> vector<16xf32>
      %parallel_loop3A_694 = arith.addf %parallel_loop3A_683, %parallel_loop3A_693 : vector<16xf32>
      %parallel_loop3A_695 = arith.constant 0 : i32
      %parallel_loop3A_696 = vector.broadcast %parallel_loop3A_695 : i32 to vector<16xi32>
      %parallel_loop3A_697 = arith.cmpi slt, %xor3A_346, %parallel_loop3A_696 : vector<16xi32>
      %parallel_loop3A_698 = arith.constant 16 : i32
      %parallel_loop3A_699 = vector.broadcast %parallel_loop3A_698 : i32 to vector<16xi32>
      %parallel_loop3A_700 = arith.addi %xor3A_346, %parallel_loop3A_699 : vector<16xi32>
      %parallel_loop3A_701 = arith.select %parallel_loop3A_697, %parallel_loop3A_700, %xor3A_346 : vector<16xi1>, vector<16xi32>
      %parallel_loop3A_702 = vector.shape_cast %parallel_loop3A_701 : vector<16xi32> to vector<16x1xi32>
      %parallel_loop3A_703 = vector.shape_cast %parallel_loop3A_702 : vector<16x1xi32> to vector<16xi32>
      %parallel_loop3A_704 = tpu.dynamic_gather %parallel_loop3A_694[%parallel_loop3A_703] in [0] : vector<16xf32>, vector<16xi32> -> vector<16xf32>
      %parallel_loop3A_705 = arith.addf %parallel_loop3A_694, %parallel_loop3A_704 : vector<16xf32>
      %parallel_loop3A_706 = arith.constant 0 : i32
      %parallel_loop3A_707 = vector.broadcast %parallel_loop3A_706 : i32 to vector<16xi32>
      %parallel_loop3A_708 = arith.cmpi slt, %xor3A_349, %parallel_loop3A_707 : vector<16xi32>
      %parallel_loop3A_709 = arith.constant 16 : i32
      %parallel_loop3A_710 = vector.broadcast %parallel_loop3A_709 : i32 to vector<16xi32>
      %parallel_loop3A_711 = arith.addi %xor3A_349, %parallel_loop3A_710 : vector<16xi32>
      %parallel_loop3A_712 = arith.select %parallel_loop3A_708, %parallel_loop3A_711, %xor3A_349 : vector<16xi1>, vector<16xi32>
      %parallel_loop3A_713 = vector.shape_cast %parallel_loop3A_712 : vector<16xi32> to vector<16x1xi32>
      %parallel_loop3A_714 = vector.shape_cast %parallel_loop3A_713 : vector<16x1xi32> to vector<16xi32>
      %parallel_loop3A_715 = tpu.dynamic_gather %parallel_loop3A_705[%parallel_loop3A_714] in [0] : vector<16xf32>, vector<16xi32> -> vector<16xf32>
      %parallel_loop3A_716 = arith.addf %parallel_loop3A_705, %parallel_loop3A_715 : vector<16xf32>
      %parallel_loop3A_717 = arith.index_cast %parallel_loop3A_529 : i32 to index
      %parallel_loop3A_718 = arith.constant 0 : index
      %parallel_loop3A_719 = tpu.vector_load %arg11[%parallel_loop3A_717, %parallel_loop3A_718] {strides = array<i32>} : memref<128x16xf32, #tpu.memory_space<vmem>>, vector<1x16xf32>,
      %parallel_loop3A_720 = vector.shape_cast %parallel_loop3A_719 : vector<1x16xf32> to vector<16xf32>
      %parallel_loop3A_721 = vector.shape_cast %parallel_loop3A_716 : vector<16xf32> to vector<1x16xf32>
      tpu.vector_store %arg11[%parallel_loop3A_717, %parallel_loop3A_718], %parallel_loop3A_721 {strides = array<i32>} : memref<128x16xf32, #tpu.memory_space<vmem>>, vector<1x16xf32>,
    } {sc.loop_unroll_factor = 4 : i64, sc.parallel_access}
    %parallel_loop3A_400 = arith.constant 0 : i32
    %parallel_loop3A_401 = arith.constant 8 : i32
    %parallel_loop3A_402 = arith.constant 1 : i32
    scf.for %parallel_loop3A_529 = %parallel_loop3A_400 to %parallel_loop3A_401 step %parallel_loop3A_402  : i32 {
      %parallel_loop3A_530 = arith.constant 16 : i32
      %parallel_loop3A_531 = arith.muli %parallel_loop3A_529, %parallel_loop3A_530 : i32
      %parallel_loop3A_532 = arith.index_cast %parallel_loop3A_531 : i32 to index
      %parallel_loop3A_533 = arith.constant 0 : index
      %parallel_loop3A_534 = tpu.vector_load %arg11[%parallel_loop3A_532, %parallel_loop3A_533] {strides = array<i32>} : memref<128x16xf32, #tpu.memory_space<vmem>>, vector<1x16xf32>,
      %parallel_loop3A_535 = vector.shape_cast %parallel_loop3A_534 : vector<1x16xf32> to vector<16xf32>
      %parallel_loop3A_536 = arith.constant 16 : i32
      %parallel_loop3A_537 = arith.muli %parallel_loop3A_529, %parallel_loop3A_536 : i32
      %parallel_loop3A_538 = arith.constant 1 : i32
      %parallel_loop3A_539 = arith.addi %parallel_loop3A_537, %parallel_loop3A_538 : i32
      %parallel_loop3A_540 = arith.index_cast %parallel_loop3A_539 : i32 to index
      %parallel_loop3A_541 = arith.constant 0 : index
      %parallel_loop3A_542 = tpu.vector_load %arg11[%parallel_loop3A_540, %parallel_loop3A_541] {strides = array<i32>} : memref<128x16xf32, #tpu.memory_space<vmem>>, vector<1x16xf32>,
      %parallel_loop3A_543 = vector.shape_cast %parallel_loop3A_542 : vector<1x16xf32> to vector<16xf32>
      %parallel_loop3A_544 = arith.select %eq3A_352, %parallel_loop3A_543, %parallel_loop3A_535 : vector<16xi1>, vector<16xf32>
      %parallel_loop3A_545 = arith.constant 16 : i32
      %parallel_loop3A_546 = arith.muli %parallel_loop3A_529, %parallel_loop3A_545 : i32
      %parallel_loop3A_547 = arith.constant 2 : i32
      %parallel_loop3A_548 = arith.addi %parallel_loop3A_546, %parallel_loop3A_547 : i32
      %parallel_loop3A_549 = arith.index_cast %parallel_loop3A_548 : i32 to index
      %parallel_loop3A_550 = arith.constant 0 : index
      %parallel_loop3A_551 = tpu.vector_load %arg11[%parallel_loop3A_549, %parallel_loop3A_550] {strides = array<i32>} : memref<128x16xf32, #tpu.memory_space<vmem>>, vector<1x16xf32>,
      %parallel_loop3A_552 = vector.shape_cast %parallel_loop3A_551 : vector<1x16xf32> to vector<16xf32>
      %parallel_loop3A_553 = arith.select %eq3A_355, %parallel_loop3A_552, %parallel_loop3A_544 : vector<16xi1>, vector<16xf32>
      %parallel_loop3A_554 = arith.constant 16 : i32
      %parallel_loop3A_555 = arith.muli %parallel_loop3A_529, %parallel_loop3A_554 : i32
      %parallel_loop3A_556 = arith.constant 3 : i32
      %parallel_loop3A_557 = arith.addi %parallel_loop3A_555, %parallel_loop3A_556 : i32
      %parallel_loop3A_558 = arith.index_cast %parallel_loop3A_557 : i32 to index
      %parallel_loop3A_559 = arith.constant 0 : index
      %parallel_loop3A_560 = tpu.vector_load %arg11[%parallel_loop3A_558, %parallel_loop3A_559] {strides = array<i32>} : memref<128x16xf32, #tpu.memory_space<vmem>>, vector<1x16xf32>,
      %parallel_loop3A_561 = vector.shape_cast %parallel_loop3A_560 : vector<1x16xf32> to vector<16xf32>
      %parallel_loop3A_562 = arith.select %eq3A_358, %parallel_loop3A_561, %parallel_loop3A_553 : vector<16xi1>, vector<16xf32>
      %parallel_loop3A_563 = arith.constant 16 : i32
      %parallel_loop3A_564 = arith.muli %parallel_loop3A_529, %parallel_loop3A_563 : i32
      %parallel_loop3A_565 = arith.constant 4 : i32
      %parallel_loop3A_566 = arith.addi %parallel_loop3A_564, %parallel_loop3A_565 : i32
      %parallel_loop3A_567 = arith.index_cast %parallel_loop3A_566 : i32 to index
      %parallel_loop3A_568 = arith.constant 0 : index
      %parallel_loop3A_569 = tpu.vector_load %arg11[%parallel_loop3A_567, %parallel_loop3A_568] {strides = array<i32>} : memref<128x16xf32, #tpu.memory_space<vmem>>, vector<1x16xf32>,
      %parallel_loop3A_570 = vector.shape_cast %parallel_loop3A_569 : vector<1x16xf32> to vector<16xf32>
      %parallel_loop3A_571 = arith.select %eq3A_361, %parallel_loop3A_570, %parallel_loop3A_562 : vector<16xi1>, vector<16xf32>
      %parallel_loop3A_572 = arith.constant 16 : i32
      %parallel_loop3A_573 = arith.muli %parallel_loop3A_529, %parallel_loop3A_572 : i32
      %parallel_loop3A_574 = arith.constant 5 : i32
      %parallel_loop3A_575 = arith.addi %parallel_loop3A_573, %parallel_loop3A_574 : i32
      %parallel_loop3A_576 = arith.index_cast %parallel_loop3A_575 : i32 to index
      %parallel_loop3A_577 = arith.constant 0 : index
      %parallel_loop3A_578 = tpu.vector_load %arg11[%parallel_loop3A_576, %parallel_loop3A_577] {strides = array<i32>} : memref<128x16xf32, #tpu.memory_space<vmem>>, vector<1x16xf32>,
      %parallel_loop3A_579 = vector.shape_cast %parallel_loop3A_578 : vector<1x16xf32> to vector<16xf32>
      %parallel_loop3A_580 = arith.select %eq3A_364, %parallel_loop3A_579, %parallel_loop3A_571 : vector<16xi1>, vector<16xf32>
      %parallel_loop3A_581 = arith.constant 16 : i32
      %parallel_loop3A_582 = arith.muli %parallel_loop3A_529, %parallel_loop3A_581 : i32
      %parallel_loop3A_583 = arith.constant 6 : i32
      %parallel_loop3A_584 = arith.addi %parallel_loop3A_582, %parallel_loop3A_583 : i32
      %parallel_loop3A_585 = arith.index_cast %parallel_loop3A_584 : i32 to index
      %parallel_loop3A_586 = arith.constant 0 : index
      %parallel_loop3A_587 = tpu.vector_load %arg11[%parallel_loop3A_585, %parallel_loop3A_586] {strides = array<i32>} : memref<128x16xf32, #tpu.memory_space<vmem>>, vector<1x16xf32>,
      %parallel_loop3A_588 = vector.shape_cast %parallel_loop3A_587 : vector<1x16xf32> to vector<16xf32>
      %parallel_loop3A_589 = arith.select %eq3A_367, %parallel_loop3A_588, %parallel_loop3A_580 : vector<16xi1>, vector<16xf32>
      %parallel_loop3A_590 = arith.constant 16 : i32
      %parallel_loop3A_591 = arith.muli %parallel_loop3A_529, %parallel_loop3A_590 : i32
      %parallel_loop3A_592 = arith.constant 7 : i32
      %parallel_loop3A_593 = arith.addi %parallel_loop3A_591, %parallel_loop3A_592 : i32
      %parallel_loop3A_594 = arith.index_cast %parallel_loop3A_593 : i32 to index
      %parallel_loop3A_595 = arith.constant 0 : index
      %parallel_loop3A_596 = tpu.vector_load %arg11[%parallel_loop3A_594, %parallel_loop3A_595] {strides = array<i32>} : memref<128x16xf32, #tpu.memory_space<vmem>>, vector<1x16xf32>,
      %parallel_loop3A_597 = vector.shape_cast %parallel_loop3A_596 : vector<1x16xf32> to vector<16xf32>
      %parallel_loop3A_598 = arith.select %eq3A_370, %parallel_loop3A_597, %parallel_loop3A_589 : vector<16xi1>, vector<16xf32>
      %parallel_loop3A_599 = arith.constant 16 : i32
      %parallel_loop3A_600 = arith.muli %parallel_loop3A_529, %parallel_loop3A_599 : i32
      %parallel_loop3A_601 = arith.constant 8 : i32
      %parallel_loop3A_602 = arith.addi %parallel_loop3A_600, %parallel_loop3A_601 : i32
      %parallel_loop3A_603 = arith.index_cast %parallel_loop3A_602 : i32 to index
      %parallel_loop3A_604 = arith.constant 0 : index
      %parallel_loop3A_605 = tpu.vector_load %arg11[%parallel_loop3A_603, %parallel_loop3A_604] {strides = array<i32>} : memref<128x16xf32, #tpu.memory_space<vmem>>, vector<1x16xf32>,
      %parallel_loop3A_606 = vector.shape_cast %parallel_loop3A_605 : vector<1x16xf32> to vector<16xf32>
      %parallel_loop3A_607 = arith.select %eq3A_373, %parallel_loop3A_606, %parallel_loop3A_598 : vector<16xi1>, vector<16xf32>
      %parallel_loop3A_608 = arith.constant 16 : i32
      %parallel_loop3A_609 = arith.muli %parallel_loop3A_529, %parallel_loop3A_608 : i32
      %parallel_loop3A_610 = arith.constant 9 : i32
      %parallel_loop3A_611 = arith.addi %parallel_loop3A_609, %parallel_loop3A_610 : i32
      %parallel_loop3A_612 = arith.index_cast %parallel_loop3A_611 : i32 to index
      %parallel_loop3A_613 = arith.constant 0 : index
      %parallel_loop3A_614 = tpu.vector_load %arg11[%parallel_loop3A_612, %parallel_loop3A_613] {strides = array<i32>} : memref<128x16xf32, #tpu.memory_space<vmem>>, vector<1x16xf32>,
      %parallel_loop3A_615 = vector.shape_cast %parallel_loop3A_614 : vector<1x16xf32> to vector<16xf32>
      %parallel_loop3A_616 = arith.select %eq3A_376, %parallel_loop3A_615, %parallel_loop3A_607 : vector<16xi1>, vector<16xf32>
      %parallel_loop3A_617 = arith.constant 16 : i32
      %parallel_loop3A_618 = arith.muli %parallel_loop3A_529, %parallel_loop3A_617 : i32
      %parallel_loop3A_619 = arith.constant 10 : i32
      %parallel_loop3A_620 = arith.addi %parallel_loop3A_618, %parallel_loop3A_619 : i32
      %parallel_loop3A_621 = arith.index_cast %parallel_loop3A_620 : i32 to index
      %parallel_loop3A_622 = arith.constant 0 : index
      %parallel_loop3A_623 = tpu.vector_load %arg11[%parallel_loop3A_621, %parallel_loop3A_622] {strides = array<i32>} : memref<128x16xf32, #tpu.memory_space<vmem>>, vector<1x16xf32>,
      %parallel_loop3A_624 = vector.shape_cast %parallel_loop3A_623 : vector<1x16xf32> to vector<16xf32>
      %parallel_loop3A_625 = arith.select %eq3A_379, %parallel_loop3A_624, %parallel_loop3A_616 : vector<16xi1>, vector<16xf32>
      %parallel_loop3A_626 = arith.constant 16 : i32
      %parallel_loop3A_627 = arith.muli %parallel_loop3A_529, %parallel_loop3A_626 : i32
      %parallel_loop3A_628 = arith.constant 11 : i32
      %parallel_loop3A_629 = arith.addi %parallel_loop3A_627, %parallel_loop3A_628 : i32
      %parallel_loop3A_630 = arith.index_cast %parallel_loop3A_629 : i32 to index
      %parallel_loop3A_631 = arith.constant 0 : index
      %parallel_loop3A_632 = tpu.vector_load %arg11[%parallel_loop3A_630, %parallel_loop3A_631] {strides = array<i32>} : memref<128x16xf32, #tpu.memory_space<vmem>>, vector<1x16xf32>,
      %parallel_loop3A_633 = vector.shape_cast %parallel_loop3A_632 : vector<1x16xf32> to vector<16xf32>
      %parallel_loop3A_634 = arith.select %eq3A_382, %parallel_loop3A_633, %parallel_loop3A_625 : vector<16xi1>, vector<16xf32>
      %parallel_loop3A_635 = arith.constant 16 : i32
      %parallel_loop3A_636 = arith.muli %parallel_loop3A_529, %parallel_loop3A_635 : i32
      %parallel_loop3A_637 = arith.constant 12 : i32
      %parallel_loop3A_638 = arith.addi %parallel_loop3A_636, %parallel_loop3A_637 : i32
      %parallel_loop3A_639 = arith.index_cast %parallel_loop3A_638 : i32 to index
      %parallel_loop3A_640 = arith.constant 0 : index
      %parallel_loop3A_641 = tpu.vector_load %arg11[%parallel_loop3A_639, %parallel_loop3A_640] {strides = array<i32>} : memref<128x16xf32, #tpu.memory_space<vmem>>, vector<1x16xf32>,
      %parallel_loop3A_642 = vector.shape_cast %parallel_loop3A_641 : vector<1x16xf32> to vector<16xf32>
      %parallel_loop3A_643 = arith.select %eq3A_385, %parallel_loop3A_642, %parallel_loop3A_634 : vector<16xi1>, vector<16xf32>
      %parallel_loop3A_644 = arith.constant 16 : i32
      %parallel_loop3A_645 = arith.muli %parallel_loop3A_529, %parallel_loop3A_644 : i32
      %parallel_loop3A_646 = arith.constant 13 : i32
      %parallel_loop3A_647 = arith.addi %parallel_loop3A_645, %parallel_loop3A_646 : i32
      %parallel_loop3A_648 = arith.index_cast %parallel_loop3A_647 : i32 to index
      %parallel_loop3A_649 = arith.constant 0 : index
      %parallel_loop3A_650 = tpu.vector_load %arg11[%parallel_loop3A_648, %parallel_loop3A_649] {strides = array<i32>} : memref<128x16xf32, #tpu.memory_space<vmem>>, vector<1x16xf32>,
      %parallel_loop3A_651 = vector.shape_cast %parallel_loop3A_650 : vector<1x16xf32> to vector<16xf32>
      %parallel_loop3A_652 = arith.select %eq3A_388, %parallel_loop3A_651, %parallel_loop3A_643 : vector<16xi1>, vector<16xf32>
      %parallel_loop3A_653 = arith.constant 16 : i32
      %parallel_loop3A_654 = arith.muli %parallel_loop3A_529, %parallel_loop3A_653 : i32
      %parallel_loop3A_655 = arith.constant 14 : i32
      %parallel_loop3A_656 = arith.addi %parallel_loop3A_654, %parallel_loop3A_655 : i32
      %parallel_loop3A_657 = arith.index_cast %parallel_loop3A_656 : i32 to index
      %parallel_loop3A_658 = arith.constant 0 : index
      %parallel_loop3A_659 = tpu.vector_load %arg11[%parallel_loop3A_657, %parallel_loop3A_658] {strides = array<i32>} : memref<128x16xf32, #tpu.memory_space<vmem>>, vector<1x16xf32>,
      %parallel_loop3A_660 = vector.shape_cast %parallel_loop3A_659 : vector<1x16xf32> to vector<16xf32>
      %parallel_loop3A_661 = arith.select %eq3A_391, %parallel_loop3A_660, %parallel_loop3A_652 : vector<16xi1>, vector<16xf32>
      %parallel_loop3A_662 = arith.constant 16 : i32
      %parallel_loop3A_663 = arith.muli %parallel_loop3A_529, %parallel_loop3A_662 : i32
      %parallel_loop3A_664 = arith.constant 15 : i32
      %parallel_loop3A_665 = arith.addi %parallel_loop3A_663, %parallel_loop3A_664 : i32
      %parallel_loop3A_666 = arith.index_cast %parallel_loop3A_665 : i32 to index
      %parallel_loop3A_667 = arith.constant 0 : index
      %parallel_loop3A_668 = tpu.vector_load %arg11[%parallel_loop3A_666, %parallel_loop3A_667] {strides = array<i32>} : memref<128x16xf32, #tpu.memory_space<vmem>>, vector<1x16xf32>,
      %parallel_loop3A_669 = vector.shape_cast %parallel_loop3A_668 : vector<1x16xf32> to vector<16xf32>
      %parallel_loop3A_670 = arith.select %eq3A_394, %parallel_loop3A_669, %parallel_loop3A_661 : vector<16xi1>, vector<16xf32>
      %parallel_loop3A_671 = arith.constant 16 : i32
      %parallel_loop3A_672 = arith.muli %parallel_loop3A_529, %parallel_loop3A_671 : i32
      %parallel_loop3A_673 = arith.constant 256 : i32
      %parallel_loop3A_674 = arith.addi %parallel_loop3A_673, %parallel_loop3A_672 : i32
      %parallel_loop3A_675 = arith.index_cast %parallel_loop3A_674 : i32 to index
      %parallel_loop3A_676 = tpu.vector_load %arg12[%parallel_loop3A_675] {strides = array<i32>} : memref<512xf32, #tpu.memory_space<vmem>>, vector<16xf32>,
      %parallel_loop3A_677 = vector.shape_cast %parallel_loop3A_676 : vector<16xf32> to vector<16xf32>
      %parallel_loop3A_678 = vector.shape_cast %parallel_loop3A_670 : vector<16xf32> to vector<16xf32>
      tpu.vector_store %arg12[%parallel_loop3A_675], %parallel_loop3A_678 {strides = array<i32>} : memref<512xf32, #tpu.memory_space<vmem>>, vector<16xf32>,
    } {sc.loop_unroll_factor = 2 : i64, sc.parallel_access}
    %add3A_403 = arith.constant 256 : i32
    %add3A_404 = arith.addi %mul3A_2, %add3A_403 : i32
    %dma_start3A_405 = arith.constant 256 : i32
    %dma_start3A_406 = tpu.memref_slice %arg12[%dma_start3A_405] : memref<512xf32, #tpu.memory_space<vmem>> -> memref<128xf32, #tpu.memory_space<vmem>>
    %dma_start3A_407 = tpu.memref_slice %arg6[%add3A_404] : memref<16384xf32, #tpu.memory_space<hbm>> -> memref<128xf32, #tpu.memory_space<hbm>>
    %dma_start3A_408 = tpu.memref_slice %arg6[%add3A_404] : memref<16384xf32, #tpu.memory_space<hbm>> -> memref<128xf32, #tpu.memory_space<hbm>>
    %dma_start3A_409 = arith.constant 256 : i32
    %dma_start3A_410 = tpu.memref_slice %arg12[%dma_start3A_409] : memref<512xf32, #tpu.memory_space<vmem>> -> memref<128xf32, #tpu.memory_space<vmem>>
    tpu.enqueue_dma source(%dma_start3A_410 : memref<128xf32, #tpu.memory_space<vmem>>) target(%dma_start3A_408 : memref<128xf32, #tpu.memory_space<hbm>>) target_semaphore(%arg13 : memref<!tpu.dma_semaphore, #tpu.memory_space<semaphore_mem>>)
    %dma_wait3A_411 = arith.constant 0 : i32
    %dma_wait3A_412 = arith.constant 0 : i32
    %dma_wait3A_413 = arith.constant 0 : i32
    %dma_wait3A_414 = tpu.memref_slice %arg9[%dma_wait3A_411, %dma_wait3A_412, %dma_wait3A_413] : memref<3x128x128xf32, #tpu.memory_space<vmem>> -> memref<1x128x128xf32, #tpu.memory_space<vmem>>
    %dma_wait3A_415 = tpu.memref_squeeze %dma_wait3A_414 : memref<1x128x128xf32, #tpu.memory_space<vmem>> -> memref<128x128xf32, #tpu.memory_space<vmem>>
    %dma_wait3A_416 = arith.constant 384 : i32
    %dma_wait3A_417 = tpu.memref_slice %arg7[%dma_wait3A_416] : memref<512xi32, #tpu.memory_space<vmem>> -> memref<128xi32, #tpu.memory_space<vmem>>
    %dma_wait3A_418 = arith.constant 0 : i32
    %dma_wait3A_419 = arith.constant 0 : i32
    %dma_wait3A_420 = tpu.memref_slice %arg4[%dma_wait3A_418, %dma_wait3A_419] : memref<100000x128xf32, #tpu.memory_space<hbm>> -> memref<100000x128xf32, #tpu.memory_space<hbm>>
    tpu.wait_indirect_dma semaphore(%arg14 : memref<!tpu.dma_semaphore, #tpu.memory_space<semaphore_mem>>) src(%dma_wait3A_420 : memref<100000x128xf32, #tpu.memory_space<hbm>>) dst(%dma_wait3A_415 : memref<128x128xf32, #tpu.memory_space<vmem>>)
    %dma_wait3A_421 = arith.constant 0 : i32
    %dma_wait3A_422 = arith.constant 0 : i32
    %dma_wait3A_423 = arith.constant 0 : i32
    %dma_wait3A_424 = tpu.memref_slice %arg10[%dma_wait3A_421, %dma_wait3A_422, %dma_wait3A_423] : memref<3x128x128xf32, #tpu.memory_space<vmem>> -> memref<1x128x128xf32, #tpu.memory_space<vmem>>
    %dma_wait3A_425 = tpu.memref_squeeze %dma_wait3A_424 : memref<1x128x128xf32, #tpu.memory_space<vmem>> -> memref<128x128xf32, #tpu.memory_space<vmem>>
    %dma_wait3A_426 = arith.constant 384 : i32
    %dma_wait3A_427 = tpu.memref_slice %arg8[%dma_wait3A_426] : memref<512xi32, #tpu.memory_space<vmem>> -> memref<128xi32, #tpu.memory_space<vmem>>
    %dma_wait3A_428 = arith.constant 0 : i32
    %dma_wait3A_429 = arith.constant 0 : i32
    %dma_wait3A_430 = tpu.memref_slice %arg5[%dma_wait3A_428, %dma_wait3A_429] : memref<100000x128xf32, #tpu.memory_space<hbm>> -> memref<100000x128xf32, #tpu.memory_space<hbm>>
    tpu.wait_indirect_dma semaphore(%arg14 : memref<!tpu.dma_semaphore, #tpu.memory_space<semaphore_mem>>) src(%dma_wait3A_430 : memref<100000x128xf32, #tpu.memory_space<hbm>>) dst(%dma_wait3A_425 : memref<128x128xf32, #tpu.memory_space<vmem>>)
    %iota3A_431 = tpu.iota {dimensions = array<i32: 0>} : vector<16xi32>
    %xor3A_432 = arith.constant 8 : i32
    %xor3A_433 = vector.broadcast %xor3A_432 : i32 to vector<16xi32>
    %xor3A_434 = arith.xori %iota3A_431, %xor3A_433 : vector<16xi32>
    %xor3A_435 = arith.constant 4 : i32
    %xor3A_436 = vector.broadcast %xor3A_435 : i32 to vector<16xi32>
    %xor3A_437 = arith.xori %iota3A_431, %xor3A_436 : vector<16xi32>
    %xor3A_438 = arith.constant 2 : i32
    %xor3A_439 = vector.broadcast %xor3A_438 : i32 to vector<16xi32>
    %xor3A_440 = arith.xori %iota3A_431, %xor3A_439 : vector<16xi32>
    %xor3A_441 = arith.constant 1 : i32
    %xor3A_442 = vector.broadcast %xor3A_441 : i32 to vector<16xi32>
    %xor3A_443 = arith.xori %iota3A_431, %xor3A_442 : vector<16xi32>
    %eq3A_444 = arith.constant 1 : i32
    %eq3A_445 = vector.broadcast %eq3A_444 : i32 to vector<16xi32>
    %eq3A_446 = arith.cmpi eq, %iota3A_431, %eq3A_445 : vector<16xi32>
    %eq3A_447 = arith.constant 2 : i32
    %eq3A_448 = vector.broadcast %eq3A_447 : i32 to vector<16xi32>
    %eq3A_449 = arith.cmpi eq, %iota3A_431, %eq3A_448 : vector<16xi32>
    %eq3A_450 = arith.constant 3 : i32
    %eq3A_451 = vector.broadcast %eq3A_450 : i32 to vector<16xi32>
    %eq3A_452 = arith.cmpi eq, %iota3A_431, %eq3A_451 : vector<16xi32>
    %eq3A_453 = arith.constant 4 : i32
    %eq3A_454 = vector.broadcast %eq3A_453 : i32 to vector<16xi32>
    %eq3A_455 = arith.cmpi eq, %iota3A_431, %eq3A_454 : vector<16xi32>
    %eq3A_456 = arith.constant 5 : i32
    %eq3A_457 = vector.broadcast %eq3A_456 : i32 to vector<16xi32>
    %eq3A_458 = arith.cmpi eq, %iota3A_431, %eq3A_457 : vector<16xi32>
    %eq3A_459 = arith.constant 6 : i32
    %eq3A_460 = vector.broadcast %eq3A_459 : i32 to vector<16xi32>
    %eq3A_461 = arith.cmpi eq, %iota3A_431, %eq3A_460 : vector<16xi32>
    %eq3A_462 = arith.constant 7 : i32
    %eq3A_463 = vector.broadcast %eq3A_462 : i32 to vector<16xi32>
    %eq3A_464 = arith.cmpi eq, %iota3A_431, %eq3A_463 : vector<16xi32>
    %eq3A_465 = arith.constant 8 : i32
    %eq3A_466 = vector.broadcast %eq3A_465 : i32 to vector<16xi32>
    %eq3A_467 = arith.cmpi eq, %iota3A_431, %eq3A_466 : vector<16xi32>
    %eq3A_468 = arith.constant 9 : i32
    %eq3A_469 = vector.broadcast %eq3A_468 : i32 to vector<16xi32>
    %eq3A_470 = arith.cmpi eq, %iota3A_431, %eq3A_469 : vector<16xi32>
    %eq3A_471 = arith.constant 10 : i32
    %eq3A_472 = vector.broadcast %eq3A_471 : i32 to vector<16xi32>
    %eq3A_473 = arith.cmpi eq, %iota3A_431, %eq3A_472 : vector<16xi32>
    %eq3A_474 = arith.constant 11 : i32
    %eq3A_475 = vector.broadcast %eq3A_474 : i32 to vector<16xi32>
    %eq3A_476 = arith.cmpi eq, %iota3A_431, %eq3A_475 : vector<16xi32>
    %eq3A_477 = arith.constant 12 : i32
    %eq3A_478 = vector.broadcast %eq3A_477 : i32 to vector<16xi32>
    %eq3A_479 = arith.cmpi eq, %iota3A_431, %eq3A_478 : vector<16xi32>
    %eq3A_480 = arith.constant 13 : i32
    %eq3A_481 = vector.broadcast %eq3A_480 : i32 to vector<16xi32>
    %eq3A_482 = arith.cmpi eq, %iota3A_431, %eq3A_481 : vector<16xi32>
    %eq3A_483 = arith.constant 14 : i32
    %eq3A_484 = vector.broadcast %eq3A_483 : i32 to vector<16xi32>
    %eq3A_485 = arith.cmpi eq, %iota3A_431, %eq3A_484 : vector<16xi32>
    %eq3A_486 = arith.constant 15 : i32
    %eq3A_487 = vector.broadcast %eq3A_486 : i32 to vector<16xi32>
    %eq3A_488 = arith.cmpi eq, %iota3A_431, %eq3A_487 : vector<16xi32>
    %parallel_loop3A_489 = arith.constant 0 : i32
    %parallel_loop3A_490 = arith.constant 128 : i32
    %parallel_loop3A_491 = arith.constant 1 : i32
    %parallel_loop3A_492 = arith.constant 0 : i32
    %parallel_loop3A_493 = arith.constant 0 : i32
    scf.for %parallel_loop3A_529 = %parallel_loop3A_489 to %parallel_loop3A_490 step %parallel_loop3A_491  : i32 {
      %parallel_loop3A_530 = arith.constant 0 : i32
      %parallel_loop3A_531 = arith.constant 0 : i32
      %parallel_loop3A_532 = tpu.memref_slice %arg9[%parallel_loop3A_492, %parallel_loop3A_530, %parallel_loop3A_531] : memref<3x128x128xf32, #tpu.memory_space<vmem>> -> memref<1x128x128xf32, #tpu.memory_space<vmem>>
      %parallel_loop3A_533 = tpu.memref_squeeze %parallel_loop3A_532 : memref<1x128x128xf32, #tpu.memory_space<vmem>> -> memref<128x128xf32, #tpu.memory_space<vmem>>
      %parallel_loop3A_534 = arith.index_cast %parallel_loop3A_529 : i32 to index
      %parallel_loop3A_535 = arith.constant 0 : index
      %parallel_loop3A_536 = tpu.vector_load %parallel_loop3A_533[%parallel_loop3A_534, %parallel_loop3A_535] {strides = array<i32>} : memref<128x128xf32, #tpu.memory_space<vmem>>, vector<1x16xf32>,
      %parallel_loop3A_537 = vector.shape_cast %parallel_loop3A_536 : vector<1x16xf32> to vector<16xf32>
      %parallel_loop3A_538 = arith.constant 0 : i32
      %parallel_loop3A_539 = arith.constant 0 : i32
      %parallel_loop3A_540 = tpu.memref_slice %arg10[%parallel_loop3A_493, %parallel_loop3A_538, %parallel_loop3A_539] : memref<3x128x128xf32, #tpu.memory_space<vmem>> -> memref<1x128x128xf32, #tpu.memory_space<vmem>>
      %parallel_loop3A_541 = tpu.memref_squeeze %parallel_loop3A_540 : memref<1x128x128xf32, #tpu.memory_space<vmem>> -> memref<128x128xf32, #tpu.memory_space<vmem>>
      %parallel_loop3A_542 = arith.index_cast %parallel_loop3A_529 : i32 to index
      %parallel_loop3A_543 = arith.constant 0 : index
      %parallel_loop3A_544 = tpu.vector_load %parallel_loop3A_541[%parallel_loop3A_542, %parallel_loop3A_543] {strides = array<i32>} : memref<128x128xf32, #tpu.memory_space<vmem>>, vector<1x16xf32>,
      %parallel_loop3A_545 = vector.shape_cast %parallel_loop3A_544 : vector<1x16xf32> to vector<16xf32>
      %parallel_loop3A_546 = arith.mulf %parallel_loop3A_537, %parallel_loop3A_545 : vector<16xf32>
      %parallel_loop3A_547 = arith.constant 0 : i32
      %parallel_loop3A_548 = arith.constant 0 : i32
      %parallel_loop3A_549 = tpu.memref_slice %arg9[%parallel_loop3A_492, %parallel_loop3A_547, %parallel_loop3A_548] : memref<3x128x128xf32, #tpu.memory_space<vmem>> -> memref<1x128x128xf32, #tpu.memory_space<vmem>>
      %parallel_loop3A_550 = tpu.memref_squeeze %parallel_loop3A_549 : memref<1x128x128xf32, #tpu.memory_space<vmem>> -> memref<128x128xf32, #tpu.memory_space<vmem>>
      %parallel_loop3A_551 = arith.index_cast %parallel_loop3A_529 : i32 to index
      %parallel_loop3A_552 = arith.constant 16 : index
      %parallel_loop3A_553 = tpu.vector_load %parallel_loop3A_550[%parallel_loop3A_551, %parallel_loop3A_552] {strides = array<i32>} : memref<128x128xf32, #tpu.memory_space<vmem>>, vector<1x16xf32>,
      %parallel_loop3A_554 = vector.shape_cast %parallel_loop3A_553 : vector<1x16xf32> to vector<16xf32>
      %parallel_loop3A_555 = arith.constant 0 : i32
      %parallel_loop3A_556 = arith.constant 0 : i32
      %parallel_loop3A_557 = tpu.memref_slice %arg10[%parallel_loop3A_493, %parallel_loop3A_555, %parallel_loop3A_556] : memref<3x128x128xf32, #tpu.memory_space<vmem>> -> memref<1x128x128xf32, #tpu.memory_space<vmem>>
      %parallel_loop3A_558 = tpu.memref_squeeze %parallel_loop3A_557 : memref<1x128x128xf32, #tpu.memory_space<vmem>> -> memref<128x128xf32, #tpu.memory_space<vmem>>
      %parallel_loop3A_559 = arith.index_cast %parallel_loop3A_529 : i32 to index
      %parallel_loop3A_560 = arith.constant 16 : index
      %parallel_loop3A_561 = tpu.vector_load %parallel_loop3A_558[%parallel_loop3A_559, %parallel_loop3A_560] {strides = array<i32>} : memref<128x128xf32, #tpu.memory_space<vmem>>, vector<1x16xf32>,
      %parallel_loop3A_562 = vector.shape_cast %parallel_loop3A_561 : vector<1x16xf32> to vector<16xf32>
      %parallel_loop3A_563 = arith.mulf %parallel_loop3A_554, %parallel_loop3A_562 : vector<16xf32>
      %parallel_loop3A_564 = arith.constant 0 : i32
      %parallel_loop3A_565 = arith.constant 0 : i32
      %parallel_loop3A_566 = tpu.memref_slice %arg9[%parallel_loop3A_492, %parallel_loop3A_564, %parallel_loop3A_565] : memref<3x128x128xf32, #tpu.memory_space<vmem>> -> memref<1x128x128xf32, #tpu.memory_space<vmem>>
      %parallel_loop3A_567 = tpu.memref_squeeze %parallel_loop3A_566 : memref<1x128x128xf32, #tpu.memory_space<vmem>> -> memref<128x128xf32, #tpu.memory_space<vmem>>
      %parallel_loop3A_568 = arith.index_cast %parallel_loop3A_529 : i32 to index
      %parallel_loop3A_569 = arith.constant 32 : index
      %parallel_loop3A_570 = tpu.vector_load %parallel_loop3A_567[%parallel_loop3A_568, %parallel_loop3A_569] {strides = array<i32>} : memref<128x128xf32, #tpu.memory_space<vmem>>, vector<1x16xf32>,
      %parallel_loop3A_571 = vector.shape_cast %parallel_loop3A_570 : vector<1x16xf32> to vector<16xf32>
      %parallel_loop3A_572 = arith.constant 0 : i32
      %parallel_loop3A_573 = arith.constant 0 : i32
      %parallel_loop3A_574 = tpu.memref_slice %arg10[%parallel_loop3A_493, %parallel_loop3A_572, %parallel_loop3A_573] : memref<3x128x128xf32, #tpu.memory_space<vmem>> -> memref<1x128x128xf32, #tpu.memory_space<vmem>>
      %parallel_loop3A_575 = tpu.memref_squeeze %parallel_loop3A_574 : memref<1x128x128xf32, #tpu.memory_space<vmem>> -> memref<128x128xf32, #tpu.memory_space<vmem>>
      %parallel_loop3A_576 = arith.index_cast %parallel_loop3A_529 : i32 to index
      %parallel_loop3A_577 = arith.constant 32 : index
      %parallel_loop3A_578 = tpu.vector_load %parallel_loop3A_575[%parallel_loop3A_576, %parallel_loop3A_577] {strides = array<i32>} : memref<128x128xf32, #tpu.memory_space<vmem>>, vector<1x16xf32>,
      %parallel_loop3A_579 = vector.shape_cast %parallel_loop3A_578 : vector<1x16xf32> to vector<16xf32>
      %parallel_loop3A_580 = arith.mulf %parallel_loop3A_571, %parallel_loop3A_579 : vector<16xf32>
      %parallel_loop3A_581 = arith.constant 0 : i32
      %parallel_loop3A_582 = arith.constant 0 : i32
      %parallel_loop3A_583 = tpu.memref_slice %arg9[%parallel_loop3A_492, %parallel_loop3A_581, %parallel_loop3A_582] : memref<3x128x128xf32, #tpu.memory_space<vmem>> -> memref<1x128x128xf32, #tpu.memory_space<vmem>>
      %parallel_loop3A_584 = tpu.memref_squeeze %parallel_loop3A_583 : memref<1x128x128xf32, #tpu.memory_space<vmem>> -> memref<128x128xf32, #tpu.memory_space<vmem>>
      %parallel_loop3A_585 = arith.index_cast %parallel_loop3A_529 : i32 to index
      %parallel_loop3A_586 = arith.constant 48 : index
      %parallel_loop3A_587 = tpu.vector_load %parallel_loop3A_584[%parallel_loop3A_585, %parallel_loop3A_586] {strides = array<i32>} : memref<128x128xf32, #tpu.memory_space<vmem>>, vector<1x16xf32>,
      %parallel_loop3A_588 = vector.shape_cast %parallel_loop3A_587 : vector<1x16xf32> to vector<16xf32>
      %parallel_loop3A_589 = arith.constant 0 : i32
      %parallel_loop3A_590 = arith.constant 0 : i32
      %parallel_loop3A_591 = tpu.memref_slice %arg10[%parallel_loop3A_493, %parallel_loop3A_589, %parallel_loop3A_590] : memref<3x128x128xf32, #tpu.memory_space<vmem>> -> memref<1x128x128xf32, #tpu.memory_space<vmem>>
      %parallel_loop3A_592 = tpu.memref_squeeze %parallel_loop3A_591 : memref<1x128x128xf32, #tpu.memory_space<vmem>> -> memref<128x128xf32, #tpu.memory_space<vmem>>
      %parallel_loop3A_593 = arith.index_cast %parallel_loop3A_529 : i32 to index
      %parallel_loop3A_594 = arith.constant 48 : index
      %parallel_loop3A_595 = tpu.vector_load %parallel_loop3A_592[%parallel_loop3A_593, %parallel_loop3A_594] {strides = array<i32>} : memref<128x128xf32, #tpu.memory_space<vmem>>, vector<1x16xf32>,
      %parallel_loop3A_596 = vector.shape_cast %parallel_loop3A_595 : vector<1x16xf32> to vector<16xf32>
      %parallel_loop3A_597 = arith.mulf %parallel_loop3A_588, %parallel_loop3A_596 : vector<16xf32>
      %parallel_loop3A_598 = arith.constant 0 : i32
      %parallel_loop3A_599 = arith.constant 0 : i32
      %parallel_loop3A_600 = tpu.memref_slice %arg9[%parallel_loop3A_492, %parallel_loop3A_598, %parallel_loop3A_599] : memref<3x128x128xf32, #tpu.memory_space<vmem>> -> memref<1x128x128xf32, #tpu.memory_space<vmem>>
      %parallel_loop3A_601 = tpu.memref_squeeze %parallel_loop3A_600 : memref<1x128x128xf32, #tpu.memory_space<vmem>> -> memref<128x128xf32, #tpu.memory_space<vmem>>
      %parallel_loop3A_602 = arith.index_cast %parallel_loop3A_529 : i32 to index
      %parallel_loop3A_603 = arith.constant 64 : index
      %parallel_loop3A_604 = tpu.vector_load %parallel_loop3A_601[%parallel_loop3A_602, %parallel_loop3A_603] {strides = array<i32>} : memref<128x128xf32, #tpu.memory_space<vmem>>, vector<1x16xf32>,
      %parallel_loop3A_605 = vector.shape_cast %parallel_loop3A_604 : vector<1x16xf32> to vector<16xf32>
      %parallel_loop3A_606 = arith.constant 0 : i32
      %parallel_loop3A_607 = arith.constant 0 : i32
      %parallel_loop3A_608 = tpu.memref_slice %arg10[%parallel_loop3A_493, %parallel_loop3A_606, %parallel_loop3A_607] : memref<3x128x128xf32, #tpu.memory_space<vmem>> -> memref<1x128x128xf32, #tpu.memory_space<vmem>>
      %parallel_loop3A_609 = tpu.memref_squeeze %parallel_loop3A_608 : memref<1x128x128xf32, #tpu.memory_space<vmem>> -> memref<128x128xf32, #tpu.memory_space<vmem>>
      %parallel_loop3A_610 = arith.index_cast %parallel_loop3A_529 : i32 to index
      %parallel_loop3A_611 = arith.constant 64 : index
      %parallel_loop3A_612 = tpu.vector_load %parallel_loop3A_609[%parallel_loop3A_610, %parallel_loop3A_611] {strides = array<i32>} : memref<128x128xf32, #tpu.memory_space<vmem>>, vector<1x16xf32>,
      %parallel_loop3A_613 = vector.shape_cast %parallel_loop3A_612 : vector<1x16xf32> to vector<16xf32>
      %parallel_loop3A_614 = arith.mulf %parallel_loop3A_605, %parallel_loop3A_613 : vector<16xf32>
      %parallel_loop3A_615 = arith.constant 0 : i32
      %parallel_loop3A_616 = arith.constant 0 : i32
      %parallel_loop3A_617 = tpu.memref_slice %arg9[%parallel_loop3A_492, %parallel_loop3A_615, %parallel_loop3A_616] : memref<3x128x128xf32, #tpu.memory_space<vmem>> -> memref<1x128x128xf32, #tpu.memory_space<vmem>>
      %parallel_loop3A_618 = tpu.memref_squeeze %parallel_loop3A_617 : memref<1x128x128xf32, #tpu.memory_space<vmem>> -> memref<128x128xf32, #tpu.memory_space<vmem>>
      %parallel_loop3A_619 = arith.index_cast %parallel_loop3A_529 : i32 to index
      %parallel_loop3A_620 = arith.constant 80 : index
      %parallel_loop3A_621 = tpu.vector_load %parallel_loop3A_618[%parallel_loop3A_619, %parallel_loop3A_620] {strides = array<i32>} : memref<128x128xf32, #tpu.memory_space<vmem>>, vector<1x16xf32>,
      %parallel_loop3A_622 = vector.shape_cast %parallel_loop3A_621 : vector<1x16xf32> to vector<16xf32>
      %parallel_loop3A_623 = arith.constant 0 : i32
      %parallel_loop3A_624 = arith.constant 0 : i32
      %parallel_loop3A_625 = tpu.memref_slice %arg10[%parallel_loop3A_493, %parallel_loop3A_623, %parallel_loop3A_624] : memref<3x128x128xf32, #tpu.memory_space<vmem>> -> memref<1x128x128xf32, #tpu.memory_space<vmem>>
      %parallel_loop3A_626 = tpu.memref_squeeze %parallel_loop3A_625 : memref<1x128x128xf32, #tpu.memory_space<vmem>> -> memref<128x128xf32, #tpu.memory_space<vmem>>
      %parallel_loop3A_627 = arith.index_cast %parallel_loop3A_529 : i32 to index
      %parallel_loop3A_628 = arith.constant 80 : index
      %parallel_loop3A_629 = tpu.vector_load %parallel_loop3A_626[%parallel_loop3A_627, %parallel_loop3A_628] {strides = array<i32>} : memref<128x128xf32, #tpu.memory_space<vmem>>, vector<1x16xf32>,
      %parallel_loop3A_630 = vector.shape_cast %parallel_loop3A_629 : vector<1x16xf32> to vector<16xf32>
      %parallel_loop3A_631 = arith.mulf %parallel_loop3A_622, %parallel_loop3A_630 : vector<16xf32>
      %parallel_loop3A_632 = arith.constant 0 : i32
      %parallel_loop3A_633 = arith.constant 0 : i32
      %parallel_loop3A_634 = tpu.memref_slice %arg9[%parallel_loop3A_492, %parallel_loop3A_632, %parallel_loop3A_633] : memref<3x128x128xf32, #tpu.memory_space<vmem>> -> memref<1x128x128xf32, #tpu.memory_space<vmem>>
      %parallel_loop3A_635 = tpu.memref_squeeze %parallel_loop3A_634 : memref<1x128x128xf32, #tpu.memory_space<vmem>> -> memref<128x128xf32, #tpu.memory_space<vmem>>
      %parallel_loop3A_636 = arith.index_cast %parallel_loop3A_529 : i32 to index
      %parallel_loop3A_637 = arith.constant 96 : index
      %parallel_loop3A_638 = tpu.vector_load %parallel_loop3A_635[%parallel_loop3A_636, %parallel_loop3A_637] {strides = array<i32>} : memref<128x128xf32, #tpu.memory_space<vmem>>, vector<1x16xf32>,
      %parallel_loop3A_639 = vector.shape_cast %parallel_loop3A_638 : vector<1x16xf32> to vector<16xf32>
      %parallel_loop3A_640 = arith.constant 0 : i32
      %parallel_loop3A_641 = arith.constant 0 : i32
      %parallel_loop3A_642 = tpu.memref_slice %arg10[%parallel_loop3A_493, %parallel_loop3A_640, %parallel_loop3A_641] : memref<3x128x128xf32, #tpu.memory_space<vmem>> -> memref<1x128x128xf32, #tpu.memory_space<vmem>>
      %parallel_loop3A_643 = tpu.memref_squeeze %parallel_loop3A_642 : memref<1x128x128xf32, #tpu.memory_space<vmem>> -> memref<128x128xf32, #tpu.memory_space<vmem>>
      %parallel_loop3A_644 = arith.index_cast %parallel_loop3A_529 : i32 to index
      %parallel_loop3A_645 = arith.constant 96 : index
      %parallel_loop3A_646 = tpu.vector_load %parallel_loop3A_643[%parallel_loop3A_644, %parallel_loop3A_645] {strides = array<i32>} : memref<128x128xf32, #tpu.memory_space<vmem>>, vector<1x16xf32>,
      %parallel_loop3A_647 = vector.shape_cast %parallel_loop3A_646 : vector<1x16xf32> to vector<16xf32>
      %parallel_loop3A_648 = arith.mulf %parallel_loop3A_639, %parallel_loop3A_647 : vector<16xf32>
      %parallel_loop3A_649 = arith.constant 0 : i32
      %parallel_loop3A_650 = arith.constant 0 : i32
      %parallel_loop3A_651 = tpu.memref_slice %arg9[%parallel_loop3A_492, %parallel_loop3A_649, %parallel_loop3A_650] : memref<3x128x128xf32, #tpu.memory_space<vmem>> -> memref<1x128x128xf32, #tpu.memory_space<vmem>>
      %parallel_loop3A_652 = tpu.memref_squeeze %parallel_loop3A_651 : memref<1x128x128xf32, #tpu.memory_space<vmem>> -> memref<128x128xf32, #tpu.memory_space<vmem>>
      %parallel_loop3A_653 = arith.index_cast %parallel_loop3A_529 : i32 to index
      %parallel_loop3A_654 = arith.constant 112 : index
      %parallel_loop3A_655 = tpu.vector_load %parallel_loop3A_652[%parallel_loop3A_653, %parallel_loop3A_654] {strides = array<i32>} : memref<128x128xf32, #tpu.memory_space<vmem>>, vector<1x16xf32>,
      %parallel_loop3A_656 = vector.shape_cast %parallel_loop3A_655 : vector<1x16xf32> to vector<16xf32>
      %parallel_loop3A_657 = arith.constant 0 : i32
      %parallel_loop3A_658 = arith.constant 0 : i32
      %parallel_loop3A_659 = tpu.memref_slice %arg10[%parallel_loop3A_493, %parallel_loop3A_657, %parallel_loop3A_658] : memref<3x128x128xf32, #tpu.memory_space<vmem>> -> memref<1x128x128xf32, #tpu.memory_space<vmem>>
      %parallel_loop3A_660 = tpu.memref_squeeze %parallel_loop3A_659 : memref<1x128x128xf32, #tpu.memory_space<vmem>> -> memref<128x128xf32, #tpu.memory_space<vmem>>
      %parallel_loop3A_661 = arith.index_cast %parallel_loop3A_529 : i32 to index
      %parallel_loop3A_662 = arith.constant 112 : index
      %parallel_loop3A_663 = tpu.vector_load %parallel_loop3A_660[%parallel_loop3A_661, %parallel_loop3A_662] {strides = array<i32>} : memref<128x128xf32, #tpu.memory_space<vmem>>, vector<1x16xf32>,
      %parallel_loop3A_664 = vector.shape_cast %parallel_loop3A_663 : vector<1x16xf32> to vector<16xf32>
      %parallel_loop3A_665 = arith.mulf %parallel_loop3A_656, %parallel_loop3A_664 : vector<16xf32>
      %parallel_loop3A_666 = arith.addf %parallel_loop3A_546, %parallel_loop3A_563 : vector<16xf32>
      %parallel_loop3A_667 = arith.addf %parallel_loop3A_580, %parallel_loop3A_597 : vector<16xf32>
      %parallel_loop3A_668 = arith.addf %parallel_loop3A_614, %parallel_loop3A_631 : vector<16xf32>
      %parallel_loop3A_669 = arith.addf %parallel_loop3A_648, %parallel_loop3A_665 : vector<16xf32>
      %parallel_loop3A_670 = arith.addf %parallel_loop3A_666, %parallel_loop3A_667 : vector<16xf32>
      %parallel_loop3A_671 = arith.addf %parallel_loop3A_668, %parallel_loop3A_669 : vector<16xf32>
      %parallel_loop3A_672 = arith.addf %parallel_loop3A_670, %parallel_loop3A_671 : vector<16xf32>
      %parallel_loop3A_673 = arith.constant 0 : i32
      %parallel_loop3A_674 = vector.broadcast %parallel_loop3A_673 : i32 to vector<16xi32>
      %parallel_loop3A_675 = arith.cmpi slt, %xor3A_434, %parallel_loop3A_674 : vector<16xi32>
      %parallel_loop3A_676 = arith.constant 16 : i32
      %parallel_loop3A_677 = vector.broadcast %parallel_loop3A_676 : i32 to vector<16xi32>
      %parallel_loop3A_678 = arith.addi %xor3A_434, %parallel_loop3A_677 : vector<16xi32>
      %parallel_loop3A_679 = arith.select %parallel_loop3A_675, %parallel_loop3A_678, %xor3A_434 : vector<16xi1>, vector<16xi32>
      %parallel_loop3A_680 = vector.shape_cast %parallel_loop3A_679 : vector<16xi32> to vector<16x1xi32>
      %parallel_loop3A_681 = vector.shape_cast %parallel_loop3A_680 : vector<16x1xi32> to vector<16xi32>
      %parallel_loop3A_682 = tpu.dynamic_gather %parallel_loop3A_672[%parallel_loop3A_681] in [0] : vector<16xf32>, vector<16xi32> -> vector<16xf32>
      %parallel_loop3A_683 = arith.addf %parallel_loop3A_672, %parallel_loop3A_682 : vector<16xf32>
      %parallel_loop3A_684 = arith.constant 0 : i32
      %parallel_loop3A_685 = vector.broadcast %parallel_loop3A_684 : i32 to vector<16xi32>
      %parallel_loop3A_686 = arith.cmpi slt, %xor3A_437, %parallel_loop3A_685 : vector<16xi32>
      %parallel_loop3A_687 = arith.constant 16 : i32
      %parallel_loop3A_688 = vector.broadcast %parallel_loop3A_687 : i32 to vector<16xi32>
      %parallel_loop3A_689 = arith.addi %xor3A_437, %parallel_loop3A_688 : vector<16xi32>
      %parallel_loop3A_690 = arith.select %parallel_loop3A_686, %parallel_loop3A_689, %xor3A_437 : vector<16xi1>, vector<16xi32>
      %parallel_loop3A_691 = vector.shape_cast %parallel_loop3A_690 : vector<16xi32> to vector<16x1xi32>
      %parallel_loop3A_692 = vector.shape_cast %parallel_loop3A_691 : vector<16x1xi32> to vector<16xi32>
      %parallel_loop3A_693 = tpu.dynamic_gather %parallel_loop3A_683[%parallel_loop3A_692] in [0] : vector<16xf32>, vector<16xi32> -> vector<16xf32>
      %parallel_loop3A_694 = arith.addf %parallel_loop3A_683, %parallel_loop3A_693 : vector<16xf32>
      %parallel_loop3A_695 = arith.constant 0 : i32
      %parallel_loop3A_696 = vector.broadcast %parallel_loop3A_695 : i32 to vector<16xi32>
      %parallel_loop3A_697 = arith.cmpi slt, %xor3A_440, %parallel_loop3A_696 : vector<16xi32>
      %parallel_loop3A_698 = arith.constant 16 : i32
      %parallel_loop3A_699 = vector.broadcast %parallel_loop3A_698 : i32 to vector<16xi32>
      %parallel_loop3A_700 = arith.addi %xor3A_440, %parallel_loop3A_699 : vector<16xi32>
      %parallel_loop3A_701 = arith.select %parallel_loop3A_697, %parallel_loop3A_700, %xor3A_440 : vector<16xi1>, vector<16xi32>
      %parallel_loop3A_702 = vector.shape_cast %parallel_loop3A_701 : vector<16xi32> to vector<16x1xi32>
      %parallel_loop3A_703 = vector.shape_cast %parallel_loop3A_702 : vector<16x1xi32> to vector<16xi32>
      %parallel_loop3A_704 = tpu.dynamic_gather %parallel_loop3A_694[%parallel_loop3A_703] in [0] : vector<16xf32>, vector<16xi32> -> vector<16xf32>
      %parallel_loop3A_705 = arith.addf %parallel_loop3A_694, %parallel_loop3A_704 : vector<16xf32>
      %parallel_loop3A_706 = arith.constant 0 : i32
      %parallel_loop3A_707 = vector.broadcast %parallel_loop3A_706 : i32 to vector<16xi32>
      %parallel_loop3A_708 = arith.cmpi slt, %xor3A_443, %parallel_loop3A_707 : vector<16xi32>
      %parallel_loop3A_709 = arith.constant 16 : i32
      %parallel_loop3A_710 = vector.broadcast %parallel_loop3A_709 : i32 to vector<16xi32>
      %parallel_loop3A_711 = arith.addi %xor3A_443, %parallel_loop3A_710 : vector<16xi32>
      %parallel_loop3A_712 = arith.select %parallel_loop3A_708, %parallel_loop3A_711, %xor3A_443 : vector<16xi1>, vector<16xi32>
      %parallel_loop3A_713 = vector.shape_cast %parallel_loop3A_712 : vector<16xi32> to vector<16x1xi32>
      %parallel_loop3A_714 = vector.shape_cast %parallel_loop3A_713 : vector<16x1xi32> to vector<16xi32>
      %parallel_loop3A_715 = tpu.dynamic_gather %parallel_loop3A_705[%parallel_loop3A_714] in [0] : vector<16xf32>, vector<16xi32> -> vector<16xf32>
      %parallel_loop3A_716 = arith.addf %parallel_loop3A_705, %parallel_loop3A_715 : vector<16xf32>
      %parallel_loop3A_717 = arith.index_cast %parallel_loop3A_529 : i32 to index
      %parallel_loop3A_718 = arith.constant 0 : index
      %parallel_loop3A_719 = tpu.vector_load %arg11[%parallel_loop3A_717, %parallel_loop3A_718] {strides = array<i32>} : memref<128x16xf32, #tpu.memory_space<vmem>>, vector<1x16xf32>,
      %parallel_loop3A_720 = vector.shape_cast %parallel_loop3A_719 : vector<1x16xf32> to vector<16xf32>
      %parallel_loop3A_721 = vector.shape_cast %parallel_loop3A_716 : vector<16xf32> to vector<1x16xf32>
      tpu.vector_store %arg11[%parallel_loop3A_717, %parallel_loop3A_718], %parallel_loop3A_721 {strides = array<i32>} : memref<128x16xf32, #tpu.memory_space<vmem>>, vector<1x16xf32>,
    } {sc.loop_unroll_factor = 4 : i64, sc.parallel_access}
    %parallel_loop3A_494 = arith.constant 0 : i32
    %parallel_loop3A_495 = arith.constant 8 : i32
    %parallel_loop3A_496 = arith.constant 1 : i32
    scf.for %parallel_loop3A_529 = %parallel_loop3A_494 to %parallel_loop3A_495 step %parallel_loop3A_496  : i32 {
      %parallel_loop3A_530 = arith.constant 16 : i32
      %parallel_loop3A_531 = arith.muli %parallel_loop3A_529, %parallel_loop3A_530 : i32
      %parallel_loop3A_532 = arith.index_cast %parallel_loop3A_531 : i32 to index
      %parallel_loop3A_533 = arith.constant 0 : index
      %parallel_loop3A_534 = tpu.vector_load %arg11[%parallel_loop3A_532, %parallel_loop3A_533] {strides = array<i32>} : memref<128x16xf32, #tpu.memory_space<vmem>>, vector<1x16xf32>,
      %parallel_loop3A_535 = vector.shape_cast %parallel_loop3A_534 : vector<1x16xf32> to vector<16xf32>
      %parallel_loop3A_536 = arith.constant 16 : i32
      %parallel_loop3A_537 = arith.muli %parallel_loop3A_529, %parallel_loop3A_536 : i32
      %parallel_loop3A_538 = arith.constant 1 : i32
      %parallel_loop3A_539 = arith.addi %parallel_loop3A_537, %parallel_loop3A_538 : i32
      %parallel_loop3A_540 = arith.index_cast %parallel_loop3A_539 : i32 to index
      %parallel_loop3A_541 = arith.constant 0 : index
      %parallel_loop3A_542 = tpu.vector_load %arg11[%parallel_loop3A_540, %parallel_loop3A_541] {strides = array<i32>} : memref<128x16xf32, #tpu.memory_space<vmem>>, vector<1x16xf32>,
      %parallel_loop3A_543 = vector.shape_cast %parallel_loop3A_542 : vector<1x16xf32> to vector<16xf32>
      %parallel_loop3A_544 = arith.select %eq3A_446, %parallel_loop3A_543, %parallel_loop3A_535 : vector<16xi1>, vector<16xf32>
      %parallel_loop3A_545 = arith.constant 16 : i32
      %parallel_loop3A_546 = arith.muli %parallel_loop3A_529, %parallel_loop3A_545 : i32
      %parallel_loop3A_547 = arith.constant 2 : i32
      %parallel_loop3A_548 = arith.addi %parallel_loop3A_546, %parallel_loop3A_547 : i32
      %parallel_loop3A_549 = arith.index_cast %parallel_loop3A_548 : i32 to index
      %parallel_loop3A_550 = arith.constant 0 : index
      %parallel_loop3A_551 = tpu.vector_load %arg11[%parallel_loop3A_549, %parallel_loop3A_550] {strides = array<i32>} : memref<128x16xf32, #tpu.memory_space<vmem>>, vector<1x16xf32>,
      %parallel_loop3A_552 = vector.shape_cast %parallel_loop3A_551 : vector<1x16xf32> to vector<16xf32>
      %parallel_loop3A_553 = arith.select %eq3A_449, %parallel_loop3A_552, %parallel_loop3A_544 : vector<16xi1>, vector<16xf32>
      %parallel_loop3A_554 = arith.constant 16 : i32
      %parallel_loop3A_555 = arith.muli %parallel_loop3A_529, %parallel_loop3A_554 : i32
      %parallel_loop3A_556 = arith.constant 3 : i32
      %parallel_loop3A_557 = arith.addi %parallel_loop3A_555, %parallel_loop3A_556 : i32
      %parallel_loop3A_558 = arith.index_cast %parallel_loop3A_557 : i32 to index
      %parallel_loop3A_559 = arith.constant 0 : index
      %parallel_loop3A_560 = tpu.vector_load %arg11[%parallel_loop3A_558, %parallel_loop3A_559] {strides = array<i32>} : memref<128x16xf32, #tpu.memory_space<vmem>>, vector<1x16xf32>,
      %parallel_loop3A_561 = vector.shape_cast %parallel_loop3A_560 : vector<1x16xf32> to vector<16xf32>
      %parallel_loop3A_562 = arith.select %eq3A_452, %parallel_loop3A_561, %parallel_loop3A_553 : vector<16xi1>, vector<16xf32>
      %parallel_loop3A_563 = arith.constant 16 : i32
      %parallel_loop3A_564 = arith.muli %parallel_loop3A_529, %parallel_loop3A_563 : i32
      %parallel_loop3A_565 = arith.constant 4 : i32
      %parallel_loop3A_566 = arith.addi %parallel_loop3A_564, %parallel_loop3A_565 : i32
      %parallel_loop3A_567 = arith.index_cast %parallel_loop3A_566 : i32 to index
      %parallel_loop3A_568 = arith.constant 0 : index
      %parallel_loop3A_569 = tpu.vector_load %arg11[%parallel_loop3A_567, %parallel_loop3A_568] {strides = array<i32>} : memref<128x16xf32, #tpu.memory_space<vmem>>, vector<1x16xf32>,
      %parallel_loop3A_570 = vector.shape_cast %parallel_loop3A_569 : vector<1x16xf32> to vector<16xf32>
      %parallel_loop3A_571 = arith.select %eq3A_455, %parallel_loop3A_570, %parallel_loop3A_562 : vector<16xi1>, vector<16xf32>
      %parallel_loop3A_572 = arith.constant 16 : i32
      %parallel_loop3A_573 = arith.muli %parallel_loop3A_529, %parallel_loop3A_572 : i32
      %parallel_loop3A_574 = arith.constant 5 : i32
      %parallel_loop3A_575 = arith.addi %parallel_loop3A_573, %parallel_loop3A_574 : i32
      %parallel_loop3A_576 = arith.index_cast %parallel_loop3A_575 : i32 to index
      %parallel_loop3A_577 = arith.constant 0 : index
      %parallel_loop3A_578 = tpu.vector_load %arg11[%parallel_loop3A_576, %parallel_loop3A_577] {strides = array<i32>} : memref<128x16xf32, #tpu.memory_space<vmem>>, vector<1x16xf32>,
      %parallel_loop3A_579 = vector.shape_cast %parallel_loop3A_578 : vector<1x16xf32> to vector<16xf32>
      %parallel_loop3A_580 = arith.select %eq3A_458, %parallel_loop3A_579, %parallel_loop3A_571 : vector<16xi1>, vector<16xf32>
      %parallel_loop3A_581 = arith.constant 16 : i32
      %parallel_loop3A_582 = arith.muli %parallel_loop3A_529, %parallel_loop3A_581 : i32
      %parallel_loop3A_583 = arith.constant 6 : i32
      %parallel_loop3A_584 = arith.addi %parallel_loop3A_582, %parallel_loop3A_583 : i32
      %parallel_loop3A_585 = arith.index_cast %parallel_loop3A_584 : i32 to index
      %parallel_loop3A_586 = arith.constant 0 : index
      %parallel_loop3A_587 = tpu.vector_load %arg11[%parallel_loop3A_585, %parallel_loop3A_586] {strides = array<i32>} : memref<128x16xf32, #tpu.memory_space<vmem>>, vector<1x16xf32>,
      %parallel_loop3A_588 = vector.shape_cast %parallel_loop3A_587 : vector<1x16xf32> to vector<16xf32>
      %parallel_loop3A_589 = arith.select %eq3A_461, %parallel_loop3A_588, %parallel_loop3A_580 : vector<16xi1>, vector<16xf32>
      %parallel_loop3A_590 = arith.constant 16 : i32
      %parallel_loop3A_591 = arith.muli %parallel_loop3A_529, %parallel_loop3A_590 : i32
      %parallel_loop3A_592 = arith.constant 7 : i32
      %parallel_loop3A_593 = arith.addi %parallel_loop3A_591, %parallel_loop3A_592 : i32
      %parallel_loop3A_594 = arith.index_cast %parallel_loop3A_593 : i32 to index
      %parallel_loop3A_595 = arith.constant 0 : index
      %parallel_loop3A_596 = tpu.vector_load %arg11[%parallel_loop3A_594, %parallel_loop3A_595] {strides = array<i32>} : memref<128x16xf32, #tpu.memory_space<vmem>>, vector<1x16xf32>,
      %parallel_loop3A_597 = vector.shape_cast %parallel_loop3A_596 : vector<1x16xf32> to vector<16xf32>
      %parallel_loop3A_598 = arith.select %eq3A_464, %parallel_loop3A_597, %parallel_loop3A_589 : vector<16xi1>, vector<16xf32>
      %parallel_loop3A_599 = arith.constant 16 : i32
      %parallel_loop3A_600 = arith.muli %parallel_loop3A_529, %parallel_loop3A_599 : i32
      %parallel_loop3A_601 = arith.constant 8 : i32
      %parallel_loop3A_602 = arith.addi %parallel_loop3A_600, %parallel_loop3A_601 : i32
      %parallel_loop3A_603 = arith.index_cast %parallel_loop3A_602 : i32 to index
      %parallel_loop3A_604 = arith.constant 0 : index
      %parallel_loop3A_605 = tpu.vector_load %arg11[%parallel_loop3A_603, %parallel_loop3A_604] {strides = array<i32>} : memref<128x16xf32, #tpu.memory_space<vmem>>, vector<1x16xf32>,
      %parallel_loop3A_606 = vector.shape_cast %parallel_loop3A_605 : vector<1x16xf32> to vector<16xf32>
      %parallel_loop3A_607 = arith.select %eq3A_467, %parallel_loop3A_606, %parallel_loop3A_598 : vector<16xi1>, vector<16xf32>
      %parallel_loop3A_608 = arith.constant 16 : i32
      %parallel_loop3A_609 = arith.muli %parallel_loop3A_529, %parallel_loop3A_608 : i32
      %parallel_loop3A_610 = arith.constant 9 : i32
      %parallel_loop3A_611 = arith.addi %parallel_loop3A_609, %parallel_loop3A_610 : i32
      %parallel_loop3A_612 = arith.index_cast %parallel_loop3A_611 : i32 to index
      %parallel_loop3A_613 = arith.constant 0 : index
      %parallel_loop3A_614 = tpu.vector_load %arg11[%parallel_loop3A_612, %parallel_loop3A_613] {strides = array<i32>} : memref<128x16xf32, #tpu.memory_space<vmem>>, vector<1x16xf32>,
      %parallel_loop3A_615 = vector.shape_cast %parallel_loop3A_614 : vector<1x16xf32> to vector<16xf32>
      %parallel_loop3A_616 = arith.select %eq3A_470, %parallel_loop3A_615, %parallel_loop3A_607 : vector<16xi1>, vector<16xf32>
      %parallel_loop3A_617 = arith.constant 16 : i32
      %parallel_loop3A_618 = arith.muli %parallel_loop3A_529, %parallel_loop3A_617 : i32
      %parallel_loop3A_619 = arith.constant 10 : i32
      %parallel_loop3A_620 = arith.addi %parallel_loop3A_618, %parallel_loop3A_619 : i32
      %parallel_loop3A_621 = arith.index_cast %parallel_loop3A_620 : i32 to index
      %parallel_loop3A_622 = arith.constant 0 : index
      %parallel_loop3A_623 = tpu.vector_load %arg11[%parallel_loop3A_621, %parallel_loop3A_622] {strides = array<i32>} : memref<128x16xf32, #tpu.memory_space<vmem>>, vector<1x16xf32>,
      %parallel_loop3A_624 = vector.shape_cast %parallel_loop3A_623 : vector<1x16xf32> to vector<16xf32>
      %parallel_loop3A_625 = arith.select %eq3A_473, %parallel_loop3A_624, %parallel_loop3A_616 : vector<16xi1>, vector<16xf32>
      %parallel_loop3A_626 = arith.constant 16 : i32
      %parallel_loop3A_627 = arith.muli %parallel_loop3A_529, %parallel_loop3A_626 : i32
      %parallel_loop3A_628 = arith.constant 11 : i32
      %parallel_loop3A_629 = arith.addi %parallel_loop3A_627, %parallel_loop3A_628 : i32
      %parallel_loop3A_630 = arith.index_cast %parallel_loop3A_629 : i32 to index
      %parallel_loop3A_631 = arith.constant 0 : index
      %parallel_loop3A_632 = tpu.vector_load %arg11[%parallel_loop3A_630, %parallel_loop3A_631] {strides = array<i32>} : memref<128x16xf32, #tpu.memory_space<vmem>>, vector<1x16xf32>,
      %parallel_loop3A_633 = vector.shape_cast %parallel_loop3A_632 : vector<1x16xf32> to vector<16xf32>
      %parallel_loop3A_634 = arith.select %eq3A_476, %parallel_loop3A_633, %parallel_loop3A_625 : vector<16xi1>, vector<16xf32>
      %parallel_loop3A_635 = arith.constant 16 : i32
      %parallel_loop3A_636 = arith.muli %parallel_loop3A_529, %parallel_loop3A_635 : i32
      %parallel_loop3A_637 = arith.constant 12 : i32
      %parallel_loop3A_638 = arith.addi %parallel_loop3A_636, %parallel_loop3A_637 : i32
      %parallel_loop3A_639 = arith.index_cast %parallel_loop3A_638 : i32 to index
      %parallel_loop3A_640 = arith.constant 0 : index
      %parallel_loop3A_641 = tpu.vector_load %arg11[%parallel_loop3A_639, %parallel_loop3A_640] {strides = array<i32>} : memref<128x16xf32, #tpu.memory_space<vmem>>, vector<1x16xf32>,
      %parallel_loop3A_642 = vector.shape_cast %parallel_loop3A_641 : vector<1x16xf32> to vector<16xf32>
      %parallel_loop3A_643 = arith.select %eq3A_479, %parallel_loop3A_642, %parallel_loop3A_634 : vector<16xi1>, vector<16xf32>
      %parallel_loop3A_644 = arith.constant 16 : i32
      %parallel_loop3A_645 = arith.muli %parallel_loop3A_529, %parallel_loop3A_644 : i32
      %parallel_loop3A_646 = arith.constant 13 : i32
      %parallel_loop3A_647 = arith.addi %parallel_loop3A_645, %parallel_loop3A_646 : i32
      %parallel_loop3A_648 = arith.index_cast %parallel_loop3A_647 : i32 to index
      %parallel_loop3A_649 = arith.constant 0 : index
      %parallel_loop3A_650 = tpu.vector_load %arg11[%parallel_loop3A_648, %parallel_loop3A_649] {strides = array<i32>} : memref<128x16xf32, #tpu.memory_space<vmem>>, vector<1x16xf32>,
      %parallel_loop3A_651 = vector.shape_cast %parallel_loop3A_650 : vector<1x16xf32> to vector<16xf32>
      %parallel_loop3A_652 = arith.select %eq3A_482, %parallel_loop3A_651, %parallel_loop3A_643 : vector<16xi1>, vector<16xf32>
      %parallel_loop3A_653 = arith.constant 16 : i32
      %parallel_loop3A_654 = arith.muli %parallel_loop3A_529, %parallel_loop3A_653 : i32
      %parallel_loop3A_655 = arith.constant 14 : i32
      %parallel_loop3A_656 = arith.addi %parallel_loop3A_654, %parallel_loop3A_655 : i32
      %parallel_loop3A_657 = arith.index_cast %parallel_loop3A_656 : i32 to index
      %parallel_loop3A_658 = arith.constant 0 : index
      %parallel_loop3A_659 = tpu.vector_load %arg11[%parallel_loop3A_657, %parallel_loop3A_658] {strides = array<i32>} : memref<128x16xf32, #tpu.memory_space<vmem>>, vector<1x16xf32>,
      %parallel_loop3A_660 = vector.shape_cast %parallel_loop3A_659 : vector<1x16xf32> to vector<16xf32>
      %parallel_loop3A_661 = arith.select %eq3A_485, %parallel_loop3A_660, %parallel_loop3A_652 : vector<16xi1>, vector<16xf32>
      %parallel_loop3A_662 = arith.constant 16 : i32
      %parallel_loop3A_663 = arith.muli %parallel_loop3A_529, %parallel_loop3A_662 : i32
      %parallel_loop3A_664 = arith.constant 15 : i32
      %parallel_loop3A_665 = arith.addi %parallel_loop3A_663, %parallel_loop3A_664 : i32
      %parallel_loop3A_666 = arith.index_cast %parallel_loop3A_665 : i32 to index
      %parallel_loop3A_667 = arith.constant 0 : index
      %parallel_loop3A_668 = tpu.vector_load %arg11[%parallel_loop3A_666, %parallel_loop3A_667] {strides = array<i32>} : memref<128x16xf32, #tpu.memory_space<vmem>>, vector<1x16xf32>,
      %parallel_loop3A_669 = vector.shape_cast %parallel_loop3A_668 : vector<1x16xf32> to vector<16xf32>
      %parallel_loop3A_670 = arith.select %eq3A_488, %parallel_loop3A_669, %parallel_loop3A_661 : vector<16xi1>, vector<16xf32>
      %parallel_loop3A_671 = arith.constant 16 : i32
      %parallel_loop3A_672 = arith.muli %parallel_loop3A_529, %parallel_loop3A_671 : i32
      %parallel_loop3A_673 = arith.constant 384 : i32
      %parallel_loop3A_674 = arith.addi %parallel_loop3A_673, %parallel_loop3A_672 : i32
      %parallel_loop3A_675 = arith.index_cast %parallel_loop3A_674 : i32 to index
      %parallel_loop3A_676 = tpu.vector_load %arg12[%parallel_loop3A_675] {strides = array<i32>} : memref<512xf32, #tpu.memory_space<vmem>>, vector<16xf32>,
      %parallel_loop3A_677 = vector.shape_cast %parallel_loop3A_676 : vector<16xf32> to vector<16xf32>
      %parallel_loop3A_678 = vector.shape_cast %parallel_loop3A_670 : vector<16xf32> to vector<16xf32>
      tpu.vector_store %arg12[%parallel_loop3A_675], %parallel_loop3A_678 {strides = array<i32>} : memref<512xf32, #tpu.memory_space<vmem>>, vector<16xf32>,
    } {sc.loop_unroll_factor = 2 : i64, sc.parallel_access}
    %add3A_497 = arith.constant 384 : i32
    %add3A_498 = arith.addi %mul3A_2, %add3A_497 : i32
    %dma_start3A_499 = arith.constant 384 : i32
    %dma_start3A_500 = tpu.memref_slice %arg12[%dma_start3A_499] : memref<512xf32, #tpu.memory_space<vmem>> -> memref<128xf32, #tpu.memory_space<vmem>>
    %dma_start3A_501 = tpu.memref_slice %arg6[%add3A_498] : memref<16384xf32, #tpu.memory_space<hbm>> -> memref<128xf32, #tpu.memory_space<hbm>>
    %dma_start3A_502 = tpu.memref_slice %arg6[%add3A_498] : memref<16384xf32, #tpu.memory_space<hbm>> -> memref<128xf32, #tpu.memory_space<hbm>>
    %dma_start3A_503 = arith.constant 384 : i32
    %dma_start3A_504 = tpu.memref_slice %arg12[%dma_start3A_503] : memref<512xf32, #tpu.memory_space<vmem>> -> memref<128xf32, #tpu.memory_space<vmem>>
    tpu.enqueue_dma source(%dma_start3A_504 : memref<128xf32, #tpu.memory_space<vmem>>) target(%dma_start3A_502 : memref<128xf32, #tpu.memory_space<hbm>>) target_semaphore(%arg13 : memref<!tpu.dma_semaphore, #tpu.memory_space<semaphore_mem>>)
    %dma_wait3A_505 = arith.constant 0 : i32
    %dma_wait3A_506 = tpu.memref_slice %arg12[%dma_wait3A_505] : memref<512xf32, #tpu.memory_space<vmem>> -> memref<128xf32, #tpu.memory_space<vmem>>
    %dma_wait3A_507 = tpu.memref_slice %arg6[%add3A_196] : memref<16384xf32, #tpu.memory_space<hbm>> -> memref<128xf32, #tpu.memory_space<hbm>>
    %dma_wait3A_508 = tpu.memref_slice %arg6[%add3A_196] : memref<16384xf32, #tpu.memory_space<hbm>> -> memref<128xf32, #tpu.memory_space<hbm>>
    %dma_wait3A_509 = arith.constant 0 : i32
    %dma_wait3A_510 = tpu.memref_slice %arg12[%dma_wait3A_509] : memref<512xf32, #tpu.memory_space<vmem>> -> memref<128xf32, #tpu.memory_space<vmem>>
    tpu.wait_dma2 semaphore(%arg13 : memref<!tpu.dma_semaphore, #tpu.memory_space<semaphore_mem>>) src(%dma_wait3A_510 : memref<128xf32, #tpu.memory_space<vmem>>) dst(%dma_wait3A_508 : memref<128xf32, #tpu.memory_space<hbm>>)
    %dma_wait3A_511 = arith.constant 128 : i32
    %dma_wait3A_512 = tpu.memref_slice %arg12[%dma_wait3A_511] : memref<512xf32, #tpu.memory_space<vmem>> -> memref<128xf32, #tpu.memory_space<vmem>>
    %dma_wait3A_513 = tpu.memref_slice %arg6[%add3A_310] : memref<16384xf32, #tpu.memory_space<hbm>> -> memref<128xf32, #tpu.memory_space<hbm>>
    %dma_wait3A_514 = tpu.memref_slice %arg6[%add3A_310] : memref<16384xf32, #tpu.memory_space<hbm>> -> memref<128xf32, #tpu.memory_space<hbm>>
    %dma_wait3A_515 = arith.constant 128 : i32
    %dma_wait3A_516 = tpu.memref_slice %arg12[%dma_wait3A_515] : memref<512xf32, #tpu.memory_space<vmem>> -> memref<128xf32, #tpu.memory_space<vmem>>
    tpu.wait_dma2 semaphore(%arg13 : memref<!tpu.dma_semaphore, #tpu.memory_space<semaphore_mem>>) src(%dma_wait3A_516 : memref<128xf32, #tpu.memory_space<vmem>>) dst(%dma_wait3A_514 : memref<128xf32, #tpu.memory_space<hbm>>)
    %dma_wait3A_517 = arith.constant 256 : i32
    %dma_wait3A_518 = tpu.memref_slice %arg12[%dma_wait3A_517] : memref<512xf32, #tpu.memory_space<vmem>> -> memref<128xf32, #tpu.memory_space<vmem>>
    %dma_wait3A_519 = tpu.memref_slice %arg6[%add3A_404] : memref<16384xf32, #tpu.memory_space<hbm>> -> memref<128xf32, #tpu.memory_space<hbm>>
    %dma_wait3A_520 = tpu.memref_slice %arg6[%add3A_404] : memref<16384xf32, #tpu.memory_space<hbm>> -> memref<128xf32, #tpu.memory_space<hbm>>
    %dma_wait3A_521 = arith.constant 256 : i32
    %dma_wait3A_522 = tpu.memref_slice %arg12[%dma_wait3A_521] : memref<512xf32, #tpu.memory_space<vmem>> -> memref<128xf32, #tpu.memory_space<vmem>>
    tpu.wait_dma2 semaphore(%arg13 : memref<!tpu.dma_semaphore, #tpu.memory_space<semaphore_mem>>) src(%dma_wait3A_522 : memref<128xf32, #tpu.memory_space<vmem>>) dst(%dma_wait3A_520 : memref<128xf32, #tpu.memory_space<hbm>>)
    %dma_wait3A_523 = arith.constant 384 : i32
    %dma_wait3A_524 = tpu.memref_slice %arg12[%dma_wait3A_523] : memref<512xf32, #tpu.memory_space<vmem>> -> memref<128xf32, #tpu.memory_space<vmem>>
    %dma_wait3A_525 = tpu.memref_slice %arg6[%add3A_498] : memref<16384xf32, #tpu.memory_space<hbm>> -> memref<128xf32, #tpu.memory_space<hbm>>
    %dma_wait3A_526 = tpu.memref_slice %arg6[%add3A_498] : memref<16384xf32, #tpu.memory_space<hbm>> -> memref<128xf32, #tpu.memory_space<hbm>>
    %dma_wait3A_527 = arith.constant 384 : i32
    %dma_wait3A_528 = tpu.memref_slice %arg12[%dma_wait3A_527] : memref<512xf32, #tpu.memory_space<vmem>> -> memref<128xf32, #tpu.memory_space<vmem>>
    tpu.wait_dma2 semaphore(%arg13 : memref<!tpu.dma_semaphore, #tpu.memory_space<semaphore_mem>>) src(%dma_wait3A_528 : memref<128xf32, #tpu.memory_space<vmem>>) dst(%dma_wait3A_526 : memref<128xf32, #tpu.memory_space<hbm>>)
    return
  }
}

</mosaic_0001>

<sc_bundles>
// kernel: kernel.3.cloned.1.call-start
scs
__scs_entry_jumppad:
0x0: {  	(pc) =	sbr.rel $0x88, $3  }
0x1: {  	(tag) =	ssettag $0x0;
	lr =	simm.s32 $0x1  }
0x2: {  	[smem:$0x3F9D] =	sst lr;
	_ =	strace $0xD0000000  }
0x3: {  	_ = 	snop  }
0x4: {  	_ = 	snop  }
0x5: {  	_ = 	snop  }
0x6: {  	_ = 	snop  }
0x7: {  	_ = 	snop  }
__scs_overlays_trampoline_lowered:
0x8: {  	[smem:$0x3FAC] =	sst s0  }
0x9: {  	[smem:$0x3FAD] =	sst s1  }
0xa: {  	[smem:$0x3FAE] =	sst s2  }
0xb: {  	[smem:$0x3FAF] =	sst s3  }
0xc: {  	[smem:$0x3FB0] =	sst s4  }
0xd: {  	[smem:$0x3FB1] =	sst s5  }
0xe: {  	[smem:$0x3FB2] =	sst s6  }
0xf: {  	[smem:$0x3FB3] =	sst s7  }
0x10: {  	[smem:$0x3FB4] =	sst s8  }
0x11: {  	[smem:$0x3FB5] =	sst s9;
	s0 =	simm.s32 @!p0 $0x0  }
0x12: {  	s1 =	sld [smem:$0x3F9B];
	s0 =	simm.s32 @p0 $0x1  }
0x13: {  	[smem:$0x3FB6] =	sst s0;
	s0 =	simm.s32 @!p1 $0x0  }
0x14: {  	s2 =	sld [smem:$0x3F9A];
	s0 =	simm.s32 @p1 $0x1  }
0x15: {  	[smem:$0x3FB7] =	sst s0;
	s0 =	simm.s32 @!p2 $0x0  }
0x16: {  	s3 =	sld [smem:$0x3FDB];
	s0 =	simm.s32 @p2 $0x1  }
0x17: {  	s4 =	simm.s32 $0x1BF5;
	[smem:$0x3FB9] =	sst s0  }
0x18: {  	s0 =	sld [smem:$0x3F9C];
	_ =	swait.ge [sflag:s4], $0x0  }
0x19: {  	s7 =	sld [smem:$0x3F9D]  }
0x1a: {  	s8 =	sadd.s32 $0xFFFFE003, lr  }
0x1b: {  	s9 =	sadd.s32 $0xFFFFFEF7, lr;
	s5 =	simm.s32 $0xFFFFFFFF;
	p2 =	slt.u32 s8, $0xFFFFF086  }
0x1c: {  	p1 =	slt.u32 s9, $0xF7A;
	s5 =	simm.s32 @!p2 $0x0  }
0x1d: {  	s5 =	simm.s32 @p1 $0x1;
	p0 =	seq.s32 s7, s2  }
0x1e: {  	s7 =	smul.u32 @!p0 $0xF7A, s2;
	p2 =	seq.s32 @!p0 s5, $0x0  }
0x1f: {  	s9 =	smul.u32 $0xF7A, s1;
	s8 =	simm.s32 @!p0 $0x1BF5;
	p2 =	por !p2, p0  }
0x20: {  	[sflag:s8] =	ssyncset.s32 @!p0 $0xFFFFF086;
	s6 =	sadd.s32 @!p0 s3, s7;
	s7 =	simm.s32 @!p0 $0x108  }
0x21: {  	s3 =	sadd.s32 s3, s9;
	s6 =	sadd.s32 @!p0 $0x88, s6;
	s7 =	simm.s32 @p2 $0x1082  }
0x22: {  	[simem:s7], [sflag:s8] =	dma.local @!p0 [hbm:s6], $0xF7A  }
0x23: {  	s9 =	sor.u32 $0xD0000000, s2;
	s6 =	simm.s32 $0x108;
	_ =	swait.ge @!p0 [sflag:s8], $0x0  }
0x24: {  	s3 =	sadd.s32 $0x88, s3;
	s6 =	simm.s32 @!p1 $0x1082;
	[sflag:s4] =	ssyncset.s32 $0xFFFFF086  }
0x25: {  	[simem:s6], [sflag:s4] =	dma.local [hbm:s3], $0xF7A  }
0x26: {  	[smem:$0x3F9D] =	sst s1;
	(tag) =	ssettag s2;
	_ =	strace s9  }
0x27: {  	s1 =	sld [smem:$0x3FAD]  }
0x28: {  	s2 =	sld [smem:$0x3FAE]  }
0x29: {  	s4 =	sld [smem:$0x3FB0]  }
0x2a: {  	p0 =	seq.s32 s5, $0x0;
	s5 =	sld [smem:$0x3FB1]  }
0x2b: {  	s6 =	sld [smem:$0x3FB2]  }
0x2c: {  	s7 =	sld [smem:$0x3FB3]  }
0x2d: {  	s3 =	simm.s32 $0x108;
	s8 =	sld [smem:$0x3FB4]  }
0x2e: {  	s3 =	simm.s32 @!p0 $0x1082;
	s9 =	sld [smem:$0x3FB5]  }
0x2f: {  	lr =	sadd.s32 s0, s3;
	s0 =	sld [smem:$0x3FAC]  }
0x30: {  	s3 =	sld [smem:$0x3FAF]  }
0x31: {  	[smem:$0x3FB8] =	sst s10  }
0x32: {  	s10 =	sld [smem:$0x3FB6];
	_ =	sdelay $0x3  }
0x33: {  	p0 =	seq.s32 s10, $0x1;
	s10 =	sld [smem:$0x3FB8];
	_ =	sdelay $0x3  }
0x34: {  	[smem:$0x3FB8] =	sst s10  }
0x35: {  	s10 =	sld [smem:$0x3FB7];
	_ =	sdelay $0x3  }
0x36: {  	p1 =	seq.s32 s10, $0x1;
	s10 =	sld [smem:$0x3FB8];
	_ =	sdelay $0x3  }
0x37: {  	[smem:$0x3FB8] =	sst s10  }
0x38: {  	s10 =	sld [smem:$0x3FB9]  }
0x39: {  	_ = 	snop;
	(pc) =	sbr.ind lr, $3  }
0x3a: {  	_ = 	snop  }
0x3b: {  	_ = 	snop  }
0x3c: {  	p2 =	seq.s32 s10, $0x1;
	s10 =	sld [smem:$0x3FB8]  }
0x3d: {  	_ =	shalt  }
0x3e: {  	_ =	shalt  }
0x3f: {  	_ =	shalt  }
0x40: {  	_ =	shalt  }
0x41: {  	_ =	shalt  }
0x42: {  	_ =	shalt  }
0x43: {  	_ =	shalt  }
0x44: {  	_ =	shalt  }
0x45: {  	_ =	shalt  }
0x46: {  	_ =	shalt  }
0x47: {  	_ =	shalt  }
0x48: {  	_ =	shalt  }
0x49: {  	_ =	shalt  }
0x4a: {  	_ =	shalt  }
0x4b: {  	_ =	shalt  }
0x4c: {  	_ =	shalt  }
0x4d: {  	_ =	shalt  }
0x4e: {  	_ =	shalt  }
0x4f: {  	_ =	shalt  }
0x50: {  	_ =	shalt  }
0x51: {  	_ =	shalt  }
0x52: {  	_ =	shalt  }
0x53: {  	_ =	shalt  }
0x54: {  	_ =	shalt  }
0x55: {  	_ =	shalt  }
0x56: {  	_ =	shalt  }
0x57: {  	_ =	shalt  }
0x58: {  	_ =	shalt  }
0x59: {  	_ =	shalt  }
0x5a: {  	_ =	shalt  }
0x5b: {  	_ =	shalt  }
0x5c: {  	_ =	shalt  }
0x5d: {  	_ =	shalt  }
0x5e: {  	_ =	shalt  }
0x5f: {  	_ =	shalt  }
0x60: {  	_ =	shalt  }
0x61: {  	_ =	shalt  }
0x62: {  	_ =	shalt  }
0x63: {  	_ =	shalt  }
0x64: {  	_ =	shalt  }
0x65: {  	_ =	shalt  }
0x66: {  	_ =	shalt  }
0x67: {  	_ =	shalt  }
0x68: {  	_ =	shalt  }
0x69: {  	_ =	shalt  }
0x6a: {  	_ =	shalt  }
0x6b: {  	_ =	shalt  }
0x6c: {  	_ =	shalt  }
0x6d: {  	_ =	shalt  }
0x6e: {  	_ =	shalt  }
0x6f: {  	_ =	shalt  }
0x70: {  	_ =	shalt  }
0x71: {  	_ =	shalt  }
0x72: {  	_ =	shalt  }
0x73: {  	_ =	shalt  }
0x74: {  	_ =	shalt  }
0x75: {  	_ =	shalt  }
0x76: {  	_ =	shalt  }
0x77: {  	_ =	shalt  }
0x78: {  	_ =	shalt  }
0x79: {  	_ =	shalt  }
0x7a: {  	_ =	shalt  }
0x7b: {  	_ =	shalt  }
0x7c: {  	_ =	shalt  }
0x7d: {  	_ =	shalt  }
0x7e: {  	_ =	shalt  }
0x7f: {  	_ =	shalt  }
0x80: {  	_ =	shalt  }
0x81: {  	_ =	shalt  }
0x82: {  	_ =	shalt  }
0x83: {  	_ =	shalt  }
0x84: {  	_ =	shalt  }
0x85: {  	_ =	shalt  }
0x86: {  	_ =	shalt  }
0x87: {  	_ =	shalt  }
.Lfunc_end0:
.L_simem_size_0:
called_computation_lowered:
.L_overlay_start_0:
0x88: {  	s2 =	sld [smem:$0x3FD9]  }
0x89: {  	s3 =	sld [smem:$0x3FFE];
	_ =	sdelay $0x1  }
0x8a: {  	s1 =	srdreg.scid  }
0x8b: {  	s0 =	sand.u32 $0x1, s1  }
0x8c: {  	s18 =	sshll.u32 s0, $0xA;
	s2 =	sadd.s32 s3, s2  }
0x8d: {  	s2 =	sadd.s32 s2, s18  }
0x8e: {  	[smem:$0x3FC4] =	sst s2  }
0x8f: {  	_ = 	snop  }
0x90: {  	s2 =	sld [smem:$0x3FC9]  }
0x91: {  	s19 =	sld [smem:$0x3FC8]  }
0x92: {  	s4 =	sld [smem:$0x3FC7]  }
0x93: {  	s5 =	sld [smem:$0x3FC6]  }
0x94: {  	s6 =	sld [smem:$0x3FD0];
	(tm) =	ssettm $0x1  }
0x95: {  	s7 =	sld [smem:$0x3FFB];
	_ =	sdelay $0x3  }
0x96: {  	_ =	strace s7  }
0x97: {  	s7 =	sld [smem:$0x3FFC];
	_ =	sdelay $0x3  }
0x98: {  	_ =	strace s7  }
0x99: {  	s7 =	sld [smem:$0x3FFD];
	_ =	sdelay $0x3  }
0x9a: {  	_ =	strace s7  }
0x9b: {  	_ =	strace $0x8FFFFFFF  }
0x9c: {  	s20 =	sld [smem:$0x3FDB];
	_ =	sdelay $0x1  }
0x9d: {  	s8 =	simm.s32 $_scs_section_size  }
0x9e: {  	s9 =	simm.s32 $_size__tile_overlayer_lowered;
	s10 =	simm.s32 $_tile_overlayer_lowered  }
0x9f: {  	s23 =	simm.s32 $0x1BFF;
	s22 =	sshll.u32 s10, $0x1;
	s7 =	sadd.s32 s8, s20  }
0xa0: {  	s11 =	simm.s32 $0x0;
	s21 =	sshll.u32 s9, $0x1;
	s9 =	sadd.s32 s22, s7  }
0xa1: {  	[timem:s11], [sflag:s23] =	dma.local [hbm:s9], s21  }
0xa2: {  	_ =	swait.ge [sflag:s23], s21  }
0xa3: {  	s8 =	ssub.s32 $0x0, s21;
	[sflag:s23] =	ssyncset.done $0x0  }
0xa4: {  	[sflag:s23] =	ssyncadd.s32 s8;
	_ =	sdelay $0x1  }
0xa5: {  	s24 =	simm.s32 $0x1B8B  }
0xa6: {  	_ =	swait.ge [sflag:s24], $0x1  }
0xa7: {  	[sflag:s24] =	ssyncset.done $0x0  }
0xa8: {  	s25 =	simm.s32 $0x1B8E;
	[sflag:s24] =	ssyncadd.s32 $0xFFFFFFFF  }
0xa9: {  	s26 =	simm.s32 $execute0_lowered;
	[smem:$0x3FD2] =	sst s25  }
0xaa: {  	s8 =	sshll.u32 s26, $0x1;
	_ =	strace $0x80000046;
	[dreg:$0x1] =	wrdreg $0xFFFFFFFF  }
0xab: {  	s28 =	simm.s32 $_size_execute0_lowered;
	s7 =	sadd.s32 s7, s8;
	[dreg:$0x0] =	wrdreg $0x0  }
0xac: {  	s8 =	sshll.u32 s28, $0x1;
	[dreg:$0x2] =	wrdreg s7  }
0xad: {  	[dreg:$0x3] =	wrdreg s8  }
0xae: {  	[dreg:$0x4] =	wrdreg $0xC0  }
0xaf: {  	_ =	task [dreg:s11], $0x5FFFF  }
0xb0: {  	[dreg:$0x1] =	wrdreg $0xFFFFFFFF  }
0xb1: {  	[dreg:$0x0] =	wrdreg $0x60  }
0xb2: {  	[dreg:$0x2] =	wrdreg s2  }
0xb3: {  	[dreg:$0x3] =	wrdreg s19  }
0xb4: {  	[dreg:$0x4] =	wrdreg s4  }
0xb5: {  	[dreg:$0x5] =	wrdreg s5  }
0xb6: {  	[dreg:$0x6] =	wrdreg s6  }
0xb7: {  	[dreg:$0x7] =	wrdreg $0x9  }
0xb8: {  	_ =	task.clear_ibuf [dreg:s11], $0x8FFFF;
	_ =	strace $0x90000046  }
0xb9: {  	s29 =	simm.s32 $0x9;
	_ =	strace $0x80000048  }
0xba: {  	_ =	swait.ge [sflag:s29], $0x1  }
0xbb: {  	[sflag:s29] =	ssyncadd.s32 $0xFFFFFFFF  }
0xbc: {  	_ =	strace $0x90000048  }
0xbd: {  	_ =	sfence  }
0xbe: {  	s30 =	sld [smem:$0x0];
	_ =	sdelay $0x2  }
0xbf: {  	s31 =	sshll.u32 s1, $0xD;
	s1 =	sshrl.u32 s1, $0x2  }
0xc0: {  	s3 =	sand.u32 $0x4000, s31;
	s1 =	sadd.s32 s1, s30  }
0xc1: {  	s0 =	sor.u32 s3, s0;
	s1 =	sshll.u32 s1, $0x11  }
0xc2: {  	s0 =	sor.u32 s1, s0  }
0xc3: {  	s0 =	sadd.s32 $0x8F2B, s0  }
0xc4: {  	[sflag:s0] =	ssyncadd.remote.s32 $0x1  }
0xc5: {  	_ =	sfence.sel $0xFFFF  }
0xc6: {  	[dreg:$0x0] =	wrdreg $0xFFFFFFFF;
	(pc) =	sbr.abs _section_cstart, $3  }
0xc7: {  	[dreg:$0x1] =	wrdreg $0xFFFFFFFF  }
0xc8: {  	_ =	task.clear_ibuf [dreg:s11], $0x2FFFF;
	_ =	strace $0x9FFFFFFF  }
0xc9: {  	(tm) =	ssettm $0x7FFFFFFF  }
tec
execute0_lowered:
.L_overlay_start_1:
0x0: {  	(tag) =	ssettag $0x1  }
0x1: {  	s1 =	rddreg [dreg:$0x0];
	v0 =	vimm.s32 $0xFEDCBA98;
	v1 =	vimm.s32 $0x76543210  }
0x2: {  	s4 =	rddreg [dreg:$0x1];
	v2 =	vimm.s32 $0xBA98FEDC;
	v3 =	vimm.s32 $0x32107654;
	v4 =	vimm.s32 $0xDCFE98BA  }
0x3: {  	s0 =	rddreg [dreg:$0x2];
	v5 =	vimm.s32 $0x54761032;
	v6 =	vimm.s32 $0xEFCDAB89;
	v7 =	vimm.s32 $0x67452301  }
0x4: {  	s2 =	rddreg [dreg:$0x3];
	vm0 =	vmmov $0x1;
	vm1 =	vmmov $0x3;
	vm2 =	vmmov $0x7  }
0x5: {  	s10 =	rddreg [dreg:$0x4];
	s3 =	simm.s32 $0x0;
	s5 =	srdreg.scid;
	vm3 =	vmmov $0xf;
	vm4 =	vmmov $0x1f;
	vm5 =	vmmov $0x3f  }
0x6: {  	s7 =	stileid.u32;
	s14 =	simm.s32 $0x200;
	s15 =	simm.s32 $0x80;
	vm6 =	vmmov $0x7f;
	vm7 =	vmmov $0xff;
	vm8 =	vmmov $0x1ff  }
0x7: {  	s16 =	simm.s32 $0x280;
	s17 =	simm.s32 $0x1;
	s18 =	simm.s32 $0x400;
	vm9 =	vmmov $0x3ff;
	vm10 =	vmmov $0x7ff;
	vm11 =	vmmov $0xfff  }
0x8: {  	s19 =	simm.s32 $0xC400;
	s22 =	simm.s32 $0x2;
	s29 =	simm.s32 $0x3;
	v0 =	vunpack.c.l.s4.s8 v0;
	v1 =	vunpack.c.l.s4.s8 v1;
	v2 =	vunpack.c.l.s4.s8 v2  }
0x9: {  	s20 =	simm.s32 $0x1C500;
	s21 =	simm.s32 $0x1C580;
	s5 =	sand.u32 $0x1, s5;
	v3 =	vunpack.c.l.s4.s8 v3;
	v4 =	vunpack.c.l.s4.s8 v4;
	v5 =	vunpack.c.l.s4.s8 v5  }
0xa: {  	s23 =	simm.s32 $0x0;
	[smem:$0x7FF] =	sst s3;
	v6 =	vunpack.c.l.s4.s8 v6;
	v7 =	vunpack.c.l.s4.s8 v7;
	s6 =	ssub.s32 $0x2, s5;
	v0 =	vunpack.c.0.s8.s32 v0  }
0xb: {  	s7 =	sshll.u32 s7, $0x7;
	s5 =	sshll.u32 s5, $0x6;
	s8 =	sshrl.u32 s6, $0x1;
	v2 =	vunpack.c.0.s8.s32 v2;
	v3 =	vunpack.c.0.s8.s32 v3;
	v4 =	vunpack.c.0.s8.s32 v4  }
0xc: {  	_ =	strace $0x80000047;
	s9 =	sor.u32 s5, s7;
	v5 =	vunpack.c.0.s8.s32 v5;
	v6 =	vunpack.c.0.s8.s32 v6;
	v7 =	vunpack.c.0.s8.s32 v7;
	s13 =	ssub.s32 s6, s8  }
0xd: {  	vm12 =	vmmov $0x1fff;
	v1 =	vunpack.c.0.s8.s32 v1;
	s5 =	sadd.s32 s1, s9;
	s11 =	sor.u32 $0x10, s9;
	s6 =	sadd.s32 s4, s9;
	v2 =	vcombine.low v3, v2  }
0xe: {  	s8 =	sadd.s32 s10, s9;
	s7 =	sadd.s32 s1, s11;
	s9 =	sadd.s32 s4, s11;
	v3 =	vcombine.low v5, v4;
	v4 =	vcombine.low v7, v6;
	v0 =	vand.u32 $0xF, v0  }
0xf: {  	vm13 =	vmmov $0x3fff;
	vm14 =	vmmov $0x7fff;
	s10 =	sadd.s32 s10, s11;
	s11 =	sadd.s32 $0x20, s8;
	s12 =	sadd.s32 $0x30, s8;
	v0 =	vcombine.low v0, v1  }
0x10: {  	s13 =	smax.u32 s13, $0x1;
	s1 =	simm.s32 $0x1C480;
	s4 =	simm.s32 $0x4;
	v1 =	vand.u32 $0xF, v2;
	v2 =	vand.u32 $0xF, v3;
	v3 =	vand.u32 $0xF, v4  }
.LBB2_1:
0x11: {  	[tilespmem:s3], [sflag:$0x1] =	stream.linear.gather [hbm4b:s5+s3], $0x80, $0x38;
	[tilespmem:$0x1C600] =	vst v63  }
0x12: {  	_ = 	snop  }
0x13: {  	[tilespmem:s14], [sflag:$0x1] =	stream.linear.gather [hbm4b:s6+s3], $0x80, $0x38;
	[tilespmem:$0x1C600] =	vst v63  }
0x14: {  	_ = 	snop  }
0x15: {  	[tilespmem:s15], [sflag:$0x1] =	stream.linear.gather [hbm4b:s7+s3], $0x180, $0x38;
	[tilespmem:$0x1C600] =	vst v63  }
0x16: {  	_ = 	snop  }
0x17: {  	[tilespmem:s16], [sflag:$0x1] =	stream.linear.gather [hbm4b:s9+s3], $0x180, $0x38;
	[tilespmem:$0x1C600] =	vst v63  }
0x18: {  	_ =	swait.ge [sflag:s17], $0x80  }
0x19: {  	[sflag:s17] =	ssyncset.done $0x0  }
0x1a: {  	[sflag:s17] =	ssyncadd.s32 $0xFFFFFF80  }
0x1b: {  	_ =	swait.ge [sflag:s17], $0x80  }
0x1c: {  	[sflag:s17] =	ssyncset.done $0x0  }
0x1d: {  	[sflag:s17] =	ssyncadd.s32 $0xFFFFFF80  }
0x1e: {  	[tilespmem:s18], [sflag:$0x2] =	stream.indirect.gather [hbm4b:s0+s15], $0x80, s3, s15, $0xb8;
	[tilespmem:$0x1C600] =	vst v63  }
0x1f: {  	_ = 	snop  }
0x20: {  	[tilespmem:s19], [sflag:$0x2] =	stream.indirect.gather [hbm4b:s2+s15], $0x80, s14, s15, $0xb8;
	[tilespmem:$0x1C600] =	vst v63  }
0x21: {  	_ =	swait.ge [sflag:s17], $0x180  }
0x22: {  	[sflag:s17] =	ssyncset.done $0x0  }
0x23: {  	[sflag:s17] =	ssyncadd.s32 $0xFFFFFE80  }
0x24: {  	_ =	swait.ge [sflag:s17], $0x180  }
0x25: {  	[sflag:s17] =	ssyncset.done $0x0  }
0x26: {  	s24 =	simm.s32 $0x4400;
	[sflag:s17] =	ssyncadd.s32 $0xFFFFFE80  }
0x27: {  	[tilespmem:s24], [sflag:$0x3] =	stream.indirect.gather [hbm4b:s0+s15], $0x80, s15, s15, $0xb8;
	[tilespmem:$0x1C600] =	vst v63  }
0x28: {  	s25 =	simm.s32 $0x10400  }
0x29: {  	[tilespmem:s25], [sflag:$0x3] =	stream.indirect.gather [hbm4b:s2+s15], $0x80, s16, s15, $0xb8;
	[tilespmem:$0x1C600] =	vst v63  }
0x2a: {  	_ =	swait.ge [sflag:s22], $0x4000  }
0x2b: {  	[sflag:s22] =	ssyncset.done $0x0  }
0x2c: {  	[sflag:s22] =	ssyncadd.s32 $0xFFFFC000  }
0x2d: {  	_ =	swait.ge [sflag:s22], $0x4000  }
0x2e: {  	[sflag:s22] =	ssyncset.done $0x0  }
0x2f: {  	s26 =	simm.s32 $0x100;
	s25 =	simm.s32 $0x8400;
	[sflag:s22] =	ssyncadd.s32 $0xFFFFC000  }
0x30: {  	[tilespmem:s25], [sflag:$0x4] =	stream.indirect.gather [hbm4b:s0+s15], $0x80, s26, s15, $0xb8;
	[tilespmem:$0x1C600] =	vst v63  }
0x31: {  	s31 =	simm.s32 $0x500;
	s25 =	simm.s32 $0x300;
	s26 =	simm.s32 $0x14400  }
0x32: {  	[tilespmem:s26], [sflag:$0x4] =	stream.indirect.gather [hbm4b:s2+s15], $0x80, s25, s15, $0xb8;
	[tilespmem:$0x1C600] =	vst v63  }
0x33: {  	s25 =	simm.s32 $0xC500;
	v5 =	vld [tilespmem:s31+$0x80]  }
0x34: {  	v6 =	vld [tilespmem:s25+$0x80]  }
0x35: {  	v7 =	vld [tilespmem:s31+$0x90]  }
0x36: {  	v8 =	vld [tilespmem:s25+$0x90]  }
0x37: {  	v9 =	vld [tilespmem:s31+$0xA0]  }
0x38: {  	v10 =	vld [tilespmem:s25+$0xA0]  }
0x39: {  	v11 =	vld [tilespmem:s31+$0xB0]  }
0x3a: {  	v12 =	vld [tilespmem:s25+$0xB0]  }
0x3b: {  	v13 =	vld [tilespmem:s31+$0xC0]  }
0x3c: {  	v14 =	vld [tilespmem:s25+$0xC0]  }
0x3d: {  	v15 =	vld [tilespmem:s31+$0xD0]  }
0x3e: {  	v16 =	vld [tilespmem:s25+$0xD0]  }
0x3f: {  	v17 =	vld [tilespmem:s31+$0xE0]  }
0x40: {  	v18 =	vld [tilespmem:s25+$0xE0]  }
0x41: {  	v19 =	vld [tilespmem:s31+$0xF0]  }
0x42: {  	v20 =	vld [tilespmem:s25+$0xF0]  }
0x43: {  	v4 =	vld [tilespmem:s25+$0xFFFFFF00]  }
0x44: {  	v21 =	vld [tilespmem:s31+$0xFFFFFF10]  }
0x45: {  	v22 =	vld [tilespmem:s25+$0xFFFFFF10]  }
0x46: {  	v23 =	vld [tilespmem:s31+$0xFFFFFF20]  }
0x47: {  	v25 =	vld [tilespmem:s31+$0xFFFFFF30]  }
0x48: {  	v26 =	vld [tilespmem:s25+$0xFFFFFF30]  }
0x49: {  	v27 =	vld [tilespmem:s31+$0xFFFFFF40]  }
0x4a: {  	v28 =	vld [tilespmem:s25+$0xFFFFFF40]  }
0x4b: {  	v29 =	vld [tilespmem:s31+$0xFFFFFF50]  }
0x4c: {  	v30 =	vld [tilespmem:s25+$0xFFFFFF50]  }
0x4d: {  	v31 =	vld [tilespmem:s31+$0xFFFFFF60]  }
0x4e: {  	v32 =	vld [tilespmem:s25+$0xFFFFFF60]  }
0x4f: {  	v33 =	vld [tilespmem:s31+$0xFFFFFF70]  }
0x50: {  	v34 =	vld [tilespmem:s25+$0xFFFFFF70]  }
0x51: {  	v35 =	vld [tilespmem:s31+$0xFFFFFF80]  }
0x52: {  	v36 =	vld [tilespmem:s25+$0xFFFFFF80]  }
0x53: {  	v37 =	vld [tilespmem:s31+$0xFFFFFF90]  }
0x54: {  	v55 =	vld [tilespmem:s31+$0x0]  }
0x55: {  	v5 =	vmul.f32 v6, v5;
	v6 =	vmul.f32 v8, v7;
	v7 =	vld [tilespmem:s25+$0xFFFFFF90]  }
0x56: {  	v8 =	vmul.f32 v10, v9;
	v10 =	vld [tilespmem:s31+$0xFFFFFFA0]  }
0x57: {  	v9 =	vmul.f32 v12, v11;
	v11 =	vmul.f32 v14, v13;
	v13 =	vld [tilespmem:s25+$0xFFFFFFA0]  }
0x58: {  	v12 =	vmul.f32 v16, v15;
	v16 =	vld [tilespmem:s31+$0xFFFFFFB0]  }
0x59: {  	v14 =	vmul.f32 v18, v17;
	v18 =	vld [tilespmem:s31+$0xFFFFFFF0]  }
0x5a: {  	v15 =	vmul.f32 v20, v19;
	v19 =	vld [tilespmem:s25+$0xFFFFFFF0]  }
0x5b: {  	v5 =	vadd.f32 v6, v5;
	v6 =	vadd.f32 v9, v8;
	v8 =	vld [tilespmem:s25+$0xFFFFFFB0]  }
0x5c: {  	v9 =	vadd.f32 v12, v11;
	v11 =	vadd.f32 v15, v14;
	v12 =	vld [tilespmem:s31+$0xFFFFFFC0]  }
0x5d: {  	v14 =	vld [tilespmem:s25+$0xFFFFFFC0]  }
0x5e: {  	v15 =	vld [tilespmem:s25+$0xFFFFFFE0];
	v5 =	vadd.f32 v6, v5;
	v6 =	vadd.f32 v11, v9  }
0x5f: {  	v9 =	vld [tilespmem:s31+$0xFFFFFFD0]  }
0x60: {  	v11 =	vld [tilespmem:s25+$0xFFFFFFD0];
	v5 =	vadd.f32 v6, v5  }
0x61: {  	v57 =	vmul.f32 v30, v29;
	v6 =	vld [tilespmem:s31+$0xFFFFFFE0]  }
0x62: {  	v10 =	vmul.f32 v13, v10;
	v13 =	vld [tilespmem:s25+$0x0];
	v17 =	vperm.xlane v5, v0  }
0x63: {  	v7 =	vmul.f32 v7, v37;
	v8 =	vmul.f32 v8, v16;
	v16 =	vld [tilespmem:s31+$0x10]  }
0x64: {  	v12 =	vmul.f32 v14, v12;
	v14 =	vmul.f32 v19, v18;
	v19 =	vld [tilespmem:s25+$0x30];
	v5 =	vadd.f32 v5, v17  }
0x65: {  	v9 =	vmul.f32 v11, v9;
	v11 =	vld [tilespmem:s25+$0x10];
	v17 =	vmul.f32 v36, v35  }
0x66: {  	v8 =	vadd.f32 v8, v10;
	v10 =	vld [tilespmem:s25+$0x20];
	v6 =	vmul.f32 v15, v6;
	v56 =	vperm.xlane v5, v1  }
0x67: {  	v58 =	vmul.f32 v34, v33;
	v15 =	vld [tilespmem:s31+$0x20];
	v9 =	vadd.f32 v9, v12;
	v7 =	vadd.f32 v7, v17  }
0x68: {  	v61 =	vmul.f32 v26, v25;
	v12 =	vld [tilespmem:s31+$0x30];
	v6 =	vadd.f32 v14, v6;
	v5 =	vadd.f32 v5, v56  }
0x69: {  	v24 =	vld [tilespmem:s25+$0xFFFFFF20];
	v13 =	vmul.f32 v13, v55;
	v14 =	vmul.f32 v28, v27  }
0x6a: {  	v59 =	vld [tilespmem:s31+$0x50];
	v7 =	vadd.f32 v8, v7;
	v6 =	vadd.f32 v6, v9;
	v18 =	vperm.xlane v5, v2  }
0x6b: {  	v60 =	vld [tilespmem:s25+$0x50];
	v8 =	vmul.f32 v32, v31;
	v11 =	vmul.f32 v11, v16  }
0x6c: {  	v9 =	vld [tilespmem:s31+$0x40];
	v15 =	vmul.f32 v10, v15;
	v6 =	vadd.f32 v6, v7;
	v5 =	vadd.f32 v5, v18  }
0x6d: {  	v16 =	vadd.f32 v58, v8;
	v19 =	vmul.f32 v19, v12;
	v7 =	vadd.f32 v57, v14;
	v18 =	vld [tilespmem:s25+$0x40]  }
0x6e: {  	v10 =	vld [tilespmem:s31+$0x60];
	v63 =	vadd.f32 v11, v13;
	v8 =	vperm.xlane v6, v0;
	v14 =	vperm.xlane v5, v3  }
0x6f: {  	v17 =	vmul.f32 v24, v23;
	v12 =	vld [tilespmem:s25+$0x60];
	v19 =	vadd.f32 v19, v15;
	v7 =	vadd.f32 v16, v7  }
0x70: {  	v11 =	vld [tilespmem:s31+$0x70];
	v8 =	vadd.f32 v6, v8;
	v62 =	vadd.f32 v5, v14  }
0x71: {  	s28 =	simm.s32 $0x18500;
	s30 =	simm.s32 $0x0;
	v6 =	vadd.f32 v61, v17;
	v17 =	vmul.f32 v60, v59;
	v5 =	vmul.f32 v22, v21;
	v14 =	vld [tilespmem:s25+$0x70]  }
0x72: {  	s24 =	simm.s32 $0x1C410;
	s26 =	simm.s32 $0x18C00;
	v16 =	vld [tilespmem:s31+$0xFFFFFF00];
	s31 =	simm.s32 $0x700;
	v13 =	vmul.f32 v18, v9;
	v15 =	vperm.xlane v8, v1;
	v9 =	vadd.f32 v19, v63;
	[tilespmem:s28+$0x80] =	vst v62  }
.LBB2_2:
0x73: {  	v18 =	vld [tilespmem:s31+$0x80];
	s25 =	sadd.s32 $0x200, s25  }
0x74: {  	v19 =	vld [tilespmem:s25+$0x80];
	v8 =	vadd.f32 v8, v15;
	v10 =	vmul.f32 v12, v10;
	v12 =	vadd.f32 v17, v13  }
0x75: {  	v13 =	vld [tilespmem:s31+$0x90]  }
0x76: {  	v15 =	vld [tilespmem:s25+$0x90];
	v17 =	vperm.xlane v8, v2;
	v11 =	vmul.f32 v14, v11  }
0x77: {  	v14 =	vld [tilespmem:s31+$0xA0];
	v4 =	vmul.f32 v4, v16  }
0x78: {  	v16 =	vld [tilespmem:s25+$0xA0];
	v8 =	vadd.f32 v8, v17;
	v10 =	vadd.f32 v11, v10  }
0x79: {  	v11 =	vld [tilespmem:s31+$0xB0];
	v4 =	vadd.f32 v5, v4  }
0x7a: {  	v5 =	vld [tilespmem:s25+$0xB0];
	v17 =	vperm.xlane v8, v3;
	v10 =	vadd.f32 v10, v12  }
0x7b: {  	v12 =	vld [tilespmem:s31+$0xC0];
	v4 =	vadd.f32 v6, v4  }
0x7c: {  	v6 =	vld [tilespmem:s25+$0xC0];
	v8 =	vadd.f32 v8, v17;
	v9 =	vadd.f32 v10, v9  }
0x7d: {  	v10 =	vld [tilespmem:s31+$0xD0];
	v4 =	vadd.f32 v7, v4  }
0x7e: {  	v7 =	vld [tilespmem:s25+$0xD0];
	[tilespmem:s28+$0xFFFFFF80] =	vst v8;
	v8 =	vperm.xlane v9, v0  }
0x7f: {  	v17 =	vld [tilespmem:s31+$0xE0];
	v20 =	vperm.xlane v4, v0  }
0x80: {  	v21 =	vld [tilespmem:s25+$0xE0];
	v8 =	vadd.f32 v9, v8  }
0x81: {  	v9 =	vld [tilespmem:s31+$0xF0];
	v20 =	vadd.f32 v4, v20  }
0x82: {  	s30 =	sadd.s32 $0x4, s30;
	v22 =	vld [tilespmem:s25+$0xF0];
	v23 =	vperm.xlane v8, v1  }
0x83: {  	p0 =	slt.u32 s30, $0x7C;
	v4 =	vld [tilespmem:s25+$0xFFFFFF00];
	v24 =	vperm.xlane v20, v1  }
0x84: {  	v18 =	vmul.f32 v19, v18;
	v13 =	vmul.f32 v15, v13;
	v25 =	vld [tilespmem:s31+$0xFFFFFF10];
	v8 =	vadd.f32 v8, v23  }
0x85: {  	v14 =	vmul.f32 v16, v14;
	v5 =	vmul.f32 v5, v11;
	v15 =	vld [tilespmem:s25+$0xFFFFFF10];
	v11 =	vadd.f32 v20, v24  }
0x86: {  	v6 =	vmul.f32 v6, v12;
	v7 =	vmul.f32 v7, v10;
	v16 =	vld [tilespmem:s31+$0xFFFFFF20]  }
0x87: {  	v12 =	vmul.f32 v21, v17;
	v10 =	vld [tilespmem:s25+$0xFFFFFF20];
	v9 =	vmul.f32 v22, v9  }
0x88: {  	v13 =	vadd.f32 v13, v18;
	v14 =	vadd.f32 v5, v14;
	v18 =	vperm.xlane v11, v2;
	v17 =	vld [tilespmem:s31+$0xFFFFFF30]  }
0x89: {  	v6 =	vadd.f32 v7, v6;
	v19 =	vld [tilespmem:s25+$0xFFFFFF30];
	v7 =	vadd.f32 v9, v12;
	v9 =	vperm.xlane v8, v2  }
0x8a: {  	v11 =	vadd.f32 v11, v18;
	v5 =	vmul.f32 v15, v25;
	v12 =	vld [tilespmem:s31+$0xFFFFFF40]  }
0x8b: {  	v13 =	vadd.f32 v14, v13;
	v15 =	vld [tilespmem:s25+$0xFFFFFF40];
	v6 =	vadd.f32 v7, v6  }
0x8c: {  	v14 =	vperm.xlane v11, v3;
	v8 =	vadd.f32 v8, v9;
	v7 =	vmul.f32 v10, v16;
	v10 =	vld [tilespmem:s31+$0xFFFFFF50]  }
0x8d: {  	v9 =	vld [tilespmem:s25+$0xFFFFFF50];
	v13 =	vadd.f32 v6, v13  }
0x8e: {  	v11 =	vadd.f32 v11, v14;
	v14 =	vperm.xlane v8, v3;
	v6 =	vmul.f32 v19, v17;
	v16 =	vld [tilespmem:s31+$0xFFFFFF60]  }
0x8f: {  	v17 =	vld [tilespmem:s25+$0xFFFFFF60];
	v18 =	vperm.xlane v13, v0  }
0x90: {  	v12 =	vmul.f32 v15, v12;
	v15 =	vld [tilespmem:s31+$0xFFFFFF70];
	v6 =	vadd.f32 v6, v7;
	[tilespmem:s28+$0xFFFFFF00] =	vst v11;
	v7 =	vadd.f32 v8, v14  }
0x91: {  	v8 =	vld [tilespmem:s25+$0xFFFFFF70];
	v11 =	vadd.f32 v13, v18  }
0x92: {  	v9 =	vmul.f32 v9, v10;
	v10 =	vld [tilespmem:s31+$0xFFFFFF80];
	[tilespmem:s28+$0x0] =	vst v7  }
0x93: {  	v7 =	vld [tilespmem:s25+$0xFFFFFF80];
	v13 =	vperm.xlane v11, v1  }
0x94: {  	v14 =	vmul.f32 v17, v16;
	v9 =	vadd.f32 v9, v12;
	v12 =	vld [tilespmem:s31+$0xFFFFFF90]  }
0x95: {  	v16 =	vld [tilespmem:s25+$0xFFFFFF90];
	v11 =	vadd.f32 v11, v13  }
0x96: {  	v8 =	vmul.f32 v8, v15;
	v13 =	vld [tilespmem:s31+$0xFFFFFFA0]  }
0x97: {  	v15 =	vld [tilespmem:s25+$0xFFFFFFA0];
	v17 =	vperm.xlane v11, v2  }
0x98: {  	v8 =	vadd.f32 v8, v14;
	v10 =	vmul.f32 v7, v10;
	v14 =	vld [tilespmem:s31+$0xFFFFFFB0]  }
0x99: {  	v18 =	vld [tilespmem:s25+$0xFFFFFFB0];
	v11 =	vadd.f32 v11, v17  }
0x9a: {  	v7 =	vadd.f32 v8, v9;
	v8 =	vmul.f32 v16, v12;
	v9 =	vld [tilespmem:s31+$0xFFFFFFC0]  }
0x9b: {  	v12 =	vld [tilespmem:s25+$0xFFFFFFC0];
	v16 =	vperm.xlane v11, v3  }
0x9c: {  	v13 =	vmul.f32 v15, v13;
	v15 =	vld [tilespmem:s31+$0xFFFFFFD0];
	v8 =	vadd.f32 v8, v10  }
0x9d: {  	v10 =	vld [tilespmem:s25+$0xFFFFFFD0];
	v11 =	vadd.f32 v11, v16  }
0x9e: {  	s28 =	sadd.s32 $0x200, s28;
	v14 =	vmul.f32 v18, v14;
	v16 =	vld [tilespmem:s31+$0xFFFFFFE0]  }
0x9f: {  	v17 =	vld [tilespmem:s25+$0xFFFFFFE0];
	[tilespmem:s28+$0x80] =	vst v11  }
0xa0: {  	v9 =	vmul.f32 v12, v9;
	v11 =	vld [tilespmem:s31+$0xFFFFFFF0];
	v12 =	vadd.f32 v14, v13  }
0xa1: {  	v13 =	vld [tilespmem:s25+$0xFFFFFFF0]  }
0xa2: {  	v10 =	vmul.f32 v10, v15;
	v8 =	vadd.f32 v12, v8;
	v12 =	vld [tilespmem:s31+$0x0]  }
0xa3: {  	v14 =	vld [tilespmem:s25+$0x0]  }
0xa4: {  	v15 =	vmul.f32 v17, v16;
	v9 =	vadd.f32 v10, v9;
	v10 =	vld [tilespmem:s31+$0x10]  }
0xa5: {  	v16 =	vld [tilespmem:s25+$0x10]  }
0xa6: {  	v11 =	vmul.f32 v13, v11;
	v13 =	vld [tilespmem:s31+$0x20]  }
0xa7: {  	v17 =	vld [tilespmem:s25+$0x20]  }
0xa8: {  	v11 =	vadd.f32 v11, v15;
	v12 =	vmul.f32 v14, v12;
	v14 =	vld [tilespmem:s31+$0x30]  }
0xa9: {  	v15 =	vld [tilespmem:s25+$0x30]  }
0xaa: {  	v9 =	vadd.f32 v11, v9;
	v10 =	vmul.f32 v16, v10;
	v11 =	vld [tilespmem:s31+$0x40]  }
0xab: {  	v16 =	vld [tilespmem:s25+$0x40]  }
0xac: {  	v8 =	vadd.f32 v9, v8;
	v9 =	vmul.f32 v17, v13;
	v17 =	vld [tilespmem:s31+$0x50];
	v18 =	vadd.f32 v10, v12  }
0xad: {  	v19 =	vld [tilespmem:s25+$0x50]  }
.Ltmp0:
0xae: {  	v13 =	vperm.xlane v8, v0;
	v14 =	vmul.f32 v15, v14;
	v10 =	vld [tilespmem:s31+$0x60];
	(pc) =	sbr.rel @p0 .LBB2_2-.Ltmp0, $4  }
0xaf: {  	v12 =	vld [tilespmem:s25+$0x60]  }
0xb0: {  	v8 =	vadd.f32 v8, v13;
	v13 =	vmul.f32 v16, v11;
	v11 =	vld [tilespmem:s31+$0x70];
	v9 =	vadd.f32 v14, v9  }
0xb1: {  	v14 =	vld [tilespmem:s25+$0x70]  }
0xb2: {  	v16 =	vld [tilespmem:s31+$0xFFFFFF00];
	v15 =	vperm.xlane v8, v1;
	v17 =	vmul.f32 v19, v17;
	v9 =	vadd.f32 v9, v18;
	s31 =	sadd.s32 $0x200, s31  }
0xb3: {  	_ =	sdelay $0x3  }
0xb4: {  	v4 =	vmul.f32 v4, v16  }
0xb5: {  	v10 =	vmul.f32 v12, v10;
	v11 =	vmul.f32 v14, v11  }
0xb6: {  	v4 =	vadd.f32 v5, v4  }
0xb7: {  	v10 =	vadd.f32 v11, v10;
	v5 =	vadd.f32 v17, v13  }
0xb8: {  	v4 =	vadd.f32 v6, v4  }
0xb9: {  	v5 =	vadd.f32 v10, v5  }
0xba: {  	v4 =	vadd.f32 v7, v4  }
0xbb: {  	v5 =	vadd.f32 v5, v9  }
0xbc: {  	v6 =	vperm.xlane v4, v0  }
0xbd: {  	v7 =	vperm.xlane v5, v0  }
0xbe: {  	v4 =	vadd.f32 v4, v6  }
0xbf: {  	v5 =	vadd.f32 v5, v7  }
0xc0: {  	v6 =	vperm.xlane v4, v1  }
0xc1: {  	v7 =	vadd.f32 v8, v15;
	v8 =	vperm.xlane v5, v1  }
0xc2: {  	v4 =	vadd.f32 v4, v6  }
0xc3: {  	v6 =	vperm.xlane v7, v2;
	v5 =	vadd.f32 v5, v8  }
0xc4: {  	v8 =	vperm.xlane v4, v2  }
0xc5: {  	v6 =	vadd.f32 v7, v6;
	v7 =	vperm.xlane v5, v2  }
0xc6: {  	v4 =	vadd.f32 v4, v8  }
0xc7: {  	v8 =	vperm.xlane v6, v3;
	v5 =	vadd.f32 v5, v7  }
0xc8: {  	v7 =	vperm.xlane v4, v3  }
0xc9: {  	v6 =	vadd.f32 v6, v8;
	v8 =	vperm.xlane v5, v3  }
0xca: {  	v4 =	vadd.f32 v4, v7  }
0xcb: {  	[tilespmem:s28+$0xFFFFFF80] =	vst v6;
	v5 =	vadd.f32 v5, v8  }
0xcc: {  	[tilespmem:s28+$0xFFFFFF00] =	vst v4  }
0xcd: {  	[tilespmem:s28+$0x0] =	vst v5  }
0xce: {  	v4 =	vld [tilespmem:s26+$0x0]  }
0xcf: {  	v5 =	vld [tilespmem:s26+$0x80]  }
0xd0: {  	v6 =	vld [tilespmem:s26+$0x100]  }
0xd1: {  	v7 =	vld [tilespmem:s26+$0x180]  }
0xd2: {  	v8 =	vld [tilespmem:s26+$0x200]  }
0xd3: {  	v9 =	vld [tilespmem:s26+$0x280]  }
0xd4: {  	v10 =	vld [tilespmem:s26+$0x300]  }
0xd5: {  	v11 =	vld [tilespmem:s26+$0x380]  }
0xd6: {  	v58 =	vld [tilespmem:s26+$0x400]  }
0xd7: {  	v59 =	vld [tilespmem:s26+$0x480]  }
0xd8: {  	v60 =	vld [tilespmem:s26+$0x500]  }
0xd9: {  	v61 =	vld [tilespmem:s26+$0x580]  }
0xda: {  	v62 =	vld [tilespmem:s26+$0x600]  }
0xdb: {  	v63 =	vld [tilespmem:s26+$0x680]  }
0xdc: {  	v18 =	vld [tilespmem:s26+$0x700]  }
0xdd: {  	v19 =	vld [tilespmem:s26+$0x780]  }
0xde: {  	v4 =	vsel vm0, v4, v5;
	v5 =	vld [tilespmem:s26+$0xFFFFF880]  }
0xdf: {  	v4 =	vsel vm1, v4, v6;
	v6 =	vld [tilespmem:s26+$0xFFFFF800]  }
0xe0: {  	v4 =	vsel vm2, v4, v7;
	v7 =	vld [tilespmem:s26+$0xFFFFF900]  }
0xe1: {  	v4 =	vsel vm3, v4, v8;
	v8 =	vld [tilespmem:s26+$0xFFFFF980]  }
0xe2: {  	v4 =	vsel vm4, v4, v9;
	v9 =	vld [tilespmem:s26+$0xFFFFFA00]  }
0xe3: {  	v4 =	vsel vm5, v4, v10;
	v10 =	vld [tilespmem:s26+$0xFFFFFA80]  }
0xe4: {  	v4 =	vsel vm6, v4, v11;
	v5 =	vsel vm0, v6, v5;
	v6 =	vld [tilespmem:s26+$0xFFFFFB00]  }
0xe5: {  	v4 =	vsel vm7, v4, v58;
	v5 =	vsel vm1, v5, v7;
	v7 =	vld [tilespmem:s26+$0xFFFFFB80]  }
0xe6: {  	v4 =	vsel vm8, v4, v59;
	v5 =	vsel vm2, v5, v8;
	v8 =	vld [tilespmem:s26+$0xFFFFFC00]  }
0xe7: {  	v4 =	vsel vm9, v4, v60;
	v5 =	vsel vm3, v5, v9;
	v9 =	vld [tilespmem:s26+$0xFFFFFC80]  }
0xe8: {  	v4 =	vsel vm10, v4, v61;
	v5 =	vsel vm4, v5, v10;
	v10 =	vld [tilespmem:s26+$0xFFFFFD00]  }
0xe9: {  	v11 =	vsel vm11, v4, v62;
	v5 =	vsel vm5, v5, v6;
	v4 =	vld [tilespmem:s26+$0xFFFFFD80]  }
0xea: {  	v6 =	vsel vm12, v11, v63;
	v7 =	vsel vm6, v5, v7;
	v5 =	vld [tilespmem:s26+$0xFFFFFE00]  }
0xeb: {  	v11 =	vsel vm13, v6, v18;
	v7 =	vsel vm7, v7, v8;
	v6 =	vld [tilespmem:s26+$0xFFFFFE80]  }
0xec: {  	v8 =	vsel vm14, v11, v19;
	v9 =	vsel vm8, v7, v9;
	v7 =	vld [tilespmem:s26+$0xFFFFFF00]  }
0xed: {  	s25 =	simm.s32 $0x0;
	[tilespmem:s24+$0x0] =	vst v8;
	v9 =	vsel vm9, v9, v10;
	v8 =	vld [tilespmem:s26+$0xFFFFFF80];
	s26 =	simm.s32 $0x19C00  }
.LBB2_4:
0xee: {  	v10 =	vld [tilespmem:s26+$0x0];
	v4 =	vsel vm10, v9, v4  }
0xef: {  	s25 =	sadd.s32 $0x2, s25;
	v9 =	vld [tilespmem:s26+$0x80];
	v4 =	vsel vm11, v4, v5  }
0xf0: {  	p0 =	slt.u32 s25, $0x6;
	v5 =	vld [tilespmem:s26+$0x100];
	v4 =	vsel vm12, v4, v6  }
0xf1: {  	v6 =	vld [tilespmem:s26+$0x180];
	v4 =	vsel vm13, v4, v7  }
0xf2: {  	v7 =	vld [tilespmem:s26+$0x200];
	v4 =	vsel vm14, v4, v8  }
0xf3: {  	v8 =	vld [tilespmem:s26+$0x280];
	[tilespmem:s24+$0xFFFFFFF0] =	vst v4  }
0xf4: {  	v4 =	vsel vm0, v10, v9;
	v9 =	vld [tilespmem:s26+$0x300]  }
0xf5: {  	v4 =	vsel vm1, v4, v5;
	v5 =	vld [tilespmem:s26+$0x380]  }
0xf6: {  	v4 =	vsel vm2, v4, v6;
	v6 =	vld [tilespmem:s26+$0x400]  }
0xf7: {  	v4 =	vsel vm3, v4, v7;
	v7 =	vld [tilespmem:s26+$0x480]  }
0xf8: {  	v4 =	vsel vm4, v4, v8;
	v8 =	vld [tilespmem:s26+$0x500]  }
0xf9: {  	v4 =	vsel vm5, v4, v9;
	v9 =	vld [tilespmem:s26+$0x580]  }
0xfa: {  	v4 =	vsel vm6, v4, v5;
	v5 =	vld [tilespmem:s26+$0x600]  }
0xfb: {  	v4 =	vsel vm7, v4, v6;
	v6 =	vld [tilespmem:s26+$0x680]  }
0xfc: {  	v4 =	vsel vm8, v4, v7;
	v7 =	vld [tilespmem:s26+$0x700]  }
0xfd: {  	v4 =	vsel vm9, v4, v8;
	v8 =	vld [tilespmem:s26+$0x780]  }
0xfe: {  	v10 =	vld [tilespmem:s26+$0xFFFFF880];
	v4 =	vsel vm10, v4, v9  }
0xff: {  	v9 =	vld [tilespmem:s26+$0xFFFFF800];
	v4 =	vsel vm11, v4, v5  }
0x100: {  	v5 =	vld [tilespmem:s26+$0xFFFFF900];
	v4 =	vsel vm12, v4, v6  }
0x101: {  	v6 =	vld [tilespmem:s26+$0xFFFFF980];
	v4 =	vsel vm13, v4, v7  }
0x102: {  	s24 =	sadd.s32 $0x20, s24;
	v7 =	vld [tilespmem:s26+$0xFFFFFA00];
	v4 =	vsel vm14, v4, v8  }
0x103: {  	v8 =	vld [tilespmem:s26+$0xFFFFFA80];
	[tilespmem:s24+$0x0] =	vst v4  }
0x104: {  	v4 =	vsel vm0, v9, v10;
	v9 =	vld [tilespmem:s26+$0xFFFFFB00]  }
0x105: {  	v4 =	vsel vm1, v4, v5;
	v5 =	vld [tilespmem:s26+$0xFFFFFB80]  }
0x106: {  	v4 =	vsel vm2, v4, v6;
	v6 =	vld [tilespmem:s26+$0xFFFFFC00]  }
0x107: {  	v4 =	vsel vm3, v4, v7;
	v7 =	vld [tilespmem:s26+$0xFFFFFC80]  }
0x108: {  	v4 =	vsel vm4, v4, v8;
	v8 =	vld [tilespmem:s26+$0xFFFFFD00]  }
.Ltmp1:
0x109: {  	v9 =	vsel vm5, v4, v9;
	v4 =	vld [tilespmem:s26+$0xFFFFFD80];
	(pc) =	sbr.rel @p0 .LBB2_4-.Ltmp1, $4  }
0x10a: {  	v9 =	vsel vm6, v9, v5;
	v5 =	vld [tilespmem:s26+$0xFFFFFE00]  }
0x10b: {  	v9 =	vsel vm7, v9, v6;
	v6 =	vld [tilespmem:s26+$0xFFFFFE80]  }
0x10c: {  	v9 =	vsel vm8, v9, v7;
	v7 =	vld [tilespmem:s26+$0xFFFFFF00]  }
0x10d: {  	v9 =	vsel vm9, v9, v8;
	v8 =	vld [tilespmem:s26+$0xFFFFFF80];
	s26 =	sadd.s32 $0x1000, s26  }
0x10e: {  	v4 =	vsel vm10, v9, v4  }
0x10f: {  	v4 =	vsel vm11, v4, v5  }
0x110: {  	v4 =	vsel vm12, v4, v6  }
0x111: {  	v4 =	vsel vm13, v4, v7  }
0x112: {  	v4 =	vsel vm14, v4, v8  }
0x113: {  	s26 =	simm.s32 $0x0;
	s25 =	simm.s32 $0x1C400;
	[tilespmem:s24+$0xFFFFFFF0] =	vst v4  }
0x114: {  	[hbm4b:s8+s26] =	stream.linear.scatter [tilespmem:s25], [sflag:$0x1], $0x80, $0x38;
	[tilespmem:$0x1C600] =	vst v63  }
0x115: {  	_ =	swait.ge [sflag:s29], $0x4000  }
0x116: {  	[sflag:s29] =	ssyncset.done $0x0  }
0x117: {  	[sflag:s29] =	ssyncadd.s32 $0xFFFFC000  }
0x118: {  	_ =	swait.ge [sflag:s29], $0x4000  }
0x119: {  	[sflag:s29] =	ssyncset.done $0x0  }
0x11a: {  	s30 =	simm.s32 $0x180;
	[sflag:s29] =	ssyncadd.s32 $0xFFFFC000  }
0x11b: {  	[tilespmem:s18], [sflag:$0x2] =	stream.indirect.gather [hbm4b:s0+s15], $0x80, s30, s15, $0xb8;
	[tilespmem:$0x1C600] =	vst v63  }
0x11c: {  	s31 =	simm.s32 $0x380;
	s25 =	simm.s32 $0x0  }
0x11d: {  	[tilespmem:s19], [sflag:$0x2] =	stream.indirect.gather [hbm4b:s2+s15], $0x80, s31, s15, $0xb8;
	[tilespmem:$0x1C600] =	vst v63  }
0x11e: {  	v4 =	vld [tilespmem:s25+$0x4580]  }
0x11f: {  	v5 =	vld [tilespmem:s25+$0x10580]  }
0x120: {  	v6 =	vld [tilespmem:s25+$0x4590]  }
0x121: {  	v7 =	vld [tilespmem:s25+$0x10590]  }
0x122: {  	v8 =	vld [tilespmem:s25+$0x45A0]  }
0x123: {  	v9 =	vld [tilespmem:s25+$0x105A0]  }
0x124: {  	v10 =	vld [tilespmem:s25+$0x45B0]  }
0x125: {  	v11 =	vld [tilespmem:s25+$0x105B0]  }
0x126: {  	v12 =	vld [tilespmem:s25+$0x45C0]  }
0x127: {  	v13 =	vld [tilespmem:s25+$0x105C0]  }
0x128: {  	v14 =	vld [tilespmem:s25+$0x45D0]  }
0x129: {  	v15 =	vld [tilespmem:s25+$0x105D0]  }
0x12a: {  	v16 =	vld [tilespmem:s25+$0x45E0]  }
0x12b: {  	v17 =	vld [tilespmem:s25+$0x105E0]  }
0x12c: {  	v18 =	vld [tilespmem:s25+$0x45F0]  }
0x12d: {  	v19 =	vld [tilespmem:s25+$0x105F0]  }
0x12e: {  	v20 =	vld [tilespmem:s25+$0x4400]  }
0x12f: {  	v21 =	vld [tilespmem:s25+$0x10400]  }
0x130: {  	v22 =	vld [tilespmem:s25+$0x4410]  }
0x131: {  	v23 =	vld [tilespmem:s25+$0x10410]  }
0x132: {  	v24 =	vld [tilespmem:s25+$0x4420]  }
0x133: {  	v25 =	vld [tilespmem:s25+$0x10420]  }
0x134: {  	v26 =	vld [tilespmem:s25+$0x4430]  }
0x135: {  	v27 =	vld [tilespmem:s25+$0x10430]  }
0x136: {  	v28 =	vld [tilespmem:s25+$0x4440]  }
0x137: {  	v29 =	vld [tilespmem:s25+$0x10440]  }
0x138: {  	v30 =	vld [tilespmem:s25+$0x4450]  }
0x139: {  	v31 =	vld [tilespmem:s25+$0x10450]  }
0x13a: {  	v32 =	vld [tilespmem:s25+$0x4460]  }
0x13b: {  	v33 =	vld [tilespmem:s25+$0x10460]  }
0x13c: {  	v47 =	vld [tilespmem:s25+$0x10490];
	v4 =	vmul.f32 v5, v4;
	v6 =	vmul.f32 v7, v6  }
0x13d: {  	v49 =	vld [tilespmem:s25+$0x44A0];
	v7 =	vmul.f32 v9, v8;
	v9 =	vmul.f32 v11, v10  }
0x13e: {  	v5 =	vld [tilespmem:s25+$0x4470];
	v10 =	vmul.f32 v13, v12;
	v12 =	vmul.f32 v15, v14  }
0x13f: {  	v8 =	vld [tilespmem:s25+$0x10470];
	v13 =	vmul.f32 v17, v16;
	v15 =	vmul.f32 v19, v18  }
0x140: {  	v51 =	vld [tilespmem:s25+$0x104A0];
	v48 =	vmul.f32 v27, v26;
	v50 =	vmul.f32 v31, v30  }
0x141: {  	v53 =	vld [tilespmem:s25+$0x104E0];
	v4 =	vadd.f32 v6, v4;
	v6 =	vadd.f32 v9, v7;
	v9 =	vmul.f32 v21, v20  }
0x142: {  	v55 =	vld [tilespmem:s25+$0x44F0];
	v10 =	vadd.f32 v12, v10;
	v12 =	vmul.f32 v23, v22;
	v13 =	vadd.f32 v15, v13  }
0x143: {  	v56 =	vld [tilespmem:s25+$0x104F0];
	v15 =	vmul.f32 v25, v24;
	v4 =	vadd.f32 v6, v4;
	v6 =	vmul.f32 v29, v28  }
0x144: {  	v11 =	vld [tilespmem:s25+$0x4480];
	v10 =	vadd.f32 v13, v10;
	v13 =	vmul.f32 v33, v32;
	v5 =	vmul.f32 v8, v5  }
0x145: {  	v14 =	vld [tilespmem:s25+$0x10480];
	v9 =	vadd.f32 v12, v9;
	v12 =	vadd.f32 v48, v15  }
0x146: {  	v7 =	vld [tilespmem:s25+$0x4490];
	v6 =	vadd.f32 v50, v6;
	v5 =	vadd.f32 v5, v13  }
0x147: {  	v15 =	vld [tilespmem:s25+$0x104B0]  }
0x148: {  	v8 =	vld [tilespmem:s25+$0x44B0];
	v9 =	vadd.f32 v12, v9;
	v5 =	vadd.f32 v5, v6  }
0x149: {  	v4 =	vadd.f32 v10, v4;
	v10 =	vld [tilespmem:s25+$0x104C0]  }
0x14a: {  	v12 =	vld [tilespmem:s25+$0x104D0];
	v5 =	vadd.f32 v5, v9  }
0x14b: {  	v13 =	vld [tilespmem:s25+$0x44C0];
	v52 =	vperm.xlane v4, v0  }
0x14c: {  	v6 =	vld [tilespmem:s25+$0x44D0];
	v54 =	vperm.xlane v5, v0  }
0x14d: {  	v4 =	vadd.f32 v4, v52;
	v9 =	vld [tilespmem:s25+$0x44E0]  }
0x14e: {  	v57 =	vld [tilespmem:s25+$0x4500];
	v11 =	vmul.f32 v14, v11;
	v7 =	vmul.f32 v47, v7;
	v5 =	vadd.f32 v5, v54  }
0x14f: {  	v59 =	vld [tilespmem:s25+$0x10500];
	v58 =	vmul.f32 v51, v49;
	v14 =	vperm.xlane v4, v1  }
0x150: {  	v60 =	vld [tilespmem:s25+$0x4510];
	v7 =	vadd.f32 v7, v11;
	v8 =	vmul.f32 v15, v8;
	v15 =	vperm.xlane v5, v1  }
0x151: {  	v11 =	vld [tilespmem:s25+$0x10520];
	v10 =	vmul.f32 v10, v13;
	v13 =	vmul.f32 v56, v55;
	v4 =	vadd.f32 v4, v14  }
0x152: {  	v6 =	vmul.f32 v12, v6;
	v12 =	vld [tilespmem:s25+$0x10510];
	v9 =	vmul.f32 v53, v9;
	v5 =	vadd.f32 v5, v15  }
0x153: {  	v8 =	vadd.f32 v8, v58;
	v14 =	vld [tilespmem:s25+$0x4520];
	v15 =	vperm.xlane v4, v2  }
0x154: {  	v6 =	vadd.f32 v6, v10;
	v9 =	vadd.f32 v13, v9;
	v13 =	vld [tilespmem:s25+$0x4530];
	v10 =	vperm.xlane v5, v2  }
0x155: {  	v15 =	vadd.f32 v4, v15;
	v4 =	vadd.f32 v8, v7;
	v7 =	vld [tilespmem:s25+$0x10530]  }
0x156: {  	v61 =	vld [tilespmem:s25+$0x10540];
	v6 =	vadd.f32 v9, v6;
	v5 =	vadd.f32 v5, v10  }
0x157: {  	v10 =	vld [tilespmem:s25+$0x4540];
	v8 =	vperm.xlane v15, v3  }
0x158: {  	v12 =	vmul.f32 v12, v60;
	v63 =	vadd.f32 v6, v4;
	v4 =	vld [tilespmem:s25+$0x4550];
	v62 =	vperm.xlane v5, v3  }
0x159: {  	v14 =	vmul.f32 v11, v14;
	v9 =	vmul.f32 v59, v57;
	v6 =	vld [tilespmem:s25+$0x10550];
	v8 =	vadd.f32 v15, v8  }
0x15a: {  	v15 =	vperm.xlane v63, v0;
	v13 =	vmul.f32 v7, v13;
	v7 =	vld [tilespmem:s25+$0x4560];
	v11 =	vadd.f32 v5, v62  }
0x15b: {  	[tilespmem:s25+$0x18580] =	vst v8;
	v5 =	vadd.f32 v12, v9;
	v9 =	vld [tilespmem:s25+$0x10560]  }
0x15c: {  	s28 =	simm.s32 $0x800;
	s24 =	simm.s32 $0x1C490;
	s26 =	simm.s32 $0x0;
	v8 =	vadd.f32 v63, v15;
	v12 =	vadd.f32 v13, v14;
	[tilespmem:s25+$0x18400] =	vst v11;
	v11 =	vmul.f32 v61, v10;
	v10 =	vld [tilespmem:s25+$0x4570]  }
.LBB2_6:
0x15d: {  	s30 =	sshra.s32 s28, $0x2;
	v13 =	vld [tilespmem:s25+$0x10570]  }
0x15e: {  	v14 =	vld [tilespmem:s30+$0x4580];
	v15 =	vperm.xlane v8, v1;
	v4 =	vmul.f32 v6, v4;
	v5 =	vadd.f32 v12, v5  }
0x15f: {  	v6 =	vld [tilespmem:s30+$0x10580]  }
0x160: {  	v12 =	vld [tilespmem:s30+$0x4590];
	v8 =	vadd.f32 v8, v15;
	v7 =	vmul.f32 v9, v7;
	v4 =	vadd.f32 v4, v11  }
0x161: {  	v9 =	vld [tilespmem:s30+$0x10590]  }
0x162: {  	v11 =	vld [tilespmem:s30+$0x45A0];
	v15 =	vperm.xlane v8, v2;
	v10 =	vmul.f32 v13, v10  }
0x163: {  	v13 =	vld [tilespmem:s30+$0x105A0]  }
0x164: {  	v16 =	vld [tilespmem:s30+$0x45B0];
	v8 =	vadd.f32 v8, v15;
	v7 =	vadd.f32 v10, v7  }
0x165: {  	v10 =	vld [tilespmem:s30+$0x105B0]  }
0x166: {  	v15 =	vld [tilespmem:s30+$0x45C0];
	v17 =	vperm.xlane v8, v3;
	v4 =	vadd.f32 v7, v4  }
0x167: {  	v7 =	vld [tilespmem:s30+$0x105C0]  }
0x168: {  	v18 =	vld [tilespmem:s30+$0x45D0];
	v8 =	vadd.f32 v8, v17;
	v4 =	vadd.f32 v4, v5  }
0x169: {  	v5 =	vld [tilespmem:s30+$0x105D0]  }
0x16a: {  	v17 =	vld [tilespmem:s30+$0x45E0];
	[tilespmem:s25+$0x18480] =	vst v8;
	v8 =	vperm.xlane v4, v0  }
0x16b: {  	v19 =	vld [tilespmem:s30+$0x105E0]  }
0x16c: {  	s26 =	sadd.s32 $0x4, s26;
	v20 =	vld [tilespmem:s30+$0x45F0];
	v4 =	vadd.f32 v4, v8  }
0x16d: {  	p0 =	slt.u32 s26, $0x7C;
	v8 =	vld [tilespmem:s30+$0x105F0]  }
0x16e: {  	v21 =	vld [tilespmem:s30+$0x4400];
	v22 =	vperm.xlane v4, v1  }
0x16f: {  	v6 =	vmul.f32 v6, v14;
	v9 =	vmul.f32 v9, v12;
	v23 =	vld [tilespmem:s30+$0x10400]  }
0x170: {  	v11 =	vmul.f32 v13, v11;
	v10 =	vmul.f32 v10, v16;
	v12 =	vld [tilespmem:s30+$0x4410];
	v4 =	vadd.f32 v4, v22  }
0x171: {  	v7 =	vmul.f32 v7, v15;
	v5 =	vmul.f32 v5, v18;
	v13 =	vld [tilespmem:s30+$0x10410]  }
0x172: {  	v15 =	vmul.f32 v19, v17;
	v14 =	vld [tilespmem:s30+$0x4420];
	v8 =	vmul.f32 v8, v20  }
0x173: {  	v6 =	vadd.f32 v9, v6;
	v9 =	vadd.f32 v10, v11;
	v10 =	vperm.xlane v4, v2;
	v16 =	vld [tilespmem:s30+$0x10420]  }
0x174: {  	v5 =	vadd.f32 v5, v7;
	v11 =	vmul.f32 v23, v21;
	v17 =	vld [tilespmem:s30+$0x4430];
	v7 =	vadd.f32 v8, v15  }
0x175: {  	v4 =	vadd.f32 v4, v10;
	v8 =	vld [tilespmem:s30+$0x10430]  }
0x176: {  	v6 =	vadd.f32 v9, v6;
	v10 =	vmul.f32 v13, v12;
	v12 =	vld [tilespmem:s30+$0x4440];
	v5 =	vadd.f32 v7, v5  }
0x177: {  	v9 =	vperm.xlane v4, v3;
	v7 =	vld [tilespmem:s30+$0x10440]  }
0x178: {  	v13 =	vmul.f32 v16, v14;
	v14 =	vld [tilespmem:s30+$0x4450];
	v10 =	vadd.f32 v10, v11;
	v5 =	vadd.f32 v5, v6  }
0x179: {  	v4 =	vadd.f32 v4, v9;
	v6 =	vld [tilespmem:s30+$0x10450]  }
0x17a: {  	v8 =	vmul.f32 v8, v17;
	v9 =	vld [tilespmem:s30+$0x4460];
	v11 =	vperm.xlane v5, v0  }
0x17b: {  	v15 =	vld [tilespmem:s30+$0x10460];
	[tilespmem:s25+$0x18500] =	vst v4;
	s25 =	smov.u32 s30  }
0x17c: {  	v4 =	vmul.f32 v7, v12;
	v7 =	vld [tilespmem:s25+$0x4470];
	v8 =	vadd.f32 v8, v13;
	v5 =	vadd.f32 v5, v11  }
0x17d: {  	v11 =	vld [tilespmem:s25+$0x10470]  }
0x17e: {  	v6 =	vmul.f32 v6, v14;
	v8 =	vadd.f32 v8, v10;
	v10 =	vld [tilespmem:s25+$0x4480];
	v12 =	vperm.xlane v5, v1  }
0x17f: {  	v13 =	vld [tilespmem:s25+$0x10480]  }
0x180: {  	v9 =	vmul.f32 v15, v9;
	v4 =	vadd.f32 v6, v4;
	v6 =	vld [tilespmem:s25+$0x4490];
	v5 =	vadd.f32 v5, v12  }
0x181: {  	v12 =	vld [tilespmem:s25+$0x10490]  }
0x182: {  	v7 =	vmul.f32 v11, v7;
	v11 =	vld [tilespmem:s25+$0x44A0];
	v14 =	vperm.xlane v5, v2  }
0x183: {  	v15 =	vld [tilespmem:s25+$0x104A0]  }
0x184: {  	v7 =	vadd.f32 v7, v9;
	v9 =	vmul.f32 v13, v10;
	v10 =	vld [tilespmem:s25+$0x44B0];
	v5 =	vadd.f32 v5, v14  }
0x185: {  	v13 =	vld [tilespmem:s25+$0x104B0]  }
0x186: {  	v4 =	vadd.f32 v7, v4;
	v6 =	vmul.f32 v12, v6;
	v7 =	vld [tilespmem:s25+$0x44C0];
	v12 =	vperm.xlane v5, v3  }
0x187: {  	v14 =	vld [tilespmem:s25+$0x104C0]  }
0x188: {  	v11 =	vmul.f32 v15, v11;
	v15 =	vld [tilespmem:s25+$0x44D0];
	v6 =	vadd.f32 v6, v9;
	v5 =	vadd.f32 v5, v12  }
0x189: {  	v4 =	vadd.f32 v4, v8;
	v8 =	vld [tilespmem:s25+$0x104D0]  }
0x18a: {  	s30 =	simm.s32 $0x18C00;
	v9 =	vmul.f32 v13, v10;
	v10 =	vld [tilespmem:s25+$0x44E0];
	[tilespmem:s25+$0x18580] =	vst v5  }
0x18b: {  	v5 =	vperm.xlane v4, v0;
	v12 =	vld [tilespmem:s25+$0x104E0]  }
0x18c: {  	v7 =	vmul.f32 v14, v7;
	v13 =	vld [tilespmem:s25+$0x44F0];
	v9 =	vadd.f32 v9, v11  }
0x18d: {  	v4 =	vadd.f32 v4, v5;
	v5 =	vld [tilespmem:s25+$0x104F0]  }
0x18e: {  	v8 =	vmul.f32 v8, v15;
	v6 =	vadd.f32 v9, v6;
	v9 =	vld [tilespmem:s25+$0x4500]  }
0x18f: {  	v11 =	vperm.xlane v4, v1;
	v14 =	vld [tilespmem:s25+$0x10500]  }
0x190: {  	v10 =	vmul.f32 v12, v10;
	v7 =	vadd.f32 v8, v7;
	v8 =	vld [tilespmem:s25+$0x4510]  }
0x191: {  	v4 =	vadd.f32 v4, v11;
	v11 =	vld [tilespmem:s25+$0x10510]  }
0x192: {  	v5 =	vmul.f32 v5, v13;
	v12 =	vld [tilespmem:s25+$0x4520]  }
0x193: {  	v13 =	vperm.xlane v4, v2;
	v15 =	vld [tilespmem:s25+$0x10520]  }
0x194: {  	v5 =	vadd.f32 v5, v10;
	v9 =	vmul.f32 v14, v9;
	v10 =	vld [tilespmem:s25+$0x4530]  }
0x195: {  	v13 =	vadd.f32 v4, v13;
	v14 =	vld [tilespmem:s25+$0x10530]  }
0x196: {  	v4 =	vadd.f32 v5, v7;
	v5 =	vmul.f32 v11, v8;
	v11 =	vld [tilespmem:s25+$0x4540]  }
0x197: {  	v7 =	vperm.xlane v13, v3;
	v16 =	vld [tilespmem:s25+$0x10540]  }
.Ltmp2:
0x198: {  	v8 =	vadd.f32 v4, v6;
	v12 =	vmul.f32 v15, v12;
	v4 =	vld [tilespmem:s25+$0x4550];
	v5 =	vadd.f32 v5, v9;
	(pc) =	sbr.rel @p0 .LBB2_6-.Ltmp2, $4  }
0x199: {  	v9 =	vadd.f32 v13, v7;
	v6 =	vld [tilespmem:s25+$0x10550]  }
0x19a: {  	v13 =	vperm.xlane v8, v0;
	v14 =	vmul.f32 v14, v10;
	v7 =	vld [tilespmem:s25+$0x4560]  }
0x19b: {  	[tilespmem:s25+$0x18400] =	vst v9;
	v9 =	vld [tilespmem:s25+$0x10560]  }
0x19c: {  	s28 =	sadd.s32 $0x800, s28;
	v8 =	vadd.f32 v8, v13;
	v11 =	vmul.f32 v16, v11;
	v10 =	vld [tilespmem:s25+$0x4570];
	v12 =	vadd.f32 v14, v12  }
0x19d: {  	v13 =	vld [tilespmem:s25+$0x10570];
	_ =	sdelay $0x3  }
0x19e: {  	v4 =	vmul.f32 v6, v4  }
0x19f: {  	v6 =	vmul.f32 v9, v7;
	v7 =	vmul.f32 v13, v10;
	_ =	sdelay $0x1  }
0x1a0: {  	v4 =	vadd.f32 v4, v11;
	v6 =	vadd.f32 v7, v6;
	_ =	sdelay $0x1  }
0x1a1: {  	v5 =	vadd.f32 v12, v5;
	v4 =	vadd.f32 v6, v4;
	_ =	sdelay $0x1  }
0x1a2: {  	v4 =	vadd.f32 v4, v5;
	_ =	sdelay $0x1  }
0x1a3: {  	v5 =	vperm.xlane v4, v0;
	_ =	sdelay $0x1  }
0x1a4: {  	v4 =	vadd.f32 v4, v5  }
0x1a5: {  	v5 =	vperm.xlane v8, v1  }
0x1a6: {  	v6 =	vperm.xlane v4, v1  }
0x1a7: {  	v5 =	vadd.f32 v8, v5  }
0x1a8: {  	v4 =	vadd.f32 v4, v6  }
0x1a9: {  	v6 =	vperm.xlane v5, v2  }
0x1aa: {  	v7 =	vperm.xlane v4, v2  }
0x1ab: {  	v5 =	vadd.f32 v5, v6  }
0x1ac: {  	v4 =	vadd.f32 v4, v7  }
0x1ad: {  	v6 =	vperm.xlane v5, v3  }
0x1ae: {  	v7 =	vperm.xlane v4, v3  }
0x1af: {  	v5 =	vadd.f32 v5, v6  }
0x1b0: {  	v4 =	vadd.f32 v4, v7  }
0x1b1: {  	[tilespmem:s25+$0x18480] =	vst v5  }
0x1b2: {  	[tilespmem:s25+$0x18500] =	vst v4  }
0x1b3: {  	v4 =	vld [tilespmem:s30+$0x0]  }
0x1b4: {  	v5 =	vld [tilespmem:s30+$0x80]  }
0x1b5: {  	v6 =	vld [tilespmem:s30+$0x100]  }
0x1b6: {  	v7 =	vld [tilespmem:s30+$0x180]  }
0x1b7: {  	v8 =	vld [tilespmem:s30+$0x200]  }
0x1b8: {  	v9 =	vld [tilespmem:s30+$0x280]  }
0x1b9: {  	v10 =	vld [tilespmem:s30+$0x300]  }
0x1ba: {  	v11 =	vld [tilespmem:s30+$0x380]  }
0x1bb: {  	v62 =	vld [tilespmem:s30+$0x400]  }
0x1bc: {  	v63 =	vld [tilespmem:s30+$0x480]  }
0x1bd: {  	v14 =	vld [tilespmem:s30+$0x500]  }
0x1be: {  	v15 =	vld [tilespmem:s30+$0x580]  }
0x1bf: {  	v16 =	vld [tilespmem:s30+$0x600]  }
0x1c0: {  	v17 =	vld [tilespmem:s30+$0x680]  }
0x1c1: {  	v18 =	vld [tilespmem:s30+$0x700]  }
0x1c2: {  	v19 =	vld [tilespmem:s30+$0x780]  }
0x1c3: {  	v4 =	vsel vm0, v4, v5;
	v5 =	vld [tilespmem:s30+$0xFFFFF880]  }
0x1c4: {  	v4 =	vsel vm1, v4, v6;
	v6 =	vld [tilespmem:s30+$0xFFFFF800]  }
0x1c5: {  	v4 =	vsel vm2, v4, v7;
	v7 =	vld [tilespmem:s30+$0xFFFFF900]  }
0x1c6: {  	v4 =	vsel vm3, v4, v8;
	v8 =	vld [tilespmem:s30+$0xFFFFF980]  }
0x1c7: {  	v4 =	vsel vm4, v4, v9;
	v9 =	vld [tilespmem:s30+$0xFFFFFA00]  }
0x1c8: {  	v4 =	vsel vm5, v4, v10;
	v10 =	vld [tilespmem:s30+$0xFFFFFA80]  }
0x1c9: {  	v4 =	vsel vm6, v4, v11;
	v5 =	vsel vm0, v6, v5;
	v6 =	vld [tilespmem:s30+$0xFFFFFB00]  }
0x1ca: {  	v4 =	vsel vm7, v4, v62;
	v5 =	vsel vm1, v5, v7;
	v7 =	vld [tilespmem:s30+$0xFFFFFB80]  }
0x1cb: {  	v4 =	vsel vm8, v4, v63;
	v5 =	vsel vm2, v5, v8;
	v8 =	vld [tilespmem:s30+$0xFFFFFC00]  }
0x1cc: {  	v4 =	vsel vm9, v4, v14;
	v5 =	vsel vm3, v5, v9;
	v9 =	vld [tilespmem:s30+$0xFFFFFC80]  }
0x1cd: {  	v4 =	vsel vm10, v4, v15;
	v5 =	vsel vm4, v5, v10;
	v10 =	vld [tilespmem:s30+$0xFFFFFD00]  }
0x1ce: {  	v11 =	vsel vm11, v4, v16;
	v5 =	vsel vm5, v5, v6;
	v4 =	vld [tilespmem:s30+$0xFFFFFD80]  }
0x1cf: {  	v6 =	vsel vm12, v11, v17;
	v7 =	vsel vm6, v5, v7;
	v5 =	vld [tilespmem:s30+$0xFFFFFE00]  }
0x1d0: {  	v11 =	vsel vm13, v6, v18;
	v7 =	vsel vm7, v7, v8;
	v6 =	vld [tilespmem:s30+$0xFFFFFE80]  }
0x1d1: {  	v8 =	vsel vm14, v11, v19;
	v9 =	vsel vm8, v7, v9;
	v7 =	vld [tilespmem:s30+$0xFFFFFF00]  }
0x1d2: {  	s26 =	simm.s32 $0x19C00;
	s25 =	simm.s32 $0x0;
	[tilespmem:s24+$0x0] =	vst v8;
	v9 =	vsel vm9, v9, v10;
	v8 =	vld [tilespmem:s30+$0xFFFFFF80]  }
.LBB2_8:
0x1d3: {  	v10 =	vld [tilespmem:s26+$0x0];
	v4 =	vsel vm10, v9, v4  }
0x1d4: {  	s25 =	sadd.s32 $0x2, s25;
	v9 =	vld [tilespmem:s26+$0x80];
	v4 =	vsel vm11, v4, v5  }
0x1d5: {  	p0 =	slt.u32 s25, $0x6;
	v5 =	vld [tilespmem:s26+$0x100];
	v4 =	vsel vm12, v4, v6  }
0x1d6: {  	v6 =	vld [tilespmem:s26+$0x180];
	v4 =	vsel vm13, v4, v7  }
0x1d7: {  	v7 =	vld [tilespmem:s26+$0x200];
	v4 =	vsel vm14, v4, v8  }
0x1d8: {  	v8 =	vld [tilespmem:s26+$0x280];
	[tilespmem:s24+$0xFFFFFFF0] =	vst v4  }
0x1d9: {  	v4 =	vsel vm0, v10, v9;
	v9 =	vld [tilespmem:s26+$0x300]  }
0x1da: {  	v4 =	vsel vm1, v4, v5;
	v5 =	vld [tilespmem:s26+$0x380]  }
0x1db: {  	v4 =	vsel vm2, v4, v6;
	v6 =	vld [tilespmem:s26+$0x400]  }
0x1dc: {  	v4 =	vsel vm3, v4, v7;
	v7 =	vld [tilespmem:s26+$0x480]  }
0x1dd: {  	v4 =	vsel vm4, v4, v8;
	v8 =	vld [tilespmem:s26+$0x500]  }
0x1de: {  	v4 =	vsel vm5, v4, v9;
	v9 =	vld [tilespmem:s26+$0x580]  }
0x1df: {  	v4 =	vsel vm6, v4, v5;
	v5 =	vld [tilespmem:s26+$0x600]  }
0x1e0: {  	v4 =	vsel vm7, v4, v6;
	v6 =	vld [tilespmem:s26+$0x680]  }
0x1e1: {  	v4 =	vsel vm8, v4, v7;
	v7 =	vld [tilespmem:s26+$0x700]  }
0x1e2: {  	v4 =	vsel vm9, v4, v8;
	v8 =	vld [tilespmem:s26+$0x780]  }
0x1e3: {  	v10 =	vld [tilespmem:s26+$0xFFFFF880];
	v4 =	vsel vm10, v4, v9  }
0x1e4: {  	v9 =	vld [tilespmem:s26+$0xFFFFF800];
	v4 =	vsel vm11, v4, v5  }
0x1e5: {  	v5 =	vld [tilespmem:s26+$0xFFFFF900];
	v4 =	vsel vm12, v4, v6  }
0x1e6: {  	v6 =	vld [tilespmem:s26+$0xFFFFF980];
	v4 =	vsel vm13, v4, v7  }
0x1e7: {  	s24 =	sadd.s32 $0x20, s24;
	v7 =	vld [tilespmem:s26+$0xFFFFFA00];
	v4 =	vsel vm14, v4, v8  }
0x1e8: {  	v8 =	vld [tilespmem:s26+$0xFFFFFA80];
	[tilespmem:s24+$0x0] =	vst v4  }
0x1e9: {  	v4 =	vsel vm0, v9, v10;
	v9 =	vld [tilespmem:s26+$0xFFFFFB00]  }
0x1ea: {  	v4 =	vsel vm1, v4, v5;
	v5 =	vld [tilespmem:s26+$0xFFFFFB80]  }
0x1eb: {  	v4 =	vsel vm2, v4, v6;
	v6 =	vld [tilespmem:s26+$0xFFFFFC00]  }
0x1ec: {  	v4 =	vsel vm3, v4, v7;
	v7 =	vld [tilespmem:s26+$0xFFFFFC80]  }
0x1ed: {  	v4 =	vsel vm4, v4, v8;
	v8 =	vld [tilespmem:s26+$0xFFFFFD00]  }
.Ltmp3:
0x1ee: {  	v9 =	vsel vm5, v4, v9;
	v4 =	vld [tilespmem:s26+$0xFFFFFD80];
	(pc) =	sbr.rel @p0 .LBB2_8-.Ltmp3, $4  }
0x1ef: {  	v9 =	vsel vm6, v9, v5;
	v5 =	vld [tilespmem:s26+$0xFFFFFE00]  }
0x1f0: {  	v9 =	vsel vm7, v9, v6;
	v6 =	vld [tilespmem:s26+$0xFFFFFE80]  }
0x1f1: {  	v9 =	vsel vm8, v9, v7;
	v7 =	vld [tilespmem:s26+$0xFFFFFF00]  }
0x1f2: {  	v9 =	vsel vm9, v9, v8;
	v8 =	vld [tilespmem:s26+$0xFFFFFF80];
	s26 =	sadd.s32 $0x1000, s26  }
0x1f3: {  	v4 =	vsel vm10, v9, v4  }
0x1f4: {  	v4 =	vsel vm11, v4, v5  }
0x1f5: {  	v4 =	vsel vm12, v4, v6  }
0x1f6: {  	v4 =	vsel vm13, v4, v7  }
0x1f7: {  	v4 =	vsel vm14, v4, v8  }
0x1f8: {  	s31 =	simm.s32 $0x0;
	[tilespmem:s24+$0xFFFFFFF0] =	vst v4  }
0x1f9: {  	[hbm4b:s10+s31] =	stream.linear.scatter [tilespmem:s1], [sflag:$0x1], $0x80, $0x38;
	[tilespmem:$0x1C600] =	vst v63  }
0x1fa: {  	_ =	swait.ge [sflag:s4], $0x4000  }
0x1fb: {  	[sflag:s4] =	ssyncset.done $0x0  }
0x1fc: {  	[sflag:s4] =	ssyncadd.s32 $0xFFFFC000  }
0x1fd: {  	_ =	swait.ge [sflag:s4], $0x4000  }
0x1fe: {  	[sflag:s4] =	ssyncset.done $0x0  }
0x1ff: {  	s25 =	simm.s32 $0x0;
	[sflag:s4] =	ssyncadd.s32 $0xFFFFC000  }
0x200: {  	v4 =	vld [tilespmem:s25+$0x8580]  }
0x201: {  	v5 =	vld [tilespmem:s25+$0x14580]  }
0x202: {  	v6 =	vld [tilespmem:s25+$0x8590]  }
0x203: {  	v7 =	vld [tilespmem:s25+$0x14590]  }
0x204: {  	v8 =	vld [tilespmem:s25+$0x85A0]  }
0x205: {  	v9 =	vld [tilespmem:s25+$0x145A0]  }
0x206: {  	v10 =	vld [tilespmem:s25+$0x85B0]  }
0x207: {  	v11 =	vld [tilespmem:s25+$0x145B0]  }
0x208: {  	v12 =	vld [tilespmem:s25+$0x85C0]  }
0x209: {  	v13 =	vld [tilespmem:s25+$0x145C0]  }
0x20a: {  	v14 =	vld [tilespmem:s25+$0x85D0]  }
0x20b: {  	v15 =	vld [tilespmem:s25+$0x145D0]  }
0x20c: {  	v16 =	vld [tilespmem:s25+$0x85E0]  }
0x20d: {  	v17 =	vld [tilespmem:s25+$0x145E0]  }
0x20e: {  	v18 =	vld [tilespmem:s25+$0x85F0]  }
0x20f: {  	v19 =	vld [tilespmem:s25+$0x145F0]  }
0x210: {  	v20 =	vld [tilespmem:s25+$0x8400]  }
0x211: {  	v21 =	vld [tilespmem:s25+$0x14400]  }
0x212: {  	v22 =	vld [tilespmem:s25+$0x8410]  }
0x213: {  	v23 =	vld [tilespmem:s25+$0x14410]  }
0x214: {  	v24 =	vld [tilespmem:s25+$0x8420]  }
0x215: {  	v25 =	vld [tilespmem:s25+$0x14420]  }
0x216: {  	v26 =	vld [tilespmem:s25+$0x8430]  }
0x217: {  	v27 =	vld [tilespmem:s25+$0x14430]  }
0x218: {  	v28 =	vld [tilespmem:s25+$0x8440]  }
0x219: {  	v29 =	vld [tilespmem:s25+$0x14440]  }
0x21a: {  	v30 =	vld [tilespmem:s25+$0x8450]  }
0x21b: {  	v31 =	vld [tilespmem:s25+$0x14450]  }
0x21c: {  	v32 =	vld [tilespmem:s25+$0x8460]  }
0x21d: {  	v33 =	vld [tilespmem:s25+$0x14460]  }
0x21e: {  	v47 =	vld [tilespmem:s25+$0x14490];
	v4 =	vmul.f32 v5, v4;
	v6 =	vmul.f32 v7, v6  }
0x21f: {  	v49 =	vld [tilespmem:s25+$0x84A0];
	v7 =	vmul.f32 v9, v8;
	v9 =	vmul.f32 v11, v10  }
0x220: {  	v5 =	vld [tilespmem:s25+$0x8470];
	v10 =	vmul.f32 v13, v12;
	v12 =	vmul.f32 v15, v14  }
0x221: {  	v8 =	vld [tilespmem:s25+$0x14470];
	v13 =	vmul.f32 v17, v16;
	v15 =	vmul.f32 v19, v18  }
0x222: {  	v51 =	vld [tilespmem:s25+$0x144A0];
	v48 =	vmul.f32 v27, v26;
	v50 =	vmul.f32 v31, v30  }
0x223: {  	v53 =	vld [tilespmem:s25+$0x144E0];
	v4 =	vadd.f32 v6, v4;
	v6 =	vadd.f32 v9, v7;
	v9 =	vmul.f32 v21, v20  }
0x224: {  	v55 =	vld [tilespmem:s25+$0x84F0];
	v10 =	vadd.f32 v12, v10;
	v12 =	vmul.f32 v23, v22;
	v13 =	vadd.f32 v15, v13  }
0x225: {  	v56 =	vld [tilespmem:s25+$0x144F0];
	v15 =	vmul.f32 v25, v24;
	v4 =	vadd.f32 v6, v4;
	v6 =	vmul.f32 v29, v28  }
0x226: {  	v11 =	vld [tilespmem:s25+$0x8480];
	v10 =	vadd.f32 v13, v10;
	v13 =	vmul.f32 v33, v32;
	v5 =	vmul.f32 v8, v5  }
0x227: {  	v14 =	vld [tilespmem:s25+$0x14480];
	v9 =	vadd.f32 v12, v9;
	v12 =	vadd.f32 v48, v15  }
0x228: {  	v7 =	vld [tilespmem:s25+$0x8490];
	v6 =	vadd.f32 v50, v6;
	v5 =	vadd.f32 v5, v13  }
0x229: {  	v15 =	vld [tilespmem:s25+$0x144B0]  }
0x22a: {  	v8 =	vld [tilespmem:s25+$0x84B0];
	v9 =	vadd.f32 v12, v9;
	v5 =	vadd.f32 v5, v6  }
0x22b: {  	v4 =	vadd.f32 v10, v4;
	v10 =	vld [tilespmem:s25+$0x144C0]  }
0x22c: {  	v12 =	vld [tilespmem:s25+$0x144D0];
	v5 =	vadd.f32 v5, v9  }
0x22d: {  	v13 =	vld [tilespmem:s25+$0x84C0];
	v52 =	vperm.xlane v4, v0  }
0x22e: {  	v6 =	vld [tilespmem:s25+$0x84D0];
	v54 =	vperm.xlane v5, v0  }
0x22f: {  	v4 =	vadd.f32 v4, v52;
	v9 =	vld [tilespmem:s25+$0x84E0]  }
0x230: {  	v57 =	vld [tilespmem:s25+$0x8500];
	v11 =	vmul.f32 v14, v11;
	v7 =	vmul.f32 v47, v7;
	v5 =	vadd.f32 v5, v54  }
0x231: {  	v59 =	vld [tilespmem:s25+$0x14500];
	v58 =	vmul.f32 v51, v49;
	v14 =	vperm.xlane v4, v1  }
0x232: {  	v60 =	vld [tilespmem:s25+$0x8510];
	v7 =	vadd.f32 v7, v11;
	v8 =	vmul.f32 v15, v8;
	v15 =	vperm.xlane v5, v1  }
0x233: {  	v11 =	vld [tilespmem:s25+$0x14520];
	v10 =	vmul.f32 v10, v13;
	v13 =	vmul.f32 v56, v55;
	v4 =	vadd.f32 v4, v14  }
0x234: {  	v6 =	vmul.f32 v12, v6;
	v12 =	vld [tilespmem:s25+$0x14510];
	v9 =	vmul.f32 v53, v9;
	v5 =	vadd.f32 v5, v15  }
0x235: {  	v8 =	vadd.f32 v8, v58;
	v14 =	vld [tilespmem:s25+$0x8520];
	v15 =	vperm.xlane v4, v2  }
0x236: {  	v6 =	vadd.f32 v6, v10;
	v9 =	vadd.f32 v13, v9;
	v13 =	vld [tilespmem:s25+$0x8530];
	v10 =	vperm.xlane v5, v2  }
0x237: {  	v15 =	vadd.f32 v4, v15;
	v4 =	vadd.f32 v8, v7;
	v7 =	vld [tilespmem:s25+$0x14530]  }
0x238: {  	v61 =	vld [tilespmem:s25+$0x14540];
	v6 =	vadd.f32 v9, v6;
	v5 =	vadd.f32 v5, v10  }
0x239: {  	v10 =	vld [tilespmem:s25+$0x8540];
	v8 =	vperm.xlane v15, v3  }
0x23a: {  	v12 =	vmul.f32 v12, v60;
	v63 =	vadd.f32 v6, v4;
	v4 =	vld [tilespmem:s25+$0x8550];
	v62 =	vperm.xlane v5, v3  }
0x23b: {  	v14 =	vmul.f32 v11, v14;
	v9 =	vmul.f32 v59, v57;
	v6 =	vld [tilespmem:s25+$0x14550];
	v8 =	vadd.f32 v15, v8  }
0x23c: {  	v15 =	vperm.xlane v63, v0;
	v13 =	vmul.f32 v7, v13;
	v7 =	vld [tilespmem:s25+$0x8560];
	v11 =	vadd.f32 v5, v62  }
0x23d: {  	[tilespmem:s25+$0x18580] =	vst v8;
	v5 =	vadd.f32 v12, v9;
	v9 =	vld [tilespmem:s25+$0x14560]  }
0x23e: {  	s26 =	simm.s32 $0x0;
	s28 =	simm.s32 $0x800;
	s24 =	simm.s32 $0x1C510;
	v8 =	vadd.f32 v63, v15;
	v12 =	vadd.f32 v13, v14;
	[tilespmem:s25+$0x18400] =	vst v11;
	v11 =	vmul.f32 v61, v10;
	v10 =	vld [tilespmem:s25+$0x8570]  }
.LBB2_10:
0x23f: {  	s30 =	sshra.s32 s28, $0x2;
	v13 =	vld [tilespmem:s25+$0x14570]  }
0x240: {  	v14 =	vld [tilespmem:s30+$0x8580];
	v15 =	vperm.xlane v8, v1;
	v4 =	vmul.f32 v6, v4;
	v5 =	vadd.f32 v12, v5  }
0x241: {  	v6 =	vld [tilespmem:s30+$0x14580]  }
0x242: {  	v12 =	vld [tilespmem:s30+$0x8590];
	v8 =	vadd.f32 v8, v15;
	v7 =	vmul.f32 v9, v7;
	v4 =	vadd.f32 v4, v11  }
0x243: {  	v9 =	vld [tilespmem:s30+$0x14590]  }
0x244: {  	v11 =	vld [tilespmem:s30+$0x85A0];
	v15 =	vperm.xlane v8, v2;
	v10 =	vmul.f32 v13, v10  }
0x245: {  	v13 =	vld [tilespmem:s30+$0x145A0]  }
0x246: {  	v16 =	vld [tilespmem:s30+$0x85B0];
	v8 =	vadd.f32 v8, v15;
	v7 =	vadd.f32 v10, v7  }
0x247: {  	v10 =	vld [tilespmem:s30+$0x145B0]  }
0x248: {  	v15 =	vld [tilespmem:s30+$0x85C0];
	v17 =	vperm.xlane v8, v3;
	v4 =	vadd.f32 v7, v4  }
0x249: {  	v7 =	vld [tilespmem:s30+$0x145C0]  }
0x24a: {  	v18 =	vld [tilespmem:s30+$0x85D0];
	v8 =	vadd.f32 v8, v17;
	v4 =	vadd.f32 v4, v5  }
0x24b: {  	v5 =	vld [tilespmem:s30+$0x145D0]  }
0x24c: {  	v17 =	vld [tilespmem:s30+$0x85E0];
	[tilespmem:s25+$0x18480] =	vst v8;
	v8 =	vperm.xlane v4, v0  }
0x24d: {  	v19 =	vld [tilespmem:s30+$0x145E0]  }
0x24e: {  	s26 =	sadd.s32 $0x4, s26;
	v20 =	vld [tilespmem:s30+$0x85F0];
	v4 =	vadd.f32 v4, v8  }
0x24f: {  	p0 =	slt.u32 s26, $0x7C;
	v8 =	vld [tilespmem:s30+$0x145F0]  }
0x250: {  	v21 =	vld [tilespmem:s30+$0x8400];
	v22 =	vperm.xlane v4, v1  }
0x251: {  	v6 =	vmul.f32 v6, v14;
	v9 =	vmul.f32 v9, v12;
	v23 =	vld [tilespmem:s30+$0x14400]  }
0x252: {  	v11 =	vmul.f32 v13, v11;
	v10 =	vmul.f32 v10, v16;
	v12 =	vld [tilespmem:s30+$0x8410];
	v4 =	vadd.f32 v4, v22  }
0x253: {  	v7 =	vmul.f32 v7, v15;
	v5 =	vmul.f32 v5, v18;
	v13 =	vld [tilespmem:s30+$0x14410]  }
0x254: {  	v15 =	vmul.f32 v19, v17;
	v14 =	vld [tilespmem:s30+$0x8420];
	v8 =	vmul.f32 v8, v20  }
0x255: {  	v6 =	vadd.f32 v9, v6;
	v9 =	vadd.f32 v10, v11;
	v10 =	vperm.xlane v4, v2;
	v16 =	vld [tilespmem:s30+$0x14420]  }
0x256: {  	v5 =	vadd.f32 v5, v7;
	v11 =	vmul.f32 v23, v21;
	v17 =	vld [tilespmem:s30+$0x8430];
	v7 =	vadd.f32 v8, v15  }
0x257: {  	v4 =	vadd.f32 v4, v10;
	v8 =	vld [tilespmem:s30+$0x14430]  }
0x258: {  	v6 =	vadd.f32 v9, v6;
	v10 =	vmul.f32 v13, v12;
	v12 =	vld [tilespmem:s30+$0x8440];
	v5 =	vadd.f32 v7, v5  }
0x259: {  	v9 =	vperm.xlane v4, v3;
	v7 =	vld [tilespmem:s30+$0x14440]  }
0x25a: {  	v13 =	vmul.f32 v16, v14;
	v14 =	vld [tilespmem:s30+$0x8450];
	v10 =	vadd.f32 v10, v11;
	v5 =	vadd.f32 v5, v6  }
0x25b: {  	v4 =	vadd.f32 v4, v9;
	v6 =	vld [tilespmem:s30+$0x14450]  }
0x25c: {  	v8 =	vmul.f32 v8, v17;
	v9 =	vld [tilespmem:s30+$0x8460];
	v11 =	vperm.xlane v5, v0  }
0x25d: {  	v15 =	vld [tilespmem:s30+$0x14460];
	[tilespmem:s25+$0x18500] =	vst v4;
	s25 =	smov.u32 s30  }
0x25e: {  	v4 =	vmul.f32 v7, v12;
	v7 =	vld [tilespmem:s25+$0x8470];
	v8 =	vadd.f32 v8, v13;
	v5 =	vadd.f32 v5, v11  }
0x25f: {  	v11 =	vld [tilespmem:s25+$0x14470]  }
0x260: {  	v6 =	vmul.f32 v6, v14;
	v8 =	vadd.f32 v8, v10;
	v10 =	vld [tilespmem:s25+$0x8480];
	v12 =	vperm.xlane v5, v1  }
0x261: {  	v13 =	vld [tilespmem:s25+$0x14480]  }
0x262: {  	v9 =	vmul.f32 v15, v9;
	v4 =	vadd.f32 v6, v4;
	v6 =	vld [tilespmem:s25+$0x8490];
	v5 =	vadd.f32 v5, v12  }
0x263: {  	v12 =	vld [tilespmem:s25+$0x14490]  }
0x264: {  	v7 =	vmul.f32 v11, v7;
	v11 =	vld [tilespmem:s25+$0x84A0];
	v14 =	vperm.xlane v5, v2  }
0x265: {  	v15 =	vld [tilespmem:s25+$0x144A0]  }
0x266: {  	v7 =	vadd.f32 v7, v9;
	v9 =	vmul.f32 v13, v10;
	v10 =	vld [tilespmem:s25+$0x84B0];
	v5 =	vadd.f32 v5, v14  }
0x267: {  	v13 =	vld [tilespmem:s25+$0x144B0]  }
0x268: {  	v4 =	vadd.f32 v7, v4;
	v6 =	vmul.f32 v12, v6;
	v7 =	vld [tilespmem:s25+$0x84C0];
	v12 =	vperm.xlane v5, v3  }
0x269: {  	v14 =	vld [tilespmem:s25+$0x144C0]  }
0x26a: {  	v11 =	vmul.f32 v15, v11;
	v15 =	vld [tilespmem:s25+$0x84D0];
	v6 =	vadd.f32 v6, v9;
	v5 =	vadd.f32 v5, v12  }
0x26b: {  	v4 =	vadd.f32 v4, v8;
	v8 =	vld [tilespmem:s25+$0x144D0]  }
0x26c: {  	s30 =	simm.s32 $0x18C00;
	v9 =	vmul.f32 v13, v10;
	v10 =	vld [tilespmem:s25+$0x84E0];
	[tilespmem:s25+$0x18580] =	vst v5  }
0x26d: {  	v5 =	vperm.xlane v4, v0;
	v12 =	vld [tilespmem:s25+$0x144E0]  }
0x26e: {  	v7 =	vmul.f32 v14, v7;
	v13 =	vld [tilespmem:s25+$0x84F0];
	v9 =	vadd.f32 v9, v11  }
0x26f: {  	v4 =	vadd.f32 v4, v5;
	v5 =	vld [tilespmem:s25+$0x144F0]  }
0x270: {  	v8 =	vmul.f32 v8, v15;
	v6 =	vadd.f32 v9, v6;
	v9 =	vld [tilespmem:s25+$0x8500]  }
0x271: {  	v11 =	vperm.xlane v4, v1;
	v14 =	vld [tilespmem:s25+$0x14500]  }
0x272: {  	v10 =	vmul.f32 v12, v10;
	v7 =	vadd.f32 v8, v7;
	v8 =	vld [tilespmem:s25+$0x8510]  }
0x273: {  	v4 =	vadd.f32 v4, v11;
	v11 =	vld [tilespmem:s25+$0x14510]  }
0x274: {  	v5 =	vmul.f32 v5, v13;
	v12 =	vld [tilespmem:s25+$0x8520]  }
0x275: {  	v13 =	vperm.xlane v4, v2;
	v15 =	vld [tilespmem:s25+$0x14520]  }
0x276: {  	v5 =	vadd.f32 v5, v10;
	v9 =	vmul.f32 v14, v9;
	v10 =	vld [tilespmem:s25+$0x8530]  }
0x277: {  	v13 =	vadd.f32 v4, v13;
	v14 =	vld [tilespmem:s25+$0x14530]  }
0x278: {  	v4 =	vadd.f32 v5, v7;
	v5 =	vmul.f32 v11, v8;
	v11 =	vld [tilespmem:s25+$0x8540]  }
0x279: {  	v7 =	vperm.xlane v13, v3;
	v16 =	vld [tilespmem:s25+$0x14540]  }
.Ltmp4:
0x27a: {  	v8 =	vadd.f32 v4, v6;
	v12 =	vmul.f32 v15, v12;
	v4 =	vld [tilespmem:s25+$0x8550];
	v5 =	vadd.f32 v5, v9;
	(pc) =	sbr.rel @p0 .LBB2_10-.Ltmp4, $4  }
0x27b: {  	v9 =	vadd.f32 v13, v7;
	v6 =	vld [tilespmem:s25+$0x14550]  }
0x27c: {  	v13 =	vperm.xlane v8, v0;
	v14 =	vmul.f32 v14, v10;
	v7 =	vld [tilespmem:s25+$0x8560]  }
0x27d: {  	[tilespmem:s25+$0x18400] =	vst v9;
	v9 =	vld [tilespmem:s25+$0x14560]  }
0x27e: {  	s28 =	sadd.s32 $0x800, s28;
	v8 =	vadd.f32 v8, v13;
	v11 =	vmul.f32 v16, v11;
	v10 =	vld [tilespmem:s25+$0x8570];
	v12 =	vadd.f32 v14, v12  }
0x27f: {  	v13 =	vld [tilespmem:s25+$0x14570];
	_ =	sdelay $0x3  }
0x280: {  	v4 =	vmul.f32 v6, v4  }
0x281: {  	v6 =	vmul.f32 v9, v7;
	v7 =	vmul.f32 v13, v10;
	_ =	sdelay $0x1  }
0x282: {  	v4 =	vadd.f32 v4, v11;
	v6 =	vadd.f32 v7, v6;
	_ =	sdelay $0x1  }
0x283: {  	v5 =	vadd.f32 v12, v5;
	v4 =	vadd.f32 v6, v4;
	_ =	sdelay $0x1  }
0x284: {  	v4 =	vadd.f32 v4, v5;
	_ =	sdelay $0x1  }
0x285: {  	v5 =	vperm.xlane v4, v0;
	_ =	sdelay $0x1  }
0x286: {  	v4 =	vadd.f32 v4, v5  }
0x287: {  	v5 =	vperm.xlane v8, v1  }
0x288: {  	v6 =	vperm.xlane v4, v1  }
0x289: {  	v5 =	vadd.f32 v8, v5  }
0x28a: {  	v4 =	vadd.f32 v4, v6  }
0x28b: {  	v6 =	vperm.xlane v5, v2  }
0x28c: {  	v7 =	vperm.xlane v4, v2  }
0x28d: {  	v5 =	vadd.f32 v5, v6  }
0x28e: {  	v4 =	vadd.f32 v4, v7  }
0x28f: {  	v6 =	vperm.xlane v5, v3  }
0x290: {  	v7 =	vperm.xlane v4, v3  }
0x291: {  	v5 =	vadd.f32 v5, v6  }
0x292: {  	v4 =	vadd.f32 v4, v7  }
0x293: {  	[tilespmem:s25+$0x18480] =	vst v5  }
0x294: {  	[tilespmem:s25+$0x18500] =	vst v4  }
0x295: {  	v4 =	vld [tilespmem:s30+$0x0]  }
0x296: {  	v5 =	vld [tilespmem:s30+$0x80]  }
0x297: {  	v6 =	vld [tilespmem:s30+$0x100]  }
0x298: {  	v7 =	vld [tilespmem:s30+$0x180]  }
0x299: {  	v8 =	vld [tilespmem:s30+$0x200]  }
0x29a: {  	v9 =	vld [tilespmem:s30+$0x280]  }
0x29b: {  	v10 =	vld [tilespmem:s30+$0x300]  }
0x29c: {  	v11 =	vld [tilespmem:s30+$0x380]  }
0x29d: {  	v62 =	vld [tilespmem:s30+$0x400]  }
0x29e: {  	v63 =	vld [tilespmem:s30+$0x480]  }
0x29f: {  	v14 =	vld [tilespmem:s30+$0x500]  }
0x2a0: {  	v15 =	vld [tilespmem:s30+$0x580]  }
0x2a1: {  	v16 =	vld [tilespmem:s30+$0x600]  }
0x2a2: {  	v17 =	vld [tilespmem:s30+$0x680]  }
0x2a3: {  	v18 =	vld [tilespmem:s30+$0x700]  }
0x2a4: {  	v19 =	vld [tilespmem:s30+$0x780]  }
0x2a5: {  	v4 =	vsel vm0, v4, v5;
	v5 =	vld [tilespmem:s30+$0xFFFFF880]  }
0x2a6: {  	v4 =	vsel vm1, v4, v6;
	v6 =	vld [tilespmem:s30+$0xFFFFF800]  }
0x2a7: {  	v4 =	vsel vm2, v4, v7;
	v7 =	vld [tilespmem:s30+$0xFFFFF900]  }
0x2a8: {  	v4 =	vsel vm3, v4, v8;
	v8 =	vld [tilespmem:s30+$0xFFFFF980]  }
0x2a9: {  	v4 =	vsel vm4, v4, v9;
	v9 =	vld [tilespmem:s30+$0xFFFFFA00]  }
0x2aa: {  	v4 =	vsel vm5, v4, v10;
	v10 =	vld [tilespmem:s30+$0xFFFFFA80]  }
0x2ab: {  	v4 =	vsel vm6, v4, v11;
	v5 =	vsel vm0, v6, v5;
	v6 =	vld [tilespmem:s30+$0xFFFFFB00]  }
0x2ac: {  	v4 =	vsel vm7, v4, v62;
	v5 =	vsel vm1, v5, v7;
	v7 =	vld [tilespmem:s30+$0xFFFFFB80]  }
0x2ad: {  	v4 =	vsel vm8, v4, v63;
	v5 =	vsel vm2, v5, v8;
	v8 =	vld [tilespmem:s30+$0xFFFFFC00]  }
0x2ae: {  	v4 =	vsel vm9, v4, v14;
	v5 =	vsel vm3, v5, v9;
	v9 =	vld [tilespmem:s30+$0xFFFFFC80]  }
0x2af: {  	v4 =	vsel vm10, v4, v15;
	v5 =	vsel vm4, v5, v10;
	v10 =	vld [tilespmem:s30+$0xFFFFFD00]  }
0x2b0: {  	v11 =	vsel vm11, v4, v16;
	v5 =	vsel vm5, v5, v6;
	v4 =	vld [tilespmem:s30+$0xFFFFFD80]  }
0x2b1: {  	v6 =	vsel vm12, v11, v17;
	v7 =	vsel vm6, v5, v7;
	v5 =	vld [tilespmem:s30+$0xFFFFFE00]  }
0x2b2: {  	v11 =	vsel vm13, v6, v18;
	v7 =	vsel vm7, v7, v8;
	v6 =	vld [tilespmem:s30+$0xFFFFFE80]  }
0x2b3: {  	v8 =	vsel vm14, v11, v19;
	v9 =	vsel vm8, v7, v9;
	v7 =	vld [tilespmem:s30+$0xFFFFFF00]  }
0x2b4: {  	s26 =	simm.s32 $0x19C00;
	s25 =	simm.s32 $0x0;
	[tilespmem:s24+$0x0] =	vst v8;
	v9 =	vsel vm9, v9, v10;
	v8 =	vld [tilespmem:s30+$0xFFFFFF80]  }
.LBB2_12:
0x2b5: {  	v10 =	vld [tilespmem:s26+$0x0];
	v4 =	vsel vm10, v9, v4  }
0x2b6: {  	s25 =	sadd.s32 $0x2, s25;
	v9 =	vld [tilespmem:s26+$0x80];
	v4 =	vsel vm11, v4, v5  }
0x2b7: {  	p0 =	slt.u32 s25, $0x6;
	v5 =	vld [tilespmem:s26+$0x100];
	v4 =	vsel vm12, v4, v6  }
0x2b8: {  	v6 =	vld [tilespmem:s26+$0x180];
	v4 =	vsel vm13, v4, v7  }
0x2b9: {  	v7 =	vld [tilespmem:s26+$0x200];
	v4 =	vsel vm14, v4, v8  }
0x2ba: {  	v8 =	vld [tilespmem:s26+$0x280];
	[tilespmem:s24+$0xFFFFFFF0] =	vst v4  }
0x2bb: {  	v4 =	vsel vm0, v10, v9;
	v9 =	vld [tilespmem:s26+$0x300]  }
0x2bc: {  	v4 =	vsel vm1, v4, v5;
	v5 =	vld [tilespmem:s26+$0x380]  }
0x2bd: {  	v4 =	vsel vm2, v4, v6;
	v6 =	vld [tilespmem:s26+$0x400]  }
0x2be: {  	v4 =	vsel vm3, v4, v7;
	v7 =	vld [tilespmem:s26+$0x480]  }
0x2bf: {  	v4 =	vsel vm4, v4, v8;
	v8 =	vld [tilespmem:s26+$0x500]  }
0x2c0: {  	v4 =	vsel vm5, v4, v9;
	v9 =	vld [tilespmem:s26+$0x580]  }
0x2c1: {  	v4 =	vsel vm6, v4, v5;
	v5 =	vld [tilespmem:s26+$0x600]  }
0x2c2: {  	v4 =	vsel vm7, v4, v6;
	v6 =	vld [tilespmem:s26+$0x680]  }
0x2c3: {  	v4 =	vsel vm8, v4, v7;
	v7 =	vld [tilespmem:s26+$0x700]  }
0x2c4: {  	v4 =	vsel vm9, v4, v8;
	v8 =	vld [tilespmem:s26+$0x780]  }
0x2c5: {  	v10 =	vld [tilespmem:s26+$0xFFFFF880];
	v4 =	vsel vm10, v4, v9  }
0x2c6: {  	v9 =	vld [tilespmem:s26+$0xFFFFF800];
	v4 =	vsel vm11, v4, v5  }
0x2c7: {  	v5 =	vld [tilespmem:s26+$0xFFFFF900];
	v4 =	vsel vm12, v4, v6  }
0x2c8: {  	v6 =	vld [tilespmem:s26+$0xFFFFF980];
	v4 =	vsel vm13, v4, v7  }
0x2c9: {  	s24 =	sadd.s32 $0x20, s24;
	v7 =	vld [tilespmem:s26+$0xFFFFFA00];
	v4 =	vsel vm14, v4, v8  }
0x2ca: {  	v8 =	vld [tilespmem:s26+$0xFFFFFA80];
	[tilespmem:s24+$0x0] =	vst v4  }
0x2cb: {  	v4 =	vsel vm0, v9, v10;
	v9 =	vld [tilespmem:s26+$0xFFFFFB00]  }
0x2cc: {  	v4 =	vsel vm1, v4, v5;
	v5 =	vld [tilespmem:s26+$0xFFFFFB80]  }
0x2cd: {  	v4 =	vsel vm2, v4, v6;
	v6 =	vld [tilespmem:s26+$0xFFFFFC00]  }
0x2ce: {  	v4 =	vsel vm3, v4, v7;
	v7 =	vld [tilespmem:s26+$0xFFFFFC80]  }
0x2cf: {  	v4 =	vsel vm4, v4, v8;
	v8 =	vld [tilespmem:s26+$0xFFFFFD00]  }
.Ltmp5:
0x2d0: {  	v9 =	vsel vm5, v4, v9;
	v4 =	vld [tilespmem:s26+$0xFFFFFD80];
	(pc) =	sbr.rel @p0 .LBB2_12-.Ltmp5, $4  }
0x2d1: {  	v9 =	vsel vm6, v9, v5;
	v5 =	vld [tilespmem:s26+$0xFFFFFE00]  }
0x2d2: {  	v9 =	vsel vm7, v9, v6;
	v6 =	vld [tilespmem:s26+$0xFFFFFE80]  }
0x2d3: {  	v9 =	vsel vm8, v9, v7;
	v7 =	vld [tilespmem:s26+$0xFFFFFF00]  }
0x2d4: {  	v9 =	vsel vm9, v9, v8;
	v8 =	vld [tilespmem:s26+$0xFFFFFF80];
	s26 =	sadd.s32 $0x1000, s26  }
0x2d5: {  	v4 =	vsel vm10, v9, v4  }
0x2d6: {  	v4 =	vsel vm11, v4, v5  }
0x2d7: {  	v4 =	vsel vm12, v4, v6  }
0x2d8: {  	v4 =	vsel vm13, v4, v7  }
0x2d9: {  	v4 =	vsel vm14, v4, v8  }
0x2da: {  	[tilespmem:s24+$0xFFFFFFF0] =	vst v4  }
0x2db: {  	[hbm4b:s11+s3] =	stream.linear.scatter [tilespmem:s20], [sflag:$0x1], $0x80, $0x38;
	[tilespmem:$0x1C600] =	vst v63  }
0x2dc: {  	_ =	swait.ge [sflag:s22], $0x4000  }
0x2dd: {  	[sflag:s22] =	ssyncset.done $0x0  }
0x2de: {  	[sflag:s22] =	ssyncadd.s32 $0xFFFFC000  }
0x2df: {  	_ =	swait.ge [sflag:s22], $0x4000  }
0x2e0: {  	[sflag:s22] =	ssyncset.done $0x0  }
0x2e1: {  	s30 =	simm.s32 $0x500;
	[sflag:s22] =	ssyncadd.s32 $0xFFFFC000  }
0x2e2: {  	s25 =	simm.s32 $0xC500;
	v5 =	vld [tilespmem:s30+$0x80]  }
0x2e3: {  	v6 =	vld [tilespmem:s25+$0x80]  }
0x2e4: {  	v7 =	vld [tilespmem:s30+$0x90]  }
0x2e5: {  	v8 =	vld [tilespmem:s25+$0x90]  }
0x2e6: {  	v9 =	vld [tilespmem:s30+$0xA0]  }
0x2e7: {  	v10 =	vld [tilespmem:s25+$0xA0]  }
0x2e8: {  	v11 =	vld [tilespmem:s30+$0xB0]  }
0x2e9: {  	v12 =	vld [tilespmem:s25+$0xB0]  }
0x2ea: {  	v13 =	vld [tilespmem:s30+$0xC0]  }
0x2eb: {  	v14 =	vld [tilespmem:s25+$0xC0]  }
0x2ec: {  	v15 =	vld [tilespmem:s30+$0xD0]  }
0x2ed: {  	v16 =	vld [tilespmem:s25+$0xD0]  }
0x2ee: {  	v17 =	vld [tilespmem:s30+$0xE0]  }
0x2ef: {  	v18 =	vld [tilespmem:s25+$0xE0]  }
0x2f0: {  	v19 =	vld [tilespmem:s30+$0xF0]  }
0x2f1: {  	v20 =	vld [tilespmem:s25+$0xF0]  }
0x2f2: {  	v4 =	vld [tilespmem:s25+$0xFFFFFF00]  }
0x2f3: {  	v21 =	vld [tilespmem:s30+$0xFFFFFF10]  }
0x2f4: {  	v22 =	vld [tilespmem:s25+$0xFFFFFF10]  }
0x2f5: {  	v23 =	vld [tilespmem:s30+$0xFFFFFF20]  }
0x2f6: {  	v25 =	vld [tilespmem:s30+$0xFFFFFF30]  }
0x2f7: {  	v26 =	vld [tilespmem:s25+$0xFFFFFF30]  }
0x2f8: {  	v27 =	vld [tilespmem:s30+$0xFFFFFF40]  }
0x2f9: {  	v28 =	vld [tilespmem:s25+$0xFFFFFF40]  }
0x2fa: {  	v29 =	vld [tilespmem:s30+$0xFFFFFF50]  }
0x2fb: {  	v30 =	vld [tilespmem:s25+$0xFFFFFF50]  }
0x2fc: {  	v31 =	vld [tilespmem:s30+$0xFFFFFF60]  }
0x2fd: {  	v32 =	vld [tilespmem:s25+$0xFFFFFF60]  }
0x2fe: {  	v33 =	vld [tilespmem:s30+$0xFFFFFF70]  }
0x2ff: {  	v34 =	vld [tilespmem:s25+$0xFFFFFF70]  }
0x300: {  	v35 =	vld [tilespmem:s30+$0xFFFFFF80]  }
0x301: {  	v36 =	vld [tilespmem:s25+$0xFFFFFF80]  }
0x302: {  	v37 =	vld [tilespmem:s30+$0xFFFFFF90]  }
0x303: {  	v55 =	vld [tilespmem:s30+$0x0]  }
0x304: {  	v5 =	vmul.f32 v6, v5;
	v6 =	vmul.f32 v8, v7;
	v7 =	vld [tilespmem:s25+$0xFFFFFF90]  }
0x305: {  	v8 =	vmul.f32 v10, v9;
	v10 =	vld [tilespmem:s30+$0xFFFFFFA0]  }
0x306: {  	v9 =	vmul.f32 v12, v11;
	v11 =	vmul.f32 v14, v13;
	v13 =	vld [tilespmem:s25+$0xFFFFFFA0]  }
0x307: {  	v12 =	vmul.f32 v16, v15;
	v16 =	vld [tilespmem:s30+$0xFFFFFFB0]  }
0x308: {  	v14 =	vmul.f32 v18, v17;
	v18 =	vld [tilespmem:s30+$0xFFFFFFF0]  }
0x309: {  	v15 =	vmul.f32 v20, v19;
	v19 =	vld [tilespmem:s25+$0xFFFFFFF0]  }
0x30a: {  	v5 =	vadd.f32 v6, v5;
	v6 =	vadd.f32 v9, v8;
	v8 =	vld [tilespmem:s25+$0xFFFFFFB0]  }
0x30b: {  	v9 =	vadd.f32 v12, v11;
	v11 =	vadd.f32 v15, v14;
	v12 =	vld [tilespmem:s30+$0xFFFFFFC0]  }
0x30c: {  	v14 =	vld [tilespmem:s25+$0xFFFFFFC0]  }
0x30d: {  	v15 =	vld [tilespmem:s25+$0xFFFFFFE0];
	v5 =	vadd.f32 v6, v5;
	v6 =	vadd.f32 v11, v9  }
0x30e: {  	v9 =	vld [tilespmem:s30+$0xFFFFFFD0]  }
0x30f: {  	v11 =	vld [tilespmem:s25+$0xFFFFFFD0];
	v5 =	vadd.f32 v6, v5  }
0x310: {  	v57 =	vmul.f32 v30, v29;
	v6 =	vld [tilespmem:s30+$0xFFFFFFE0]  }
0x311: {  	v10 =	vmul.f32 v13, v10;
	v13 =	vld [tilespmem:s25+$0x0];
	v17 =	vperm.xlane v5, v0  }
0x312: {  	v7 =	vmul.f32 v7, v37;
	v8 =	vmul.f32 v8, v16;
	v16 =	vld [tilespmem:s30+$0x10]  }
0x313: {  	v12 =	vmul.f32 v14, v12;
	v14 =	vmul.f32 v19, v18;
	v19 =	vld [tilespmem:s25+$0x30];
	v5 =	vadd.f32 v5, v17  }
0x314: {  	v9 =	vmul.f32 v11, v9;
	v11 =	vld [tilespmem:s25+$0x10];
	v17 =	vmul.f32 v36, v35  }
0x315: {  	v8 =	vadd.f32 v8, v10;
	v10 =	vld [tilespmem:s25+$0x20];
	v6 =	vmul.f32 v15, v6;
	v56 =	vperm.xlane v5, v1  }
0x316: {  	v58 =	vmul.f32 v34, v33;
	v15 =	vld [tilespmem:s30+$0x20];
	v9 =	vadd.f32 v9, v12;
	v7 =	vadd.f32 v7, v17  }
0x317: {  	v61 =	vmul.f32 v26, v25;
	v12 =	vld [tilespmem:s30+$0x30];
	v6 =	vadd.f32 v14, v6;
	v5 =	vadd.f32 v5, v56  }
0x318: {  	v24 =	vld [tilespmem:s25+$0xFFFFFF20];
	v13 =	vmul.f32 v13, v55;
	v14 =	vmul.f32 v28, v27  }
0x319: {  	v59 =	vld [tilespmem:s30+$0x50];
	v7 =	vadd.f32 v8, v7;
	v6 =	vadd.f32 v6, v9;
	v18 =	vperm.xlane v5, v2  }
0x31a: {  	v60 =	vld [tilespmem:s25+$0x50];
	v8 =	vmul.f32 v32, v31;
	v11 =	vmul.f32 v11, v16  }
0x31b: {  	v9 =	vld [tilespmem:s30+$0x40];
	v15 =	vmul.f32 v10, v15;
	v6 =	vadd.f32 v6, v7;
	v5 =	vadd.f32 v5, v18  }
0x31c: {  	v16 =	vadd.f32 v58, v8;
	v19 =	vmul.f32 v19, v12;
	v7 =	vadd.f32 v57, v14;
	v18 =	vld [tilespmem:s25+$0x40]  }
0x31d: {  	v10 =	vld [tilespmem:s30+$0x60];
	v63 =	vadd.f32 v11, v13;
	v8 =	vperm.xlane v6, v0;
	v14 =	vperm.xlane v5, v3  }
0x31e: {  	v17 =	vmul.f32 v24, v23;
	v12 =	vld [tilespmem:s25+$0x60];
	v19 =	vadd.f32 v19, v15;
	v7 =	vadd.f32 v16, v7  }
0x31f: {  	v11 =	vld [tilespmem:s30+$0x70];
	v8 =	vadd.f32 v6, v8;
	v62 =	vadd.f32 v5, v14  }
0x320: {  	s26 =	simm.s32 $0x18500;
	v6 =	vadd.f32 v61, v17;
	v17 =	vmul.f32 v60, v59;
	v5 =	vmul.f32 v22, v21;
	v14 =	vld [tilespmem:s25+$0x70]  }
0x321: {  	s28 =	simm.s32 $0x0;
	s24 =	simm.s32 $0x1C590;
	v16 =	vld [tilespmem:s30+$0xFFFFFF00];
	s30 =	simm.s32 $0x700;
	v13 =	vmul.f32 v18, v9;
	v15 =	vperm.xlane v8, v1;
	v9 =	vadd.f32 v19, v63;
	[tilespmem:s26+$0x80] =	vst v62  }
.LBB2_14:
0x322: {  	v18 =	vld [tilespmem:s30+$0x80];
	s25 =	sadd.s32 $0x200, s25  }
0x323: {  	v19 =	vld [tilespmem:s25+$0x80];
	v8 =	vadd.f32 v8, v15;
	v10 =	vmul.f32 v12, v10;
	v12 =	vadd.f32 v17, v13  }
0x324: {  	v13 =	vld [tilespmem:s30+$0x90]  }
0x325: {  	v15 =	vld [tilespmem:s25+$0x90];
	v17 =	vperm.xlane v8, v2;
	v11 =	vmul.f32 v14, v11  }
0x326: {  	v14 =	vld [tilespmem:s30+$0xA0];
	v4 =	vmul.f32 v4, v16  }
0x327: {  	v16 =	vld [tilespmem:s25+$0xA0];
	v8 =	vadd.f32 v8, v17;
	v10 =	vadd.f32 v11, v10  }
0x328: {  	v11 =	vld [tilespmem:s30+$0xB0];
	v4 =	vadd.f32 v5, v4  }
0x329: {  	v5 =	vld [tilespmem:s25+$0xB0];
	v17 =	vperm.xlane v8, v3;
	v10 =	vadd.f32 v10, v12  }
0x32a: {  	v12 =	vld [tilespmem:s30+$0xC0];
	v4 =	vadd.f32 v6, v4  }
0x32b: {  	v6 =	vld [tilespmem:s25+$0xC0];
	v8 =	vadd.f32 v8, v17;
	v9 =	vadd.f32 v10, v9  }
0x32c: {  	v10 =	vld [tilespmem:s30+$0xD0];
	v4 =	vadd.f32 v7, v4  }
0x32d: {  	v7 =	vld [tilespmem:s25+$0xD0];
	[tilespmem:s26+$0xFFFFFF80] =	vst v8;
	v8 =	vperm.xlane v9, v0  }
0x32e: {  	v17 =	vld [tilespmem:s30+$0xE0];
	v20 =	vperm.xlane v4, v0  }
0x32f: {  	v21 =	vld [tilespmem:s25+$0xE0];
	v8 =	vadd.f32 v9, v8  }
0x330: {  	v9 =	vld [tilespmem:s30+$0xF0];
	v20 =	vadd.f32 v4, v20  }
0x331: {  	s28 =	sadd.s32 $0x4, s28;
	v22 =	vld [tilespmem:s25+$0xF0];
	v23 =	vperm.xlane v8, v1  }
0x332: {  	p0 =	slt.u32 s28, $0x7C;
	v4 =	vld [tilespmem:s25+$0xFFFFFF00];
	v24 =	vperm.xlane v20, v1  }
0x333: {  	v18 =	vmul.f32 v19, v18;
	v13 =	vmul.f32 v15, v13;
	v25 =	vld [tilespmem:s30+$0xFFFFFF10];
	v8 =	vadd.f32 v8, v23  }
0x334: {  	v14 =	vmul.f32 v16, v14;
	v5 =	vmul.f32 v5, v11;
	v15 =	vld [tilespmem:s25+$0xFFFFFF10];
	v11 =	vadd.f32 v20, v24  }
0x335: {  	v6 =	vmul.f32 v6, v12;
	v7 =	vmul.f32 v7, v10;
	v16 =	vld [tilespmem:s30+$0xFFFFFF20]  }
0x336: {  	v12 =	vmul.f32 v21, v17;
	v10 =	vld [tilespmem:s25+$0xFFFFFF20];
	v9 =	vmul.f32 v22, v9  }
0x337: {  	v13 =	vadd.f32 v13, v18;
	v14 =	vadd.f32 v5, v14;
	v18 =	vperm.xlane v11, v2;
	v17 =	vld [tilespmem:s30+$0xFFFFFF30]  }
0x338: {  	v6 =	vadd.f32 v7, v6;
	v19 =	vld [tilespmem:s25+$0xFFFFFF30];
	v7 =	vadd.f32 v9, v12;
	v9 =	vperm.xlane v8, v2  }
0x339: {  	v11 =	vadd.f32 v11, v18;
	v5 =	vmul.f32 v15, v25;
	v12 =	vld [tilespmem:s30+$0xFFFFFF40]  }
0x33a: {  	v13 =	vadd.f32 v14, v13;
	v15 =	vld [tilespmem:s25+$0xFFFFFF40];
	v6 =	vadd.f32 v7, v6  }
0x33b: {  	v14 =	vperm.xlane v11, v3;
	v8 =	vadd.f32 v8, v9;
	v7 =	vmul.f32 v10, v16;
	v10 =	vld [tilespmem:s30+$0xFFFFFF50]  }
0x33c: {  	v9 =	vld [tilespmem:s25+$0xFFFFFF50];
	v13 =	vadd.f32 v6, v13  }
0x33d: {  	v11 =	vadd.f32 v11, v14;
	v14 =	vperm.xlane v8, v3;
	v6 =	vmul.f32 v19, v17;
	v16 =	vld [tilespmem:s30+$0xFFFFFF60]  }
0x33e: {  	v17 =	vld [tilespmem:s25+$0xFFFFFF60];
	v18 =	vperm.xlane v13, v0  }
0x33f: {  	v12 =	vmul.f32 v15, v12;
	v15 =	vld [tilespmem:s30+$0xFFFFFF70];
	v6 =	vadd.f32 v6, v7;
	[tilespmem:s26+$0xFFFFFF00] =	vst v11;
	v7 =	vadd.f32 v8, v14  }
0x340: {  	v8 =	vld [tilespmem:s25+$0xFFFFFF70];
	v11 =	vadd.f32 v13, v18  }
0x341: {  	v9 =	vmul.f32 v9, v10;
	v10 =	vld [tilespmem:s30+$0xFFFFFF80];
	[tilespmem:s26+$0x0] =	vst v7  }
0x342: {  	v7 =	vld [tilespmem:s25+$0xFFFFFF80];
	v13 =	vperm.xlane v11, v1  }
0x343: {  	v14 =	vmul.f32 v17, v16;
	v9 =	vadd.f32 v9, v12;
	v12 =	vld [tilespmem:s30+$0xFFFFFF90]  }
0x344: {  	v16 =	vld [tilespmem:s25+$0xFFFFFF90];
	v11 =	vadd.f32 v11, v13  }
0x345: {  	v8 =	vmul.f32 v8, v15;
	v13 =	vld [tilespmem:s30+$0xFFFFFFA0]  }
0x346: {  	v15 =	vld [tilespmem:s25+$0xFFFFFFA0];
	v17 =	vperm.xlane v11, v2  }
0x347: {  	v8 =	vadd.f32 v8, v14;
	v10 =	vmul.f32 v7, v10;
	v14 =	vld [tilespmem:s30+$0xFFFFFFB0]  }
0x348: {  	v18 =	vld [tilespmem:s25+$0xFFFFFFB0];
	v11 =	vadd.f32 v11, v17  }
0x349: {  	v7 =	vadd.f32 v8, v9;
	v8 =	vmul.f32 v16, v12;
	v9 =	vld [tilespmem:s30+$0xFFFFFFC0]  }
0x34a: {  	v12 =	vld [tilespmem:s25+$0xFFFFFFC0];
	v16 =	vperm.xlane v11, v3  }
0x34b: {  	v13 =	vmul.f32 v15, v13;
	v15 =	vld [tilespmem:s30+$0xFFFFFFD0];
	v8 =	vadd.f32 v8, v10  }
0x34c: {  	v10 =	vld [tilespmem:s25+$0xFFFFFFD0];
	v11 =	vadd.f32 v11, v16  }
0x34d: {  	s26 =	sadd.s32 $0x200, s26;
	v14 =	vmul.f32 v18, v14;
	v16 =	vld [tilespmem:s30+$0xFFFFFFE0]  }
0x34e: {  	s31 =	simm.s32 $0x18C00;
	v17 =	vld [tilespmem:s25+$0xFFFFFFE0];
	[tilespmem:s26+$0x80] =	vst v11  }
0x34f: {  	v9 =	vmul.f32 v12, v9;
	v11 =	vld [tilespmem:s30+$0xFFFFFFF0];
	v12 =	vadd.f32 v14, v13  }
0x350: {  	v13 =	vld [tilespmem:s25+$0xFFFFFFF0]  }
0x351: {  	v10 =	vmul.f32 v10, v15;
	v8 =	vadd.f32 v12, v8;
	v12 =	vld [tilespmem:s30+$0x0]  }
0x352: {  	v14 =	vld [tilespmem:s25+$0x0]  }
0x353: {  	v15 =	vmul.f32 v17, v16;
	v9 =	vadd.f32 v10, v9;
	v10 =	vld [tilespmem:s30+$0x10]  }
0x354: {  	v16 =	vld [tilespmem:s25+$0x10]  }
0x355: {  	v11 =	vmul.f32 v13, v11;
	v13 =	vld [tilespmem:s30+$0x20]  }
0x356: {  	v17 =	vld [tilespmem:s25+$0x20]  }
0x357: {  	v11 =	vadd.f32 v11, v15;
	v12 =	vmul.f32 v14, v12;
	v14 =	vld [tilespmem:s30+$0x30]  }
0x358: {  	v15 =	vld [tilespmem:s25+$0x30]  }
0x359: {  	v9 =	vadd.f32 v11, v9;
	v10 =	vmul.f32 v16, v10;
	v11 =	vld [tilespmem:s30+$0x40]  }
0x35a: {  	v16 =	vld [tilespmem:s25+$0x40]  }
0x35b: {  	v8 =	vadd.f32 v9, v8;
	v9 =	vmul.f32 v17, v13;
	v17 =	vld [tilespmem:s30+$0x50];
	v18 =	vadd.f32 v10, v12  }
0x35c: {  	v19 =	vld [tilespmem:s25+$0x50]  }
.Ltmp6:
0x35d: {  	v13 =	vperm.xlane v8, v0;
	v14 =	vmul.f32 v15, v14;
	v10 =	vld [tilespmem:s30+$0x60];
	(pc) =	sbr.rel @p0 .LBB2_14-.Ltmp6, $4  }
0x35e: {  	v12 =	vld [tilespmem:s25+$0x60]  }
0x35f: {  	v8 =	vadd.f32 v8, v13;
	v13 =	vmul.f32 v16, v11;
	v11 =	vld [tilespmem:s30+$0x70];
	v9 =	vadd.f32 v14, v9  }
0x360: {  	v14 =	vld [tilespmem:s25+$0x70]  }
0x361: {  	v16 =	vld [tilespmem:s30+$0xFFFFFF00];
	v15 =	vperm.xlane v8, v1;
	v17 =	vmul.f32 v19, v17;
	v9 =	vadd.f32 v9, v18;
	s30 =	sadd.s32 $0x200, s30  }
0x362: {  	_ =	sdelay $0x3  }
0x363: {  	v4 =	vmul.f32 v4, v16  }
0x364: {  	v10 =	vmul.f32 v12, v10;
	v11 =	vmul.f32 v14, v11  }
0x365: {  	v4 =	vadd.f32 v5, v4  }
0x366: {  	v10 =	vadd.f32 v11, v10;
	v5 =	vadd.f32 v17, v13  }
0x367: {  	v4 =	vadd.f32 v6, v4  }
0x368: {  	v5 =	vadd.f32 v10, v5  }
0x369: {  	v4 =	vadd.f32 v7, v4  }
0x36a: {  	v5 =	vadd.f32 v5, v9  }
0x36b: {  	v6 =	vperm.xlane v4, v0  }
0x36c: {  	v7 =	vperm.xlane v5, v0  }
0x36d: {  	v4 =	vadd.f32 v4, v6  }
0x36e: {  	v5 =	vadd.f32 v5, v7  }
0x36f: {  	v6 =	vperm.xlane v4, v1  }
0x370: {  	v7 =	vadd.f32 v8, v15;
	v8 =	vperm.xlane v5, v1  }
0x371: {  	v4 =	vadd.f32 v4, v6  }
0x372: {  	v6 =	vperm.xlane v7, v2;
	v5 =	vadd.f32 v5, v8  }
0x373: {  	v8 =	vperm.xlane v4, v2  }
0x374: {  	v6 =	vadd.f32 v7, v6;
	v7 =	vperm.xlane v5, v2  }
0x375: {  	v4 =	vadd.f32 v4, v8  }
0x376: {  	v8 =	vperm.xlane v6, v3;
	v5 =	vadd.f32 v5, v7  }
0x377: {  	v7 =	vperm.xlane v4, v3  }
0x378: {  	v6 =	vadd.f32 v6, v8;
	v8 =	vperm.xlane v5, v3  }
0x379: {  	v4 =	vadd.f32 v4, v7  }
0x37a: {  	[tilespmem:s26+$0xFFFFFF80] =	vst v6;
	v5 =	vadd.f32 v5, v8  }
0x37b: {  	[tilespmem:s26+$0xFFFFFF00] =	vst v4  }
0x37c: {  	[tilespmem:s26+$0x0] =	vst v5  }
0x37d: {  	v4 =	vld [tilespmem:s31+$0x0]  }
0x37e: {  	v5 =	vld [tilespmem:s31+$0x80]  }
0x37f: {  	v6 =	vld [tilespmem:s31+$0x100]  }
0x380: {  	v7 =	vld [tilespmem:s31+$0x180]  }
0x381: {  	v8 =	vld [tilespmem:s31+$0x200]  }
0x382: {  	v9 =	vld [tilespmem:s31+$0x280]  }
0x383: {  	v10 =	vld [tilespmem:s31+$0x300]  }
0x384: {  	v11 =	vld [tilespmem:s31+$0x380]  }
0x385: {  	v58 =	vld [tilespmem:s31+$0x400]  }
0x386: {  	v59 =	vld [tilespmem:s31+$0x480]  }
0x387: {  	v60 =	vld [tilespmem:s31+$0x500]  }
0x388: {  	v61 =	vld [tilespmem:s31+$0x580]  }
0x389: {  	v62 =	vld [tilespmem:s31+$0x600]  }
0x38a: {  	v63 =	vld [tilespmem:s31+$0x680]  }
0x38b: {  	v18 =	vld [tilespmem:s31+$0x700]  }
0x38c: {  	v19 =	vld [tilespmem:s31+$0x780]  }
0x38d: {  	v4 =	vsel vm0, v4, v5;
	v5 =	vld [tilespmem:s31+$0xFFFFF880]  }
0x38e: {  	v4 =	vsel vm1, v4, v6;
	v6 =	vld [tilespmem:s31+$0xFFFFF800]  }
0x38f: {  	v4 =	vsel vm2, v4, v7;
	v7 =	vld [tilespmem:s31+$0xFFFFF900]  }
0x390: {  	v4 =	vsel vm3, v4, v8;
	v8 =	vld [tilespmem:s31+$0xFFFFF980]  }
0x391: {  	v4 =	vsel vm4, v4, v9;
	v9 =	vld [tilespmem:s31+$0xFFFFFA00]  }
0x392: {  	v4 =	vsel vm5, v4, v10;
	v10 =	vld [tilespmem:s31+$0xFFFFFA80]  }
0x393: {  	v4 =	vsel vm6, v4, v11;
	v5 =	vsel vm0, v6, v5;
	v6 =	vld [tilespmem:s31+$0xFFFFFB00]  }
0x394: {  	v4 =	vsel vm7, v4, v58;
	v5 =	vsel vm1, v5, v7;
	v7 =	vld [tilespmem:s31+$0xFFFFFB80]  }
0x395: {  	v4 =	vsel vm8, v4, v59;
	v5 =	vsel vm2, v5, v8;
	v8 =	vld [tilespmem:s31+$0xFFFFFC00]  }
0x396: {  	v4 =	vsel vm9, v4, v60;
	v5 =	vsel vm3, v5, v9;
	v9 =	vld [tilespmem:s31+$0xFFFFFC80]  }
0x397: {  	v4 =	vsel vm10, v4, v61;
	v5 =	vsel vm4, v5, v10;
	v10 =	vld [tilespmem:s31+$0xFFFFFD00]  }
0x398: {  	v11 =	vsel vm11, v4, v62;
	v5 =	vsel vm5, v5, v6;
	v4 =	vld [tilespmem:s31+$0xFFFFFD80]  }
0x399: {  	v6 =	vsel vm12, v11, v63;
	v7 =	vsel vm6, v5, v7;
	v5 =	vld [tilespmem:s31+$0xFFFFFE00]  }
0x39a: {  	v11 =	vsel vm13, v6, v18;
	v7 =	vsel vm7, v7, v8;
	v6 =	vld [tilespmem:s31+$0xFFFFFE80]  }
0x39b: {  	v8 =	vsel vm14, v11, v19;
	v9 =	vsel vm8, v7, v9;
	v7 =	vld [tilespmem:s31+$0xFFFFFF00]  }
0x39c: {  	s25 =	simm.s32 $0x0;
	s26 =	simm.s32 $0x19C00;
	[tilespmem:s24+$0x0] =	vst v8;
	v9 =	vsel vm9, v9, v10;
	v8 =	vld [tilespmem:s31+$0xFFFFFF80]  }
.LBB2_16:
0x39d: {  	v10 =	vld [tilespmem:s26+$0x0];
	v4 =	vsel vm10, v9, v4  }
0x39e: {  	s25 =	sadd.s32 $0x2, s25;
	v9 =	vld [tilespmem:s26+$0x80];
	v4 =	vsel vm11, v4, v5  }
0x39f: {  	p0 =	slt.u32 s25, $0x6;
	v5 =	vld [tilespmem:s26+$0x100];
	v4 =	vsel vm12, v4, v6  }
0x3a0: {  	v6 =	vld [tilespmem:s26+$0x180];
	v4 =	vsel vm13, v4, v7  }
0x3a1: {  	v7 =	vld [tilespmem:s26+$0x200];
	v4 =	vsel vm14, v4, v8  }
0x3a2: {  	v8 =	vld [tilespmem:s26+$0x280];
	[tilespmem:s24+$0xFFFFFFF0] =	vst v4  }
0x3a3: {  	v4 =	vsel vm0, v10, v9;
	v9 =	vld [tilespmem:s26+$0x300]  }
0x3a4: {  	v4 =	vsel vm1, v4, v5;
	v5 =	vld [tilespmem:s26+$0x380]  }
0x3a5: {  	v4 =	vsel vm2, v4, v6;
	v6 =	vld [tilespmem:s26+$0x400]  }
0x3a6: {  	v4 =	vsel vm3, v4, v7;
	v7 =	vld [tilespmem:s26+$0x480]  }
0x3a7: {  	v4 =	vsel vm4, v4, v8;
	v8 =	vld [tilespmem:s26+$0x500]  }
0x3a8: {  	v4 =	vsel vm5, v4, v9;
	v9 =	vld [tilespmem:s26+$0x580]  }
0x3a9: {  	v4 =	vsel vm6, v4, v5;
	v5 =	vld [tilespmem:s26+$0x600]  }
0x3aa: {  	v4 =	vsel vm7, v4, v6;
	v6 =	vld [tilespmem:s26+$0x680]  }
0x3ab: {  	v4 =	vsel vm8, v4, v7;
	v7 =	vld [tilespmem:s26+$0x700]  }
0x3ac: {  	v4 =	vsel vm9, v4, v8;
	v8 =	vld [tilespmem:s26+$0x780]  }
0x3ad: {  	v10 =	vld [tilespmem:s26+$0xFFFFF880];
	v4 =	vsel vm10, v4, v9  }
0x3ae: {  	v9 =	vld [tilespmem:s26+$0xFFFFF800];
	v4 =	vsel vm11, v4, v5  }
0x3af: {  	v5 =	vld [tilespmem:s26+$0xFFFFF900];
	v4 =	vsel vm12, v4, v6  }
0x3b0: {  	v6 =	vld [tilespmem:s26+$0xFFFFF980];
	v4 =	vsel vm13, v4, v7  }
0x3b1: {  	s24 =	sadd.s32 $0x20, s24;
	v7 =	vld [tilespmem:s26+$0xFFFFFA00];
	v4 =	vsel vm14, v4, v8  }
0x3b2: {  	v8 =	vld [tilespmem:s26+$0xFFFFFA80];
	[tilespmem:s24+$0x0] =	vst v4  }
0x3b3: {  	v4 =	vsel vm0, v9, v10;
	v9 =	vld [tilespmem:s26+$0xFFFFFB00]  }
0x3b4: {  	v4 =	vsel vm1, v4, v5;
	v5 =	vld [tilespmem:s26+$0xFFFFFB80]  }
0x3b5: {  	v4 =	vsel vm2, v4, v6;
	v6 =	vld [tilespmem:s26+$0xFFFFFC00]  }
0x3b6: {  	v4 =	vsel vm3, v4, v7;
	v7 =	vld [tilespmem:s26+$0xFFFFFC80]  }
0x3b7: {  	v4 =	vsel vm4, v4, v8;
	v8 =	vld [tilespmem:s26+$0xFFFFFD00]  }
.Ltmp7:
0x3b8: {  	v9 =	vsel vm5, v4, v9;
	v4 =	vld [tilespmem:s26+$0xFFFFFD80];
	(pc) =	sbr.rel @p0 .LBB2_16-.Ltmp7, $4  }
0x3b9: {  	v9 =	vsel vm6, v9, v5;
	v5 =	vld [tilespmem:s26+$0xFFFFFE00]  }
0x3ba: {  	v9 =	vsel vm7, v9, v6;
	v6 =	vld [tilespmem:s26+$0xFFFFFE80]  }
0x3bb: {  	v9 =	vsel vm8, v9, v7;
	v7 =	vld [tilespmem:s26+$0xFFFFFF00]  }
0x3bc: {  	v9 =	vsel vm9, v9, v8;
	v8 =	vld [tilespmem:s26+$0xFFFFFF80];
	s26 =	sadd.s32 $0x1000, s26  }
0x3bd: {  	v4 =	vsel vm10, v9, v4  }
0x3be: {  	v4 =	vsel vm11, v4, v5  }
0x3bf: {  	v4 =	vsel vm12, v4, v6  }
0x3c0: {  	v4 =	vsel vm13, v4, v7  }
0x3c1: {  	v4 =	vsel vm14, v4, v8  }
0x3c2: {  	[tilespmem:s24+$0xFFFFFFF0] =	vst v4  }
0x3c3: {  	[hbm4b:s12+s3] =	stream.linear.scatter [tilespmem:s21], [sflag:$0x1], $0x80, $0x38;
	[tilespmem:$0x1C600] =	vst v63  }
0x3c4: {  	_ =	swait.ge [sflag:s17], $0x80  }
0x3c5: {  	[sflag:s17] =	ssyncset.done $0x0  }
0x3c6: {  	[sflag:s17] =	ssyncadd.s32 $0xFFFFFF80  }
0x3c7: {  	_ =	swait.ge [sflag:s17], $0x80  }
0x3c8: {  	[sflag:s17] =	ssyncset.done $0x0  }
0x3c9: {  	s23 =	sadd.s32 $0x1, s23;
	[sflag:s17] =	ssyncadd.s32 $0xFFFFFF80  }
0x3ca: {  	p0 =	sne.s32 s23, s13;
	_ =	swait.ge [sflag:s17], $0x80  }
.Ltmp8:
0x3cb: {  	[sflag:s17] =	ssyncset.done $0x0;
	(pc) =	sbr.rel @p0 .LBB2_1-.Ltmp8, $4  }
0x3cc: {  	[sflag:s17] =	ssyncadd.s32 $0xFFFFFF80  }
0x3cd: {  	_ =	swait.ge [sflag:s17], $0x80  }
0x3ce: {  	[sflag:s17] =	ssyncset.done $0x0  }
0x3cf: {  	[sflag:s17] =	ssyncadd.s32 $0xFFFFFF80  }
0x3d0: {  	_ =	sfence.sel $0x180000  }
0x3d1: {  	[bflag:$0x0] =	sbarrier.arrive $0xFFFF  }
0x3d2: {  	_ =	strace $0x90000047  }
0x3d3: {  	s0 =	stileid.u32;
	[bflag:$0x2] =	sbarrier.arrive $0xFFFF  }
0x3d4: {  	p0 =	sne.s32 s0, $0x0;
	s0 =	rddreg [dreg:$0x5]  }
0x3d5: {  	s0 =	sadd.s32 @!p0 $0x100000, s0  }
0x3d6: {  	[sflag:s0] =	ssyncadd.tile.s32 @!p0 $0x1;
	_ =	shalt  }
.Lfunc_end2:
_tile_overlayer_lowered:
.L_overlay_start_2:
0x3d7: {  	(tag) =	ssettag $0x2  }
0x3d8: {  	s0 =	rddreg [dreg:$0x0];
	s2 =	stileid.u32  }
0x3d9: {  	s1 =	rddreg [dreg:$0x1];
	p0 =	sne.s32 s2, $0x0  }
0x3da: {  	s3 =	rddreg [dreg:$0x2];
	[bflag:$0x3] =	sbarrier.arrive $0xFFFF;
	s2 =	simm.s32 @!p0 $0x1C05  }
0x3db: {  	[timem:s3], [sflag:s2] =	dma.local @!p0 [hbm:s0], s1  }
0x3dc: {  	s0 =	simm.s32 @!p0 $0x5  }
0x3dd: {  	_ =	swait.ge @!p0 [sflag:s0], s1  }
0x3de: {  	s1 =	ssub.s32 @!p0 $0x0, s1;
	[sflag:s0] =	ssyncset.done @!p0 $0x0  }
0x3df: {  	[sflag:s0] =	ssyncadd.s32 @!p0 s1  }
0x3e0: {  	[bflag:$0x3] =	sbarrier.arrive $0xFFFF  }
0x3e1: {  	_ =	shalt  }

</sc_bundles>
